<compile_context>
chip_gen: v7x
topology: tpu7x:2x2x1
jax: 0.10.2.dev20260603
libtpu: 0.0.44.dev20260713+nightly
codegen_flags: <defaults>
</compile_context>

<pallas_src>
import functools
import math

import jax
import jax.numpy as jnp
from jax import lax
from jax.experimental import pallas as pl
from jax.experimental.pallas import tpu as pltpu
from jax.experimental.pallas import tpu_sc as plsc

N = 10000
NP = 10240
E = 320000
CH = 128
NC = 2
NS = 16
NW = NC * NS
ROWS_W = NP // NS
EPCH = 2560
EP = EPCH * CH
TRIPS = EPCH // NW
HALF = TRIPS // 2
NSLOT = 2

BN_SCALE = 1.0 / math.sqrt(1.0 + 1e-5)

_MESH = plsc.VectorSubcoreMesh(core_axis_name="c", subcore_axis_name="s")



@functools.partial(
    pl.kernel,
    mesh=_MESH,
    out_type=jax.ShapeDtypeStruct((2 * NP,), jnp.float32),
    scratch_types=[
        pltpu.VMEM((TRIPS, CH), jnp.int32),
        pltpu.VMEM((CH,), jnp.float32),
        pltpu.VMEM_SHARED((NP,), jnp.float32),
    ],
)
def _deg_sc(dst_hbm, zeros_hbm, ones_hbm, out_hbm, didx, ones_v, acc_sh):
    c = lax.axis_index("c")
    s = lax.axis_index("s")
    w = s * NC + c
    pltpu.sync_copy(zeros_hbm.at[pl.ds(s * ROWS_W, ROWS_W)],
                    acc_sh.at[pl.ds(s * ROWS_W, ROWS_W)])
    pltpu.sync_copy(ones_hbm, ones_v)
    pltpu.sync_copy(dst_hbm.at[pl.ds(w * TRIPS, TRIPS)], didx)
    plsc.subcore_barrier()

    def body(j, carry):
        pltpu.sync_copy(ones_v, acc_sh.at[didx.at[j]], add=True)
        return carry

    lax.fori_loop(0, TRIPS, body, 0)
    plsc.subcore_barrier()
    pltpu.sync_copy(acc_sh.at[pl.ds(s * ROWS_W, ROWS_W)],
                    out_hbm.at[pl.ds(c * NP + s * ROWS_W, ROWS_W)])


def _make_agg(D):
    @functools.partial(
        pl.kernel,
        mesh=_MESH,
        out_type=jax.ShapeDtypeStruct((2 * NP, D), jnp.float32),
        scratch_types=[
            pltpu.VMEM((HALF, CH), jnp.int32),
            pltpu.VMEM((HALF, CH), jnp.int32),
            pltpu.VMEM((CH, D), jnp.float32),
            pltpu.VMEM((CH, D), jnp.float32),
            pltpu.VMEM_SHARED((NP, D), jnp.float32),
            pltpu.SemaphoreType.DMA,
            pltpu.SemaphoreType.DMA,
        ],
    )
    def agg(hs_hbm, src_hbm, dst_hbm, zeros_hbm, out_hbm,
            sidx, didx, buf0, buf1, acc_sh, gsem0, gsem1):
        c = lax.axis_index("c")
        s = lax.axis_index("s")
        w = s * NC + c
        pltpu.sync_copy(zeros_hbm.at[pl.ds(s * ROWS_W, ROWS_W)],
                        acc_sh.at[pl.ds(s * ROWS_W, ROWS_W)])
        plsc.subcore_barrier()

        for h in range(2):
            pltpu.sync_copy(src_hbm.at[pl.ds(w * TRIPS + h * HALF, HALF)], sidx)
            pltpu.sync_copy(dst_hbm.at[pl.ds(w * TRIPS + h * HALF, HALF)], didx)
            pltpu.async_copy(hs_hbm.at[sidx.at[0]], buf0, gsem0)

            def body(i, carry):
                c0 = 2 * i
                c1 = 2 * i + 1
                d1 = pltpu.async_copy(hs_hbm.at[sidx.at[c1]], buf1, gsem1)
                pltpu.make_async_copy(hs_hbm.at[sidx.at[c0]], buf0, gsem0).wait()
                pltpu.sync_copy(buf0, acc_sh.at[didx.at[c0]], add=True)

                @pl.when(i < HALF // 2 - 1)
                def _():
                    pltpu.async_copy(hs_hbm.at[sidx.at[c0 + 2]], buf0, gsem0)

                d1.wait()
                pltpu.sync_copy(buf1, acc_sh.at[didx.at[c1]], add=True)
                return carry

            lax.fori_loop(0, HALF // 2, body, 0)
        plsc.subcore_barrier()
        pltpu.sync_copy(acc_sh.at[pl.ds(s * ROWS_W, ROWS_W)],
                        out_hbm.at[pl.ds(c * NP + s * ROWS_W, ROWS_W)])

    return agg


_agg128 = _make_agg(128)



_BLK = 640
_GRID = NP // _BLK


def _row_spec(d):
    return pl.BlockSpec((_BLK, d), lambda i: (i, 0))


def _hi_spec(d):
    return pl.BlockSpec((_BLK, d), lambda i: (i + _GRID, 0))


def _full_spec(r, d):
    return pl.BlockSpec((r, d), lambda i: (0, 0))


def _t0_body(d0_ref, d1_ref, x_ref, w_ref, hs_ref, dinv_ref):
    deg = d0_ref[...] + d1_ref[...] + 1.0
    dv = jnp.where(deg > 0, lax.rsqrt(deg), 0.0)
    h = jnp.dot(x_ref[...], w_ref[...], preferred_element_type=jnp.float32)
    hs_ref[...] = h * dv
    dinv_ref[...] = dv


def _t0(degpair, xp, W1):
    return pl.pallas_call(
        _t0_body,
        grid=(_GRID,),
        in_specs=[_row_spec(1), _hi_spec(1), _row_spec(128), _full_spec(128, 128)],
        out_specs=[_row_spec(128), _row_spec(1)],
        out_shape=[jax.ShapeDtypeStruct((NP, 128), jnp.float32),
                   jax.ShapeDtypeStruct((NP, 1), jnp.float32)],
    )(degpair, degpair, xp, W1)


def _t1_body(y0_ref, y1_ref, hs_ref, dinv_ref, b_ref, g_ref, be_ref, w_ref, out_ref):
    dv = dinv_ref[...]
    h = dv * (y0_ref[...] + y1_ref[...] + hs_ref[...]) + b_ref[...]
    t = h * (g_ref[...] * BN_SCALE) + be_ref[...]
    r = jnp.maximum(t, 0.0)
    out_ref[...] = dv * jnp.dot(r, w_ref[...], preferred_element_type=jnp.float32)


def _t1(y, hs, dinv, b, g, be, W):
    return pl.pallas_call(
        _t1_body,
        grid=(_GRID,),
        in_specs=[_row_spec(128), _hi_spec(128), _row_spec(128), _row_spec(1),
                  _full_spec(1, 128), _full_spec(1, 128), _full_spec(1, 128),
                  _full_spec(128, 128)],
        out_specs=_row_spec(128),
        out_shape=jax.ShapeDtypeStruct((NP, 128), jnp.float32),
    )(y, y, hs, dinv, b, g, be, W)


def _t1b_body(y0_ref, y1_ref, hs_ref, dinv_ref, b_ref, g_ref, be_ref, out_ref):
    dv = dinv_ref[...]
    h = dv * (y0_ref[...] + y1_ref[...] + hs_ref[...]) + b_ref[...]
    t = h * (g_ref[...] * BN_SCALE) + be_ref[...]
    out_ref[...] = dv * jnp.maximum(t, 0.0)


def _t1b(y, hs, dinv, b, g, be):
    return pl.pallas_call(
        _t1b_body,
        grid=(_GRID,),
        in_specs=[_row_spec(128), _hi_spec(128), _row_spec(128), _row_spec(1),
                  _full_spec(1, 128), _full_spec(1, 128), _full_spec(1, 128)],
        out_specs=_row_spec(128),
        out_shape=jax.ShapeDtypeStruct((NP, 128), jnp.float32),
    )(y, y, hs, dinv, b, g, be)


def _t2_body(y0_ref, y1_ref, hs_ref, dinv_ref, w3_ref, b3_ref, wv_ref, bv_ref,
             ow_ref, ob_ref, out_ref):
    dv = dinv_ref[...]
    z = dv * (y0_ref[...] + y1_ref[...] + hs_ref[...])
    h3 = jnp.dot(z, w3_ref[...], preferred_element_type=jnp.float32) + b3_ref[...]
    t = lax.dot_general(h3, wv_ref[...], (((1,), (1,)), ((), ())),
                        preferred_element_type=jnp.float32) + bv_ref[...]
    a = lax.dot_general(t, ow_ref[...], (((1,), (1,)), ((), ())),
                        preferred_element_type=jnp.float32) + ob_ref[...]
    out_ref[...] = h3 + a


def _t2(y, hs, dinv, w3, b3, wv, bv, ow, ob):
    return pl.pallas_call(
        _t2_body,
        grid=(_GRID,),
        in_specs=[_row_spec(128), _hi_spec(128), _row_spec(128), _row_spec(1),
                  _full_spec(128, 64), _full_spec(1, 64), _full_spec(64, 64),
                  _full_spec(1, 64), _full_spec(64, 64), _full_spec(1, 64)],
        out_specs=_row_spec(64),
        out_shape=jax.ShapeDtypeStruct((NP, 64), jnp.float32),
    )(y, y, hs, dinv, w3, b3, wv, bv, ow, ob)



def kernel(x, edge_index, W1, b1, g1, be1, W2, b2, g2, be2, W3, b3,
           in_w, in_b, out_w, out_b):
    pad_idx = (N + jnp.arange(EP - E, dtype=jnp.int32) % (NP - N))
    src = jnp.concatenate(
        [edge_index[0].astype(jnp.int32), pad_idx]).reshape(EPCH, CH)
    dst = jnp.concatenate(
        [edge_index[1].astype(jnp.int32), pad_idx]).reshape(EPCH, CH)
    xp = jnp.pad(x, ((0, NP - N), (0, 0)))

    zeros1 = jnp.zeros((NP,), jnp.float32)
    zeros128 = jnp.zeros((NP, 128), jnp.float32)
    ones = jnp.ones((CH,), jnp.float32)

    degpair = _deg_sc(dst, zeros1, ones).reshape(2 * NP, 1)

    hs1, dinv = _t0(degpair, xp, W1)

    y = _agg128(hs1, src, dst, zeros128)
    hs2 = _t1(y, hs1, dinv,
              b1.reshape(1, 128), g1.reshape(1, 128), be1.reshape(1, 128), W2)

    y = _agg128(hs2, src, dst, zeros128)
    hs3 = _t1b(y, hs2, dinv,
               b2.reshape(1, 128), g2.reshape(1, 128), be2.reshape(1, 128))

    y3 = _agg128(hs3, src, dst, zeros128)
    out = _t2(y3, hs3, dinv, W3,
              b3.reshape(1, 64), in_w[128:192], in_b[128:192].reshape(1, 64),
              out_w, out_b.reshape(1, 64))
    return out[:N]

# --- scband reference (transcript-rebuilt; emitter-appended) ---
"""Pipeline reference for scband-graph-neural-network-32615981645899 (READ-ONLY COPY).

The authoritative reference and input builder live on the scoring server;
editing this copy changes nothing except your own understanding.
"""

import jax, jax.numpy as jnp
import numpy as np

N_NODES = 10000
N_EDGES = 320000
D_IN = 128
D_HID = 128
D_OUT = 64
N_HEADS = 4


def gcn_conv(x, edge_index, W, b):
    N = x.shape[0]
    loops = jnp.arange(N, dtype=edge_index.dtype)
    src = jnp.concatenate([edge_index[0], loops])
    dst = jnp.concatenate([edge_index[1], loops])
    deg = jnp.zeros((N,), x.dtype).at[dst].add(1.0)
    dinv = jnp.where(deg > 0, 1.0 / jnp.sqrt(deg), 0.0)
    norm = dinv[src] * dinv[dst]
    h = x @ W
    msg = h[src] * norm[:, None]
    out = jnp.zeros((N, h.shape[1]), h.dtype).at[dst].add(msg)
    return out + b


def batch_norm_eval(x, g, be):
    # running_mean=0, running_var=1 (fresh module, eval mode), eps=1e-5
    return g * x / jnp.sqrt(1.0 + 1e-5) + be


def mha_self(x, in_w, in_b, out_w, out_b, num_heads=N_HEADS):
    # Matches nn.MultiheadAttention applied to x.unsqueeze(0):
    # input shape [1, N, E] with batch_first=False => seq_len=1, batch=N
    N, E = x.shape
    dh = E // num_heads
    qkv = x @ in_w.T + in_b
    q, k, v = jnp.split(qkv, 3, axis=-1)
    qh = q.reshape(N, num_heads, dh)
    kh = k.reshape(N, num_heads, dh)
    vh = v.reshape(N, num_heads, dh)
    scores = jnp.sum(qh * kh, axis=-1, keepdims=True) / jnp.sqrt(dh)
    attn = jax.nn.softmax(scores, axis=-1)  # softmax over seq dim of length 1
    out = (attn * vh).reshape(N, E)
    return out @ out_w.T + out_b


def setup_inputs(seed: int = 0) -> dict:
    key = jax.random.key(seed)
    ks = jax.random.split(key, 16)
    x = jax.random.normal(ks[0], (N_NODES, D_IN), dtype=jnp.float32)
    edge_index = jax.random.randint(ks[1], (2, N_EDGES), 0, N_NODES, dtype=jnp.int64)
    W1 = jax.random.normal(ks[2], (D_IN, D_HID), dtype=jnp.float32) * 0.05
    b1 = jnp.zeros((D_HID,), jnp.float32)
    g1 = jnp.ones((D_HID,), jnp.float32)
    be1 = jnp.zeros((D_HID,), jnp.float32)
    W2 = jax.random.normal(ks[3], (D_HID, D_HID), dtype=jnp.float32) * 0.05
    b2 = jnp.zeros((D_HID,), jnp.float32)
    g2 = jnp.ones((D_HID,), jnp.float32)
    be2 = jnp.zeros((D_HID,), jnp.float32)
    W3 = jax.random.normal(ks[4], (D_HID, D_OUT), dtype=jnp.float32) * 0.05
    b3 = jnp.zeros((D_OUT,), jnp.float32)
    in_w = jax.random.normal(ks[5], (3 * D_OUT, D_OUT), dtype=jnp.float32) * 0.05
    in_b = jnp.zeros((3 * D_OUT,), jnp.float32)
    out_w = jax.random.normal(ks[6], (D_OUT, D_OUT), dtype=jnp.float32) * 0.05
    out_b = jnp.zeros((D_OUT,), jnp.float32)
    return {"x": x, "edge_index": edge_index, "W1": W1, "b1": b1, "g1": g1,
            "be1": be1, "W2": W2, "b2": b2, "g2": g2, "be2": be2, "W3": W3,
            "b3": b3, "in_w": in_w, "in_b": in_b, "out_w": out_w, "out_b": out_b}


def reference(x, edge_index, W1, b1, g1, be1, W2, b2, g2, be2, W3, b3, in_w, in_b, out_w, out_b):
    h = gcn_conv(x, edge_index, W1, b1)
    h = batch_norm_eval(h, g1, be1)
    h = jax.nn.relu(h)
    # dropout p=0.2 is identity in eval mode
    h = gcn_conv(h, edge_index, W2, b2)
    h = batch_norm_eval(h, g2, be2)
    h = jax.nn.relu(h)
    h = gcn_conv(h, edge_index, W3, b3)
    a = mha_self(h, in_w, in_b, out_w, out_b)
    return h + a

if __name__ == "__main__":
    import jax
    _d = setup_inputs()
    print(jax.jit(kernel)(*tuple(_d.values())))

</pallas_src>

<mosaic_0001>
#map = affine_map<(d0, d1) -> (0, 0)>
module attributes {stable_mosaic.version = 14 : i64} {
  func.func @agg(%arg0: i32, %arg1: i32, %arg2: memref<10240x128xf32, #tpu.memory_space<hbm>>, %arg3: memref<2560x128xi32, #tpu.memory_space<hbm>>, %arg4: memref<2560x128xi32, #tpu.memory_space<hbm>>, %arg5: memref<10240x128xf32, #tpu.memory_space<hbm>>, %arg6: memref<20480x128xf32, #tpu.memory_space<hbm>>, %arg7: memref<40x128xi32, #tpu.memory_space<vmem>>, %arg8: memref<40x128xi32, #tpu.memory_space<vmem>>, %arg9: memref<128x128xf32, #tpu.memory_space<vmem>>, %arg10: memref<128x128xf32, #tpu.memory_space<vmem>>, %arg11: memref<10240x128xf32, #tpu.memory_space<vmem_shared>>, %arg12: memref<!tpu.dma_semaphore, #tpu.memory_space<semaphore_mem>>, %arg13: memref<!tpu.dma_semaphore, #tpu.memory_space<semaphore_mem>>) attributes {dimension_semantics = [#tpu.dimension_semantics<core_parallel>, #tpu.dimension_semantics<subcore_parallel>], iteration_bounds = array<i64: 2, 16>, scalar_prefetch = 0 : i64, scratch_operands = 7 : i64, tpu.core_type = #tpu.core_type<sc_vector_subcore>, window_params = [{transform_indices = #map}, {transform_indices = #map}, {transform_indices = #map}, {transform_indices = #map}, {transform_indices = #map}]} {
    %mul3A = arith.constant 2 : i32
    %mul3A_0 = arith.muli %arg1, %mul3A : i32
    %add3A = arith.addi %mul3A_0, %arg0 : i32
    %mul3A_1 = arith.constant 640 : i32
    %mul3A_2 = arith.muli %arg1, %mul3A_1 : i32
    %mul3A_3 = arith.constant 640 : i32
    %mul3A_4 = arith.muli %arg1, %mul3A_3 : i32
    "tpu.region"() ({
      %run_scoped3A = tpu.sem_alloc : memref<!tpu.dma_semaphore, #tpu.memory_space<semaphore_mem>>
      %dma_start3A_53 = arith.constant 0 : i32
      %dma_start3A_54 = tpu.memref_slice %arg11[%mul3A_4, %dma_start3A_53] : memref<10240x128xf32, #tpu.memory_space<vmem_shared>> -> memref<640x128xf32, #tpu.memory_space<vmem_shared>>
      %dma_start3A_55 = arith.constant 0 : i32
      %dma_start3A_56 = tpu.memref_slice %arg5[%mul3A_2, %dma_start3A_55] : memref<10240x128xf32, #tpu.memory_space<hbm>> -> memref<640x128xf32, #tpu.memory_space<hbm>>
      tpu.enqueue_dma source(%dma_start3A_56 : memref<640x128xf32, #tpu.memory_space<hbm>>) target(%dma_start3A_54 : memref<640x128xf32, #tpu.memory_space<vmem_shared>>) target_semaphore(%run_scoped3A : memref<!tpu.dma_semaphore, #tpu.memory_space<semaphore_mem>>)
      %dma_wait3A = arith.constant 0 : i32
      %dma_wait3A_57 = tpu.memref_slice %arg11[%mul3A_4, %dma_wait3A] : memref<10240x128xf32, #tpu.memory_space<vmem_shared>> -> memref<640x128xf32, #tpu.memory_space<vmem_shared>>
      %dma_wait3A_58 = arith.constant 0 : i32
      %dma_wait3A_59 = tpu.memref_slice %arg5[%mul3A_2, %dma_wait3A_58] : memref<10240x128xf32, #tpu.memory_space<hbm>> -> memref<640x128xf32, #tpu.memory_space<hbm>>
      tpu.wait_dma2 semaphore(%run_scoped3A : memref<!tpu.dma_semaphore, #tpu.memory_space<semaphore_mem>>) src(%dma_wait3A_59 : memref<640x128xf32, #tpu.memory_space<hbm>>) dst(%dma_wait3A_57 : memref<640x128xf32, #tpu.memory_space<vmem_shared>>)
      tpu.yield
    }) : () -> ()
    %barrier3A = arith.constant 0 : index
    tpu.barrier barrier_id(%barrier3A)
    %mul3A_5 = arith.constant 80 : i32
    %mul3A_6 = arith.muli %add3A, %mul3A_5 : i32
    %add3A_7 = arith.constant 0 : i32
    %add3A_8 = arith.addi %mul3A_6, %add3A_7 : i32
    "tpu.region"() ({
      %run_scoped3A = tpu.sem_alloc : memref<!tpu.dma_semaphore, #tpu.memory_space<semaphore_mem>>
      %dma_start3A_53 = arith.constant 0 : i32
      %dma_start3A_54 = tpu.memref_slice %arg3[%add3A_8, %dma_start3A_53] : memref<2560x128xi32, #tpu.memory_space<hbm>> -> memref<40x128xi32, #tpu.memory_space<hbm>>
      %dma_start3A_55 = arith.constant 0 : i32
      %dma_start3A_56 = tpu.memref_slice %arg3[%add3A_8, %dma_start3A_55] : memref<2560x128xi32, #tpu.memory_space<hbm>> -> memref<40x128xi32, #tpu.memory_space<hbm>>
      tpu.enqueue_dma source(%dma_start3A_56 : memref<40x128xi32, #tpu.memory_space<hbm>>) target(%arg7 : memref<40x128xi32, #tpu.memory_space<vmem>>) target_semaphore(%run_scoped3A : memref<!tpu.dma_semaphore, #tpu.memory_space<semaphore_mem>>)
      %dma_wait3A = arith.constant 0 : i32
      %dma_wait3A_57 = tpu.memref_slice %arg3[%add3A_8, %dma_wait3A] : memref<2560x128xi32, #tpu.memory_space<hbm>> -> memref<40x128xi32, #tpu.memory_space<hbm>>
      %dma_wait3A_58 = arith.constant 0 : i32
      %dma_wait3A_59 = tpu.memref_slice %arg3[%add3A_8, %dma_wait3A_58] : memref<2560x128xi32, #tpu.memory_space<hbm>> -> memref<40x128xi32, #tpu.memory_space<hbm>>
      tpu.wait_dma2 semaphore(%run_scoped3A : memref<!tpu.dma_semaphore, #tpu.memory_space<semaphore_mem>>) src(%dma_wait3A_59 : memref<40x128xi32, #tpu.memory_space<hbm>>) dst(%arg7 : memref<40x128xi32, #tpu.memory_space<vmem>>)
      tpu.yield
    }) : () -> ()
    %mul3A_9 = arith.constant 80 : i32
    %mul3A_10 = arith.muli %add3A, %mul3A_9 : i32
    %add3A_11 = arith.constant 0 : i32
    %add3A_12 = arith.addi %mul3A_10, %add3A_11 : i32
    "tpu.region"() ({
      %run_scoped3A = tpu.sem_alloc : memref<!tpu.dma_semaphore, #tpu.memory_space<semaphore_mem>>
      %dma_start3A_53 = arith.constant 0 : i32
      %dma_start3A_54 = tpu.memref_slice %arg4[%add3A_12, %dma_start3A_53] : memref<2560x128xi32, #tpu.memory_space<hbm>> -> memref<40x128xi32, #tpu.memory_space<hbm>>
      %dma_start3A_55 = arith.constant 0 : i32
      %dma_start3A_56 = tpu.memref_slice %arg4[%add3A_12, %dma_start3A_55] : memref<2560x128xi32, #tpu.memory_space<hbm>> -> memref<40x128xi32, #tpu.memory_space<hbm>>
      tpu.enqueue_dma source(%dma_start3A_56 : memref<40x128xi32, #tpu.memory_space<hbm>>) target(%arg8 : memref<40x128xi32, #tpu.memory_space<vmem>>) target_semaphore(%run_scoped3A : memref<!tpu.dma_semaphore, #tpu.memory_space<semaphore_mem>>)
      %dma_wait3A = arith.constant 0 : i32
      %dma_wait3A_57 = tpu.memref_slice %arg4[%add3A_12, %dma_wait3A] : memref<2560x128xi32, #tpu.memory_space<hbm>> -> memref<40x128xi32, #tpu.memory_space<hbm>>
      %dma_wait3A_58 = arith.constant 0 : i32
      %dma_wait3A_59 = tpu.memref_slice %arg4[%add3A_12, %dma_wait3A_58] : memref<2560x128xi32, #tpu.memory_space<hbm>> -> memref<40x128xi32, #tpu.memory_space<hbm>>
      tpu.wait_dma2 semaphore(%run_scoped3A : memref<!tpu.dma_semaphore, #tpu.memory_space<semaphore_mem>>) src(%dma_wait3A_59 : memref<40x128xi32, #tpu.memory_space<hbm>>) dst(%arg8 : memref<40x128xi32, #tpu.memory_space<vmem>>)
      tpu.yield
    }) : () -> ()
    %dma_start3A = arith.constant 0 : i32
    %dma_start3A_13 = arith.constant 0 : i32
    %dma_start3A_14 = tpu.memref_slice %arg7[%dma_start3A, %dma_start3A_13] : memref<40x128xi32, #tpu.memory_space<vmem>> -> memref<1x128xi32, #tpu.memory_space<vmem>>
    %dma_start3A_15 = tpu.memref_squeeze %dma_start3A_14 : memref<1x128xi32, #tpu.memory_space<vmem>> -> memref<128xi32, #tpu.memory_space<vmem>>
    %dma_start3A_16 = arith.constant 0 : i32
    %dma_start3A_17 = arith.constant 0 : i32
    %dma_start3A_18 = tpu.memref_slice %arg2[%dma_start3A_16, %dma_start3A_17] : memref<10240x128xf32, #tpu.memory_space<hbm>> -> memref<10240x128xf32, #tpu.memory_space<hbm>>
    tpu.enqueue_indirect_dma source(%dma_start3A_18 : memref<10240x128xf32, #tpu.memory_space<hbm>>) target(%arg9 : memref<128x128xf32, #tpu.memory_space<vmem>>) offsets(%dma_start3A_15 : memref<128xi32, #tpu.memory_space<vmem>>) semaphore(%arg12 : memref<!tpu.dma_semaphore, #tpu.memory_space<semaphore_mem>>)
    %scan3A = arith.constant 0 : i32
    %scan3A_19 = arith.constant 0 : i32
    %scan3A_20 = arith.constant 20 : i32
    %scan3A_21 = arith.addi %scan3A_19, %scan3A_20 : i32
    %scan3A_22 = arith.constant 1 : i32
    scf.for %scan3A_53 = %scan3A_19 to %scan3A_21 step %scan3A_22  : i32 {
      %mul3A_54 = arith.constant 2 : i32
      %mul3A_55 = arith.muli %mul3A_54, %scan3A_53 : i32
      %mul3A_56 = arith.constant 2 : i32
      %mul3A_57 = arith.muli %mul3A_56, %scan3A_53 : i32
      %add3A_58 = arith.constant 1 : i32
      %add3A_59 = arith.addi %mul3A_57, %add3A_58 : i32
      %dma_start3A_60 = arith.constant 0 : i32
      %dma_start3A_61 = tpu.memref_slice %arg7[%add3A_59, %dma_start3A_60] : memref<40x128xi32, #tpu.memory_space<vmem>> -> memref<1x128xi32, #tpu.memory_space<vmem>>
      %dma_start3A_62 = tpu.memref_squeeze %dma_start3A_61 : memref<1x128xi32, #tpu.memory_space<vmem>> -> memref<128xi32, #tpu.memory_space<vmem>>
      %dma_start3A_63 = arith.constant 0 : i32
      %dma_start3A_64 = arith.constant 0 : i32
      %dma_start3A_65 = tpu.memref_slice %arg2[%dma_start3A_63, %dma_start3A_64] : memref<10240x128xf32, #tpu.memory_space<hbm>> -> memref<10240x128xf32, #tpu.memory_space<hbm>>
      tpu.enqueue_indirect_dma source(%dma_start3A_65 : memref<10240x128xf32, #tpu.memory_space<hbm>>) target(%arg10 : memref<128x128xf32, #tpu.memory_space<vmem>>) offsets(%dma_start3A_62 : memref<128xi32, #tpu.memory_space<vmem>>) semaphore(%arg13 : memref<!tpu.dma_semaphore, #tpu.memory_space<semaphore_mem>>)
      %dma_wait3A = arith.constant 0 : i32
      %dma_wait3A_66 = tpu.memref_slice %arg7[%mul3A_55, %dma_wait3A] : memref<40x128xi32, #tpu.memory_space<vmem>> -> memref<1x128xi32, #tpu.memory_space<vmem>>
      %dma_wait3A_67 = tpu.memref_squeeze %dma_wait3A_66 : memref<1x128xi32, #tpu.memory_space<vmem>> -> memref<128xi32, #tpu.memory_space<vmem>>
      %dma_wait3A_68 = arith.constant 0 : i32
      %dma_wait3A_69 = arith.constant 0 : i32
      %dma_wait3A_70 = tpu.memref_slice %arg2[%dma_wait3A_68, %dma_wait3A_69] : memref<10240x128xf32, #tpu.memory_space<hbm>> -> memref<10240x128xf32, #tpu.memory_space<hbm>>
      tpu.wait_indirect_dma semaphore(%arg12 : memref<!tpu.dma_semaphore, #tpu.memory_space<semaphore_mem>>) src(%dma_wait3A_70 : memref<10240x128xf32, #tpu.memory_space<hbm>>) dst(%arg9 : memref<128x128xf32, #tpu.memory_space<vmem>>)
      "tpu.region"() ({
        %run_scoped3A = tpu.sem_alloc : memref<!tpu.dma_semaphore, #tpu.memory_space<semaphore_mem>>
        %dma_start3A_79 = arith.constant 0 : i32
        %dma_start3A_80 = tpu.memref_slice %arg8[%mul3A_55, %dma_start3A_79] : memref<40x128xi32, #tpu.memory_space<vmem>> -> memref<1x128xi32, #tpu.memory_space<vmem>>
        %dma_start3A_81 = tpu.memref_squeeze %dma_start3A_80 : memref<1x128xi32, #tpu.memory_space<vmem>> -> memref<128xi32, #tpu.memory_space<vmem>>
        %dma_start3A_82 = arith.constant 0 : i32
        %dma_start3A_83 = arith.constant 0 : i32
        %dma_start3A_84 = tpu.memref_slice %arg11[%dma_start3A_82, %dma_start3A_83] : memref<10240x128xf32, #tpu.memory_space<vmem_shared>> -> memref<10240x128xf32, #tpu.memory_space<vmem_shared>>
        tpu.enqueue_indirect_dma source(%arg9 : memref<128x128xf32, #tpu.memory_space<vmem>>) target(%dma_start3A_84 : memref<10240x128xf32, #tpu.memory_space<vmem_shared>>) offsets(%dma_start3A_81 : memref<128xi32, #tpu.memory_space<vmem>>) semaphore(%run_scoped3A : memref<!tpu.dma_semaphore, #tpu.memory_space<semaphore_mem>>) {add = true}
        %dma_wait3A_85 = arith.constant 0 : i32
        %dma_wait3A_86 = tpu.memref_slice %arg8[%mul3A_55, %dma_wait3A_85] : memref<40x128xi32, #tpu.memory_space<vmem>> -> memref<1x128xi32, #tpu.memory_space<vmem>>
        %dma_wait3A_87 = tpu.memref_squeeze %dma_wait3A_86 : memref<1x128xi32, #tpu.memory_space<vmem>> -> memref<128xi32, #tpu.memory_space<vmem>>
        %dma_wait3A_88 = arith.constant 0 : i32
        %dma_wait3A_89 = arith.constant 0 : i32
        %dma_wait3A_90 = tpu.memref_slice %arg11[%dma_wait3A_88, %dma_wait3A_89] : memref<10240x128xf32, #tpu.memory_space<vmem_shared>> -> memref<10240x128xf32, #tpu.memory_space<vmem_shared>>
        tpu.wait_indirect_dma semaphore(%run_scoped3A : memref<!tpu.dma_semaphore, #tpu.memory_space<semaphore_mem>>) src(%arg9 : memref<128x128xf32, #tpu.memory_space<vmem>>) dst(%dma_wait3A_90 : memref<10240x128xf32, #tpu.memory_space<vmem_shared>>)
        tpu.yield
      }) : () -> ()
      %lt3A = arith.constant 19 : i32
      %lt3A_71 = arith.cmpi slt, %scan3A_53, %lt3A : i32
      %convert_element_type3A = arith.extui %lt3A_71 : i1 to i32
      %cond3A = arith.constant 0 : i32
      %cond3A_72 = arith.cmpi ne, %convert_element_type3A, %cond3A : i32
      scf.if %cond3A_72 {
        %add3A_79 = arith.constant 2 : i32
        %add3A_80 = arith.addi %mul3A_55, %add3A_79 : i32
        %dma_start3A_81 = arith.constant 0 : i32
        %dma_start3A_82 = tpu.memref_slice %arg7[%add3A_80, %dma_start3A_81] : memref<40x128xi32, #tpu.memory_space<vmem>> -> memref<1x128xi32, #tpu.memory_space<vmem>>
        %dma_start3A_83 = tpu.memref_squeeze %dma_start3A_82 : memref<1x128xi32, #tpu.memory_space<vmem>> -> memref<128xi32, #tpu.memory_space<vmem>>
        %dma_start3A_84 = arith.constant 0 : i32
        %dma_start3A_85 = arith.constant 0 : i32
        %dma_start3A_86 = tpu.memref_slice %arg2[%dma_start3A_84, %dma_start3A_85] : memref<10240x128xf32, #tpu.memory_space<hbm>> -> memref<10240x128xf32, #tpu.memory_space<hbm>>
        tpu.enqueue_indirect_dma source(%dma_start3A_86 : memref<10240x128xf32, #tpu.memory_space<hbm>>) target(%arg9 : memref<128x128xf32, #tpu.memory_space<vmem>>) offsets(%dma_start3A_83 : memref<128xi32, #tpu.memory_space<vmem>>) semaphore(%arg12 : memref<!tpu.dma_semaphore, #tpu.memory_space<semaphore_mem>>)
      } else {
      }
      %dma_wait3A_73 = arith.constant 0 : i32
      %dma_wait3A_74 = tpu.memref_slice %arg7[%add3A_59, %dma_wait3A_73] : memref<40x128xi32, #tpu.memory_space<vmem>> -> memref<1x128xi32, #tpu.memory_space<vmem>>
      %dma_wait3A_75 = tpu.memref_squeeze %dma_wait3A_74 : memref<1x128xi32, #tpu.memory_space<vmem>> -> memref<128xi32, #tpu.memory_space<vmem>>
      %dma_wait3A_76 = arith.constant 0 : i32
      %dma_wait3A_77 = arith.constant 0 : i32
      %dma_wait3A_78 = tpu.memref_slice %arg2[%dma_wait3A_76, %dma_wait3A_77] : memref<10240x128xf32, #tpu.memory_space<hbm>> -> memref<10240x128xf32, #tpu.memory_space<hbm>>
      tpu.wait_indirect_dma semaphore(%arg13 : memref<!tpu.dma_semaphore, #tpu.memory_space<semaphore_mem>>) src(%dma_wait3A_78 : memref<10240x128xf32, #tpu.memory_space<hbm>>) dst(%arg10 : memref<128x128xf32, #tpu.memory_space<vmem>>)
      "tpu.region"() ({
        %run_scoped3A = tpu.sem_alloc : memref<!tpu.dma_semaphore, #tpu.memory_space<semaphore_mem>>
        %dma_start3A_79 = arith.constant 0 : i32
        %dma_start3A_80 = tpu.memref_slice %arg8[%add3A_59, %dma_start3A_79] : memref<40x128xi32, #tpu.memory_space<vmem>> -> memref<1x128xi32, #tpu.memory_space<vmem>>
        %dma_start3A_81 = tpu.memref_squeeze %dma_start3A_80 : memref<1x128xi32, #tpu.memory_space<vmem>> -> memref<128xi32, #tpu.memory_space<vmem>>
        %dma_start3A_82 = arith.constant 0 : i32
        %dma_start3A_83 = arith.constant 0 : i32
        %dma_start3A_84 = tpu.memref_slice %arg11[%dma_start3A_82, %dma_start3A_83] : memref<10240x128xf32, #tpu.memory_space<vmem_shared>> -> memref<10240x128xf32, #tpu.memory_space<vmem_shared>>
        tpu.enqueue_indirect_dma source(%arg10 : memref<128x128xf32, #tpu.memory_space<vmem>>) target(%dma_start3A_84 : memref<10240x128xf32, #tpu.memory_space<vmem_shared>>) offsets(%dma_start3A_81 : memref<128xi32, #tpu.memory_space<vmem>>) semaphore(%run_scoped3A : memref<!tpu.dma_semaphore, #tpu.memory_space<semaphore_mem>>) {add = true}
        %dma_wait3A_85 = arith.constant 0 : i32
        %dma_wait3A_86 = tpu.memref_slice %arg8[%add3A_59, %dma_wait3A_85] : memref<40x128xi32, #tpu.memory_space<vmem>> -> memref<1x128xi32, #tpu.memory_space<vmem>>
        %dma_wait3A_87 = tpu.memref_squeeze %dma_wait3A_86 : memref<1x128xi32, #tpu.memory_space<vmem>> -> memref<128xi32, #tpu.memory_space<vmem>>
        %dma_wait3A_88 = arith.constant 0 : i32
        %dma_wait3A_89 = arith.constant 0 : i32
        %dma_wait3A_90 = tpu.memref_slice %arg11[%dma_wait3A_88, %dma_wait3A_89] : memref<10240x128xf32, #tpu.memory_space<vmem_shared>> -> memref<10240x128xf32, #tpu.memory_space<vmem_shared>>
        tpu.wait_indirect_dma semaphore(%run_scoped3A : memref<!tpu.dma_semaphore, #tpu.memory_space<semaphore_mem>>) src(%arg10 : memref<128x128xf32, #tpu.memory_space<vmem>>) dst(%dma_wait3A_90 : memref<10240x128xf32, #tpu.memory_space<vmem_shared>>)
        tpu.yield
      }) : () -> ()
    }
    %scan3A_23 = arith.constant 20 : i32
    %mul3A_24 = arith.constant 80 : i32
    %mul3A_25 = arith.muli %add3A, %mul3A_24 : i32
    %add3A_26 = arith.constant 40 : i32
    %add3A_27 = arith.addi %mul3A_25, %add3A_26 : i32
    "tpu.region"() ({
      %run_scoped3A = tpu.sem_alloc : memref<!tpu.dma_semaphore, #tpu.memory_space<semaphore_mem>>
      %dma_start3A_53 = arith.constant 0 : i32
      %dma_start3A_54 = tpu.memref_slice %arg3[%add3A_27, %dma_start3A_53] : memref<2560x128xi32, #tpu.memory_space<hbm>> -> memref<40x128xi32, #tpu.memory_space<hbm>>
      %dma_start3A_55 = arith.constant 0 : i32
      %dma_start3A_56 = tpu.memref_slice %arg3[%add3A_27, %dma_start3A_55] : memref<2560x128xi32, #tpu.memory_space<hbm>> -> memref<40x128xi32, #tpu.memory_space<hbm>>
      tpu.enqueue_dma source(%dma_start3A_56 : memref<40x128xi32, #tpu.memory_space<hbm>>) target(%arg7 : memref<40x128xi32, #tpu.memory_space<vmem>>) target_semaphore(%run_scoped3A : memref<!tpu.dma_semaphore, #tpu.memory_space<semaphore_mem>>)
      %dma_wait3A = arith.constant 0 : i32
      %dma_wait3A_57 = tpu.memref_slice %arg3[%add3A_27, %dma_wait3A] : memref<2560x128xi32, #tpu.memory_space<hbm>> -> memref<40x128xi32, #tpu.memory_space<hbm>>
      %dma_wait3A_58 = arith.constant 0 : i32
      %dma_wait3A_59 = tpu.memref_slice %arg3[%add3A_27, %dma_wait3A_58] : memref<2560x128xi32, #tpu.memory_space<hbm>> -> memref<40x128xi32, #tpu.memory_space<hbm>>
      tpu.wait_dma2 semaphore(%run_scoped3A : memref<!tpu.dma_semaphore, #tpu.memory_space<semaphore_mem>>) src(%dma_wait3A_59 : memref<40x128xi32, #tpu.memory_space<hbm>>) dst(%arg7 : memref<40x128xi32, #tpu.memory_space<vmem>>)
      tpu.yield
    }) : () -> ()
    %mul3A_28 = arith.constant 80 : i32
    %mul3A_29 = arith.muli %add3A, %mul3A_28 : i32
    %add3A_30 = arith.constant 40 : i32
    %add3A_31 = arith.addi %mul3A_29, %add3A_30 : i32
    "tpu.region"() ({
      %run_scoped3A = tpu.sem_alloc : memref<!tpu.dma_semaphore, #tpu.memory_space<semaphore_mem>>
      %dma_start3A_53 = arith.constant 0 : i32
      %dma_start3A_54 = tpu.memref_slice %arg4[%add3A_31, %dma_start3A_53] : memref<2560x128xi32, #tpu.memory_space<hbm>> -> memref<40x128xi32, #tpu.memory_space<hbm>>
      %dma_start3A_55 = arith.constant 0 : i32
      %dma_start3A_56 = tpu.memref_slice %arg4[%add3A_31, %dma_start3A_55] : memref<2560x128xi32, #tpu.memory_space<hbm>> -> memref<40x128xi32, #tpu.memory_space<hbm>>
      tpu.enqueue_dma source(%dma_start3A_56 : memref<40x128xi32, #tpu.memory_space<hbm>>) target(%arg8 : memref<40x128xi32, #tpu.memory_space<vmem>>) target_semaphore(%run_scoped3A : memref<!tpu.dma_semaphore, #tpu.memory_space<semaphore_mem>>)
      %dma_wait3A = arith.constant 0 : i32
      %dma_wait3A_57 = tpu.memref_slice %arg4[%add3A_31, %dma_wait3A] : memref<2560x128xi32, #tpu.memory_space<hbm>> -> memref<40x128xi32, #tpu.memory_space<hbm>>
      %dma_wait3A_58 = arith.constant 0 : i32
      %dma_wait3A_59 = tpu.memref_slice %arg4[%add3A_31, %dma_wait3A_58] : memref<2560x128xi32, #tpu.memory_space<hbm>> -> memref<40x128xi32, #tpu.memory_space<hbm>>
      tpu.wait_dma2 semaphore(%run_scoped3A : memref<!tpu.dma_semaphore, #tpu.memory_space<semaphore_mem>>) src(%dma_wait3A_59 : memref<40x128xi32, #tpu.memory_space<hbm>>) dst(%arg8 : memref<40x128xi32, #tpu.memory_space<vmem>>)
      tpu.yield
    }) : () -> ()
    %dma_start3A_32 = arith.constant 0 : i32
    %dma_start3A_33 = arith.constant 0 : i32
    %dma_start3A_34 = tpu.memref_slice %arg7[%dma_start3A_32, %dma_start3A_33] : memref<40x128xi32, #tpu.memory_space<vmem>> -> memref<1x128xi32, #tpu.memory_space<vmem>>
    %dma_start3A_35 = tpu.memref_squeeze %dma_start3A_34 : memref<1x128xi32, #tpu.memory_space<vmem>> -> memref<128xi32, #tpu.memory_space<vmem>>
    %dma_start3A_36 = arith.constant 0 : i32
    %dma_start3A_37 = arith.constant 0 : i32
    %dma_start3A_38 = tpu.memref_slice %arg2[%dma_start3A_36, %dma_start3A_37] : memref<10240x128xf32, #tpu.memory_space<hbm>> -> memref<10240x128xf32, #tpu.memory_space<hbm>>
    tpu.enqueue_indirect_dma source(%dma_start3A_38 : memref<10240x128xf32, #tpu.memory_space<hbm>>) target(%arg9 : memref<128x128xf32, #tpu.memory_space<vmem>>) offsets(%dma_start3A_35 : memref<128xi32, #tpu.memory_space<vmem>>) semaphore(%arg12 : memref<!tpu.dma_semaphore, #tpu.memory_space<semaphore_mem>>)
    %scan3A_39 = arith.constant 0 : i32
    %scan3A_40 = arith.constant 0 : i32
    %scan3A_41 = arith.constant 20 : i32
    %scan3A_42 = arith.addi %scan3A_40, %scan3A_41 : i32
    %scan3A_43 = arith.constant 1 : i32
    scf.for %scan3A_53 = %scan3A_40 to %scan3A_42 step %scan3A_43  : i32 {
      %mul3A_54 = arith.constant 2 : i32
      %mul3A_55 = arith.muli %mul3A_54, %scan3A_53 : i32
      %mul3A_56 = arith.constant 2 : i32
      %mul3A_57 = arith.muli %mul3A_56, %scan3A_53 : i32
      %add3A_58 = arith.constant 1 : i32
      %add3A_59 = arith.addi %mul3A_57, %add3A_58 : i32
      %dma_start3A_60 = arith.constant 0 : i32
      %dma_start3A_61 = tpu.memref_slice %arg7[%add3A_59, %dma_start3A_60] : memref<40x128xi32, #tpu.memory_space<vmem>> -> memref<1x128xi32, #tpu.memory_space<vmem>>
      %dma_start3A_62 = tpu.memref_squeeze %dma_start3A_61 : memref<1x128xi32, #tpu.memory_space<vmem>> -> memref<128xi32, #tpu.memory_space<vmem>>
      %dma_start3A_63 = arith.constant 0 : i32
      %dma_start3A_64 = arith.constant 0 : i32
      %dma_start3A_65 = tpu.memref_slice %arg2[%dma_start3A_63, %dma_start3A_64] : memref<10240x128xf32, #tpu.memory_space<hbm>> -> memref<10240x128xf32, #tpu.memory_space<hbm>>
      tpu.enqueue_indirect_dma source(%dma_start3A_65 : memref<10240x128xf32, #tpu.memory_space<hbm>>) target(%arg10 : memref<128x128xf32, #tpu.memory_space<vmem>>) offsets(%dma_start3A_62 : memref<128xi32, #tpu.memory_space<vmem>>) semaphore(%arg13 : memref<!tpu.dma_semaphore, #tpu.memory_space<semaphore_mem>>)
      %dma_wait3A = arith.constant 0 : i32
      %dma_wait3A_66 = tpu.memref_slice %arg7[%mul3A_55, %dma_wait3A] : memref<40x128xi32, #tpu.memory_space<vmem>> -> memref<1x128xi32, #tpu.memory_space<vmem>>
      %dma_wait3A_67 = tpu.memref_squeeze %dma_wait3A_66 : memref<1x128xi32, #tpu.memory_space<vmem>> -> memref<128xi32, #tpu.memory_space<vmem>>
      %dma_wait3A_68 = arith.constant 0 : i32
      %dma_wait3A_69 = arith.constant 0 : i32
      %dma_wait3A_70 = tpu.memref_slice %arg2[%dma_wait3A_68, %dma_wait3A_69] : memref<10240x128xf32, #tpu.memory_space<hbm>> -> memref<10240x128xf32, #tpu.memory_space<hbm>>
      tpu.wait_indirect_dma semaphore(%arg12 : memref<!tpu.dma_semaphore, #tpu.memory_space<semaphore_mem>>) src(%dma_wait3A_70 : memref<10240x128xf32, #tpu.memory_space<hbm>>) dst(%arg9 : memref<128x128xf32, #tpu.memory_space<vmem>>)
      "tpu.region"() ({
        %run_scoped3A = tpu.sem_alloc : memref<!tpu.dma_semaphore, #tpu.memory_space<semaphore_mem>>
        %dma_start3A_79 = arith.constant 0 : i32
        %dma_start3A_80 = tpu.memref_slice %arg8[%mul3A_55, %dma_start3A_79] : memref<40x128xi32, #tpu.memory_space<vmem>> -> memref<1x128xi32, #tpu.memory_space<vmem>>
        %dma_start3A_81 = tpu.memref_squeeze %dma_start3A_80 : memref<1x128xi32, #tpu.memory_space<vmem>> -> memref<128xi32, #tpu.memory_space<vmem>>
        %dma_start3A_82 = arith.constant 0 : i32
        %dma_start3A_83 = arith.constant 0 : i32
        %dma_start3A_84 = tpu.memref_slice %arg11[%dma_start3A_82, %dma_start3A_83] : memref<10240x128xf32, #tpu.memory_space<vmem_shared>> -> memref<10240x128xf32, #tpu.memory_space<vmem_shared>>
        tpu.enqueue_indirect_dma source(%arg9 : memref<128x128xf32, #tpu.memory_space<vmem>>) target(%dma_start3A_84 : memref<10240x128xf32, #tpu.memory_space<vmem_shared>>) offsets(%dma_start3A_81 : memref<128xi32, #tpu.memory_space<vmem>>) semaphore(%run_scoped3A : memref<!tpu.dma_semaphore, #tpu.memory_space<semaphore_mem>>) {add = true}
        %dma_wait3A_85 = arith.constant 0 : i32
        %dma_wait3A_86 = tpu.memref_slice %arg8[%mul3A_55, %dma_wait3A_85] : memref<40x128xi32, #tpu.memory_space<vmem>> -> memref<1x128xi32, #tpu.memory_space<vmem>>
        %dma_wait3A_87 = tpu.memref_squeeze %dma_wait3A_86 : memref<1x128xi32, #tpu.memory_space<vmem>> -> memref<128xi32, #tpu.memory_space<vmem>>
        %dma_wait3A_88 = arith.constant 0 : i32
        %dma_wait3A_89 = arith.constant 0 : i32
        %dma_wait3A_90 = tpu.memref_slice %arg11[%dma_wait3A_88, %dma_wait3A_89] : memref<10240x128xf32, #tpu.memory_space<vmem_shared>> -> memref<10240x128xf32, #tpu.memory_space<vmem_shared>>
        tpu.wait_indirect_dma semaphore(%run_scoped3A : memref<!tpu.dma_semaphore, #tpu.memory_space<semaphore_mem>>) src(%arg9 : memref<128x128xf32, #tpu.memory_space<vmem>>) dst(%dma_wait3A_90 : memref<10240x128xf32, #tpu.memory_space<vmem_shared>>)
        tpu.yield
      }) : () -> ()
      %lt3A = arith.constant 19 : i32
      %lt3A_71 = arith.cmpi slt, %scan3A_53, %lt3A : i32
      %convert_element_type3A = arith.extui %lt3A_71 : i1 to i32
      %cond3A = arith.constant 0 : i32
      %cond3A_72 = arith.cmpi ne, %convert_element_type3A, %cond3A : i32
      scf.if %cond3A_72 {
        %add3A_79 = arith.constant 2 : i32
        %add3A_80 = arith.addi %mul3A_55, %add3A_79 : i32
        %dma_start3A_81 = arith.constant 0 : i32
        %dma_start3A_82 = tpu.memref_slice %arg7[%add3A_80, %dma_start3A_81] : memref<40x128xi32, #tpu.memory_space<vmem>> -> memref<1x128xi32, #tpu.memory_space<vmem>>
        %dma_start3A_83 = tpu.memref_squeeze %dma_start3A_82 : memref<1x128xi32, #tpu.memory_space<vmem>> -> memref<128xi32, #tpu.memory_space<vmem>>
        %dma_start3A_84 = arith.constant 0 : i32
        %dma_start3A_85 = arith.constant 0 : i32
        %dma_start3A_86 = tpu.memref_slice %arg2[%dma_start3A_84, %dma_start3A_85] : memref<10240x128xf32, #tpu.memory_space<hbm>> -> memref<10240x128xf32, #tpu.memory_space<hbm>>
        tpu.enqueue_indirect_dma source(%dma_start3A_86 : memref<10240x128xf32, #tpu.memory_space<hbm>>) target(%arg9 : memref<128x128xf32, #tpu.memory_space<vmem>>) offsets(%dma_start3A_83 : memref<128xi32, #tpu.memory_space<vmem>>) semaphore(%arg12 : memref<!tpu.dma_semaphore, #tpu.memory_space<semaphore_mem>>)
      } else {
      }
      %dma_wait3A_73 = arith.constant 0 : i32
      %dma_wait3A_74 = tpu.memref_slice %arg7[%add3A_59, %dma_wait3A_73] : memref<40x128xi32, #tpu.memory_space<vmem>> -> memref<1x128xi32, #tpu.memory_space<vmem>>
      %dma_wait3A_75 = tpu.memref_squeeze %dma_wait3A_74 : memref<1x128xi32, #tpu.memory_space<vmem>> -> memref<128xi32, #tpu.memory_space<vmem>>
      %dma_wait3A_76 = arith.constant 0 : i32
      %dma_wait3A_77 = arith.constant 0 : i32
      %dma_wait3A_78 = tpu.memref_slice %arg2[%dma_wait3A_76, %dma_wait3A_77] : memref<10240x128xf32, #tpu.memory_space<hbm>> -> memref<10240x128xf32, #tpu.memory_space<hbm>>
      tpu.wait_indirect_dma semaphore(%arg13 : memref<!tpu.dma_semaphore, #tpu.memory_space<semaphore_mem>>) src(%dma_wait3A_78 : memref<10240x128xf32, #tpu.memory_space<hbm>>) dst(%arg10 : memref<128x128xf32, #tpu.memory_space<vmem>>)
      "tpu.region"() ({
        %run_scoped3A = tpu.sem_alloc : memref<!tpu.dma_semaphore, #tpu.memory_space<semaphore_mem>>
        %dma_start3A_79 = arith.constant 0 : i32
        %dma_start3A_80 = tpu.memref_slice %arg8[%add3A_59, %dma_start3A_79] : memref<40x128xi32, #tpu.memory_space<vmem>> -> memref<1x128xi32, #tpu.memory_space<vmem>>
        %dma_start3A_81 = tpu.memref_squeeze %dma_start3A_80 : memref<1x128xi32, #tpu.memory_space<vmem>> -> memref<128xi32, #tpu.memory_space<vmem>>
        %dma_start3A_82 = arith.constant 0 : i32
        %dma_start3A_83 = arith.constant 0 : i32
        %dma_start3A_84 = tpu.memref_slice %arg11[%dma_start3A_82, %dma_start3A_83] : memref<10240x128xf32, #tpu.memory_space<vmem_shared>> -> memref<10240x128xf32, #tpu.memory_space<vmem_shared>>
        tpu.enqueue_indirect_dma source(%arg10 : memref<128x128xf32, #tpu.memory_space<vmem>>) target(%dma_start3A_84 : memref<10240x128xf32, #tpu.memory_space<vmem_shared>>) offsets(%dma_start3A_81 : memref<128xi32, #tpu.memory_space<vmem>>) semaphore(%run_scoped3A : memref<!tpu.dma_semaphore, #tpu.memory_space<semaphore_mem>>) {add = true}
        %dma_wait3A_85 = arith.constant 0 : i32
        %dma_wait3A_86 = tpu.memref_slice %arg8[%add3A_59, %dma_wait3A_85] : memref<40x128xi32, #tpu.memory_space<vmem>> -> memref<1x128xi32, #tpu.memory_space<vmem>>
        %dma_wait3A_87 = tpu.memref_squeeze %dma_wait3A_86 : memref<1x128xi32, #tpu.memory_space<vmem>> -> memref<128xi32, #tpu.memory_space<vmem>>
        %dma_wait3A_88 = arith.constant 0 : i32
        %dma_wait3A_89 = arith.constant 0 : i32
        %dma_wait3A_90 = tpu.memref_slice %arg11[%dma_wait3A_88, %dma_wait3A_89] : memref<10240x128xf32, #tpu.memory_space<vmem_shared>> -> memref<10240x128xf32, #tpu.memory_space<vmem_shared>>
        tpu.wait_indirect_dma semaphore(%run_scoped3A : memref<!tpu.dma_semaphore, #tpu.memory_space<semaphore_mem>>) src(%arg10 : memref<128x128xf32, #tpu.memory_space<vmem>>) dst(%dma_wait3A_90 : memref<10240x128xf32, #tpu.memory_space<vmem_shared>>)
        tpu.yield
      }) : () -> ()
    }
    %scan3A_44 = arith.constant 20 : i32
    %barrier3A_45 = arith.constant 0 : index
    tpu.barrier barrier_id(%barrier3A_45)
    %mul3A_46 = arith.constant 640 : i32
    %mul3A_47 = arith.muli %arg1, %mul3A_46 : i32
    %mul3A_48 = arith.constant 10240 : i32
    %mul3A_49 = arith.muli %arg0, %mul3A_48 : i32
    %mul3A_50 = arith.constant 640 : i32
    %mul3A_51 = arith.muli %arg1, %mul3A_50 : i32
    %add3A_52 = arith.addi %mul3A_49, %mul3A_51 : i32
    "tpu.region"() ({
      %run_scoped3A = tpu.sem_alloc : memref<!tpu.dma_semaphore, #tpu.memory_space<semaphore_mem>>
      %dma_start3A_53 = arith.constant 0 : i32
      %dma_start3A_54 = tpu.memref_slice %arg6[%add3A_52, %dma_start3A_53] : memref<20480x128xf32, #tpu.memory_space<hbm>> -> memref<640x128xf32, #tpu.memory_space<hbm>>
      %dma_start3A_55 = arith.constant 0 : i32
      %dma_start3A_56 = tpu.memref_slice %arg11[%mul3A_47, %dma_start3A_55] : memref<10240x128xf32, #tpu.memory_space<vmem_shared>> -> memref<640x128xf32, #tpu.memory_space<vmem_shared>>
      tpu.enqueue_dma source(%dma_start3A_56 : memref<640x128xf32, #tpu.memory_space<vmem_shared>>) target(%dma_start3A_54 : memref<640x128xf32, #tpu.memory_space<hbm>>) target_semaphore(%run_scoped3A : memref<!tpu.dma_semaphore, #tpu.memory_space<semaphore_mem>>)
      %dma_wait3A = arith.constant 0 : i32
      %dma_wait3A_57 = tpu.memref_slice %arg6[%add3A_52, %dma_wait3A] : memref<20480x128xf32, #tpu.memory_space<hbm>> -> memref<640x128xf32, #tpu.memory_space<hbm>>
      %dma_wait3A_58 = arith.constant 0 : i32
      %dma_wait3A_59 = tpu.memref_slice %arg11[%mul3A_47, %dma_wait3A_58] : memref<10240x128xf32, #tpu.memory_space<vmem_shared>> -> memref<640x128xf32, #tpu.memory_space<vmem_shared>>
      tpu.wait_dma2 semaphore(%run_scoped3A : memref<!tpu.dma_semaphore, #tpu.memory_space<semaphore_mem>>) src(%dma_wait3A_59 : memref<640x128xf32, #tpu.memory_space<vmem_shared>>) dst(%dma_wait3A_57 : memref<640x128xf32, #tpu.memory_space<hbm>>)
      tpu.yield
    }) : () -> ()
    return
  }
}

#map = affine_map<(d0, d1) -> (0, 0)>
module attributes {stable_mosaic.version = 14 : i64} {
  func.func @agg(%arg0: i32, %arg1: i32, %arg2: memref<10240x128xf32, #tpu.memory_space<hbm>>, %arg3: memref<2560x128xi32, #tpu.memory_space<hbm>>, %arg4: memref<2560x128xi32, #tpu.memory_space<hbm>>, %arg5: memref<10240x128xf32, #tpu.memory_space<hbm>>, %arg6: memref<20480x128xf32, #tpu.memory_space<hbm>>, %arg7: memref<40x128xi32, #tpu.memory_space<vmem>>, %arg8: memref<40x128xi32, #tpu.memory_space<vmem>>, %arg9: memref<128x128xf32, #tpu.memory_space<vmem>>, %arg10: memref<128x128xf32, #tpu.memory_space<vmem>>, %arg11: memref<10240x128xf32, #tpu.memory_space<vmem_shared>>, %arg12: memref<!tpu.dma_semaphore, #tpu.memory_space<semaphore_mem>>, %arg13: memref<!tpu.dma_semaphore, #tpu.memory_space<semaphore_mem>>) attributes {dimension_semantics = [#tpu.dimension_semantics<core_parallel>, #tpu.dimension_semantics<subcore_parallel>], iteration_bounds = array<i64: 2, 16>, scalar_prefetch = 0 : i64, scratch_operands = 7 : i64, tpu.core_type = #tpu.core_type<sc_vector_subcore>, window_params = [{transform_indices = #map}, {transform_indices = #map}, {transform_indices = #map}, {transform_indices = #map}, {transform_indices = #map}]} {
    %mul3A = arith.constant 2 : i32
    %mul3A_0 = arith.muli %arg1, %mul3A : i32
    %add3A = arith.addi %mul3A_0, %arg0 : i32
    %mul3A_1 = arith.constant 640 : i32
    %mul3A_2 = arith.muli %arg1, %mul3A_1 : i32
    %mul3A_3 = arith.constant 640 : i32
    %mul3A_4 = arith.muli %arg1, %mul3A_3 : i32
    "tpu.region"() ({
      %run_scoped3A = tpu.sem_alloc : memref<!tpu.dma_semaphore, #tpu.memory_space<semaphore_mem>>
      %dma_start3A_53 = arith.constant 0 : i32
      %dma_start3A_54 = tpu.memref_slice %arg11[%mul3A_4, %dma_start3A_53] : memref<10240x128xf32, #tpu.memory_space<vmem_shared>> -> memref<640x128xf32, #tpu.memory_space<vmem_shared>>
      %dma_start3A_55 = arith.constant 0 : i32
      %dma_start3A_56 = tpu.memref_slice %arg5[%mul3A_2, %dma_start3A_55] : memref<10240x128xf32, #tpu.memory_space<hbm>> -> memref<640x128xf32, #tpu.memory_space<hbm>>
      tpu.enqueue_dma source(%dma_start3A_56 : memref<640x128xf32, #tpu.memory_space<hbm>>) target(%dma_start3A_54 : memref<640x128xf32, #tpu.memory_space<vmem_shared>>) target_semaphore(%run_scoped3A : memref<!tpu.dma_semaphore, #tpu.memory_space<semaphore_mem>>)
      %dma_wait3A = arith.constant 0 : i32
      %dma_wait3A_57 = tpu.memref_slice %arg11[%mul3A_4, %dma_wait3A] : memref<10240x128xf32, #tpu.memory_space<vmem_shared>> -> memref<640x128xf32, #tpu.memory_space<vmem_shared>>
      %dma_wait3A_58 = arith.constant 0 : i32
      %dma_wait3A_59 = tpu.memref_slice %arg5[%mul3A_2, %dma_wait3A_58] : memref<10240x128xf32, #tpu.memory_space<hbm>> -> memref<640x128xf32, #tpu.memory_space<hbm>>
      tpu.wait_dma2 semaphore(%run_scoped3A : memref<!tpu.dma_semaphore, #tpu.memory_space<semaphore_mem>>) src(%dma_wait3A_59 : memref<640x128xf32, #tpu.memory_space<hbm>>) dst(%dma_wait3A_57 : memref<640x128xf32, #tpu.memory_space<vmem_shared>>)
      tpu.yield
    }) : () -> ()
    %barrier3A = arith.constant 0 : index
    tpu.barrier barrier_id(%barrier3A)
    %mul3A_5 = arith.constant 80 : i32
    %mul3A_6 = arith.muli %add3A, %mul3A_5 : i32
    %add3A_7 = arith.constant 0 : i32
    %add3A_8 = arith.addi %mul3A_6, %add3A_7 : i32
    "tpu.region"() ({
      %run_scoped3A = tpu.sem_alloc : memref<!tpu.dma_semaphore, #tpu.memory_space<semaphore_mem>>
      %dma_start3A_53 = arith.constant 0 : i32
      %dma_start3A_54 = tpu.memref_slice %arg3[%add3A_8, %dma_start3A_53] : memref<2560x128xi32, #tpu.memory_space<hbm>> -> memref<40x128xi32, #tpu.memory_space<hbm>>
      %dma_start3A_55 = arith.constant 0 : i32
      %dma_start3A_56 = tpu.memref_slice %arg3[%add3A_8, %dma_start3A_55] : memref<2560x128xi32, #tpu.memory_space<hbm>> -> memref<40x128xi32, #tpu.memory_space<hbm>>
      tpu.enqueue_dma source(%dma_start3A_56 : memref<40x128xi32, #tpu.memory_space<hbm>>) target(%arg7 : memref<40x128xi32, #tpu.memory_space<vmem>>) target_semaphore(%run_scoped3A : memref<!tpu.dma_semaphore, #tpu.memory_space<semaphore_mem>>)
      %dma_wait3A = arith.constant 0 : i32
      %dma_wait3A_57 = tpu.memref_slice %arg3[%add3A_8, %dma_wait3A] : memref<2560x128xi32, #tpu.memory_space<hbm>> -> memref<40x128xi32, #tpu.memory_space<hbm>>
      %dma_wait3A_58 = arith.constant 0 : i32
      %dma_wait3A_59 = tpu.memref_slice %arg3[%add3A_8, %dma_wait3A_58] : memref<2560x128xi32, #tpu.memory_space<hbm>> -> memref<40x128xi32, #tpu.memory_space<hbm>>
      tpu.wait_dma2 semaphore(%run_scoped3A : memref<!tpu.dma_semaphore, #tpu.memory_space<semaphore_mem>>) src(%dma_wait3A_59 : memref<40x128xi32, #tpu.memory_space<hbm>>) dst(%arg7 : memref<40x128xi32, #tpu.memory_space<vmem>>)
      tpu.yield
    }) : () -> ()
    %mul3A_9 = arith.constant 80 : i32
    %mul3A_10 = arith.muli %add3A, %mul3A_9 : i32
    %add3A_11 = arith.constant 0 : i32
    %add3A_12 = arith.addi %mul3A_10, %add3A_11 : i32
    "tpu.region"() ({
      %run_scoped3A = tpu.sem_alloc : memref<!tpu.dma_semaphore, #tpu.memory_space<semaphore_mem>>
      %dma_start3A_53 = arith.constant 0 : i32
      %dma_start3A_54 = tpu.memref_slice %arg4[%add3A_12, %dma_start3A_53] : memref<2560x128xi32, #tpu.memory_space<hbm>> -> memref<40x128xi32, #tpu.memory_space<hbm>>
      %dma_start3A_55 = arith.constant 0 : i32
      %dma_start3A_56 = tpu.memref_slice %arg4[%add3A_12, %dma_start3A_55] : memref<2560x128xi32, #tpu.memory_space<hbm>> -> memref<40x128xi32, #tpu.memory_space<hbm>>
      tpu.enqueue_dma source(%dma_start3A_56 : memref<40x128xi32, #tpu.memory_space<hbm>>) target(%arg8 : memref<40x128xi32, #tpu.memory_space<vmem>>) target_semaphore(%run_scoped3A : memref<!tpu.dma_semaphore, #tpu.memory_space<semaphore_mem>>)
      %dma_wait3A = arith.constant 0 : i32
      %dma_wait3A_57 = tpu.memref_slice %arg4[%add3A_12, %dma_wait3A] : memref<2560x128xi32, #tpu.memory_space<hbm>> -> memref<40x128xi32, #tpu.memory_space<hbm>>
      %dma_wait3A_58 = arith.constant 0 : i32
      %dma_wait3A_59 = tpu.memref_slice %arg4[%add3A_12, %dma_wait3A_58] : memref<2560x128xi32, #tpu.memory_space<hbm>> -> memref<40x128xi32, #tpu.memory_space<hbm>>
      tpu.wait_dma2 semaphore(%run_scoped3A : memref<!tpu.dma_semaphore, #tpu.memory_space<semaphore_mem>>) src(%dma_wait3A_59 : memref<40x128xi32, #tpu.memory_space<hbm>>) dst(%arg8 : memref<40x128xi32, #tpu.memory_space<vmem>>)
      tpu.yield
    }) : () -> ()
    %dma_start3A = arith.constant 0 : i32
    %dma_start3A_13 = arith.constant 0 : i32
    %dma_start3A_14 = tpu.memref_slice %arg7[%dma_start3A, %dma_start3A_13] : memref<40x128xi32, #tpu.memory_space<vmem>> -> memref<1x128xi32, #tpu.memory_space<vmem>>
    %dma_start3A_15 = tpu.memref_squeeze %dma_start3A_14 : memref<1x128xi32, #tpu.memory_space<vmem>> -> memref<128xi32, #tpu.memory_space<vmem>>
    %dma_start3A_16 = arith.constant 0 : i32
    %dma_start3A_17 = arith.constant 0 : i32
    %dma_start3A_18 = tpu.memref_slice %arg2[%dma_start3A_16, %dma_start3A_17] : memref<10240x128xf32, #tpu.memory_space<hbm>> -> memref<10240x128xf32, #tpu.memory_space<hbm>>
    tpu.enqueue_indirect_dma source(%dma_start3A_18 : memref<10240x128xf32, #tpu.memory_space<hbm>>) target(%arg9 : memref<128x128xf32, #tpu.memory_space<vmem>>) offsets(%dma_start3A_15 : memref<128xi32, #tpu.memory_space<vmem>>) semaphore(%arg12 : memref<!tpu.dma_semaphore, #tpu.memory_space<semaphore_mem>>)
    %scan3A = arith.constant 0 : i32
    %scan3A_19 = arith.constant 0 : i32
    %scan3A_20 = arith.constant 20 : i32
    %scan3A_21 = arith.addi %scan3A_19, %scan3A_20 : i32
    %scan3A_22 = arith.constant 1 : i32
    scf.for %scan3A_53 = %scan3A_19 to %scan3A_21 step %scan3A_22  : i32 {
      %mul3A_54 = arith.constant 2 : i32
      %mul3A_55 = arith.muli %mul3A_54, %scan3A_53 : i32
      %mul3A_56 = arith.constant 2 : i32
      %mul3A_57 = arith.muli %mul3A_56, %scan3A_53 : i32
      %add3A_58 = arith.constant 1 : i32
      %add3A_59 = arith.addi %mul3A_57, %add3A_58 : i32
      %dma_start3A_60 = arith.constant 0 : i32
      %dma_start3A_61 = tpu.memref_slice %arg7[%add3A_59, %dma_start3A_60] : memref<40x128xi32, #tpu.memory_space<vmem>> -> memref<1x128xi32, #tpu.memory_space<vmem>>
      %dma_start3A_62 = tpu.memref_squeeze %dma_start3A_61 : memref<1x128xi32, #tpu.memory_space<vmem>> -> memref<128xi32, #tpu.memory_space<vmem>>
      %dma_start3A_63 = arith.constant 0 : i32
      %dma_start3A_64 = arith.constant 0 : i32
      %dma_start3A_65 = tpu.memref_slice %arg2[%dma_start3A_63, %dma_start3A_64] : memref<10240x128xf32, #tpu.memory_space<hbm>> -> memref<10240x128xf32, #tpu.memory_space<hbm>>
      tpu.enqueue_indirect_dma source(%dma_start3A_65 : memref<10240x128xf32, #tpu.memory_space<hbm>>) target(%arg10 : memref<128x128xf32, #tpu.memory_space<vmem>>) offsets(%dma_start3A_62 : memref<128xi32, #tpu.memory_space<vmem>>) semaphore(%arg13 : memref<!tpu.dma_semaphore, #tpu.memory_space<semaphore_mem>>)
      %dma_wait3A = arith.constant 0 : i32
      %dma_wait3A_66 = tpu.memref_slice %arg7[%mul3A_55, %dma_wait3A] : memref<40x128xi32, #tpu.memory_space<vmem>> -> memref<1x128xi32, #tpu.memory_space<vmem>>
      %dma_wait3A_67 = tpu.memref_squeeze %dma_wait3A_66 : memref<1x128xi32, #tpu.memory_space<vmem>> -> memref<128xi32, #tpu.memory_space<vmem>>
      %dma_wait3A_68 = arith.constant 0 : i32
      %dma_wait3A_69 = arith.constant 0 : i32
      %dma_wait3A_70 = tpu.memref_slice %arg2[%dma_wait3A_68, %dma_wait3A_69] : memref<10240x128xf32, #tpu.memory_space<hbm>> -> memref<10240x128xf32, #tpu.memory_space<hbm>>
      tpu.wait_indirect_dma semaphore(%arg12 : memref<!tpu.dma_semaphore, #tpu.memory_space<semaphore_mem>>) src(%dma_wait3A_70 : memref<10240x128xf32, #tpu.memory_space<hbm>>) dst(%arg9 : memref<128x128xf32, #tpu.memory_space<vmem>>)
      "tpu.region"() ({
        %run_scoped3A = tpu.sem_alloc : memref<!tpu.dma_semaphore, #tpu.memory_space<semaphore_mem>>
        %dma_start3A_79 = arith.constant 0 : i32
        %dma_start3A_80 = tpu.memref_slice %arg8[%mul3A_55, %dma_start3A_79] : memref<40x128xi32, #tpu.memory_space<vmem>> -> memref<1x128xi32, #tpu.memory_space<vmem>>
        %dma_start3A_81 = tpu.memref_squeeze %dma_start3A_80 : memref<1x128xi32, #tpu.memory_space<vmem>> -> memref<128xi32, #tpu.memory_space<vmem>>
        %dma_start3A_82 = arith.constant 0 : i32
        %dma_start3A_83 = arith.constant 0 : i32
        %dma_start3A_84 = tpu.memref_slice %arg11[%dma_start3A_82, %dma_start3A_83] : memref<10240x128xf32, #tpu.memory_space<vmem_shared>> -> memref<10240x128xf32, #tpu.memory_space<vmem_shared>>
        tpu.enqueue_indirect_dma source(%arg9 : memref<128x128xf32, #tpu.memory_space<vmem>>) target(%dma_start3A_84 : memref<10240x128xf32, #tpu.memory_space<vmem_shared>>) offsets(%dma_start3A_81 : memref<128xi32, #tpu.memory_space<vmem>>) semaphore(%run_scoped3A : memref<!tpu.dma_semaphore, #tpu.memory_space<semaphore_mem>>) {add = true}
        %dma_wait3A_85 = arith.constant 0 : i32
        %dma_wait3A_86 = tpu.memref_slice %arg8[%mul3A_55, %dma_wait3A_85] : memref<40x128xi32, #tpu.memory_space<vmem>> -> memref<1x128xi32, #tpu.memory_space<vmem>>
        %dma_wait3A_87 = tpu.memref_squeeze %dma_wait3A_86 : memref<1x128xi32, #tpu.memory_space<vmem>> -> memref<128xi32, #tpu.memory_space<vmem>>
        %dma_wait3A_88 = arith.constant 0 : i32
        %dma_wait3A_89 = arith.constant 0 : i32
        %dma_wait3A_90 = tpu.memref_slice %arg11[%dma_wait3A_88, %dma_wait3A_89] : memref<10240x128xf32, #tpu.memory_space<vmem_shared>> -> memref<10240x128xf32, #tpu.memory_space<vmem_shared>>
        tpu.wait_indirect_dma semaphore(%run_scoped3A : memref<!tpu.dma_semaphore, #tpu.memory_space<semaphore_mem>>) src(%arg9 : memref<128x128xf32, #tpu.memory_space<vmem>>) dst(%dma_wait3A_90 : memref<10240x128xf32, #tpu.memory_space<vmem_shared>>)
        tpu.yield
      }) : () -> ()
      %lt3A = arith.constant 19 : i32
      %lt3A_71 = arith.cmpi slt, %scan3A_53, %lt3A : i32
      %convert_element_type3A = arith.extui %lt3A_71 : i1 to i32
      %cond3A = arith.constant 0 : i32
      %cond3A_72 = arith.cmpi ne, %convert_element_type3A, %cond3A : i32
      scf.if %cond3A_72 {
        %add3A_79 = arith.constant 2 : i32
        %add3A_80 = arith.addi %mul3A_55, %add3A_79 : i32
        %dma_start3A_81 = arith.constant 0 : i32
        %dma_start3A_82 = tpu.memref_slice %arg7[%add3A_80, %dma_start3A_81] : memref<40x128xi32, #tpu.memory_space<vmem>> -> memref<1x128xi32, #tpu.memory_space<vmem>>
        %dma_start3A_83 = tpu.memref_squeeze %dma_start3A_82 : memref<1x128xi32, #tpu.memory_space<vmem>> -> memref<128xi32, #tpu.memory_space<vmem>>
        %dma_start3A_84 = arith.constant 0 : i32
        %dma_start3A_85 = arith.constant 0 : i32
        %dma_start3A_86 = tpu.memref_slice %arg2[%dma_start3A_84, %dma_start3A_85] : memref<10240x128xf32, #tpu.memory_space<hbm>> -> memref<10240x128xf32, #tpu.memory_space<hbm>>
        tpu.enqueue_indirect_dma source(%dma_start3A_86 : memref<10240x128xf32, #tpu.memory_space<hbm>>) target(%arg9 : memref<128x128xf32, #tpu.memory_space<vmem>>) offsets(%dma_start3A_83 : memref<128xi32, #tpu.memory_space<vmem>>) semaphore(%arg12 : memref<!tpu.dma_semaphore, #tpu.memory_space<semaphore_mem>>)
      } else {
      }
      %dma_wait3A_73 = arith.constant 0 : i32
      %dma_wait3A_74 = tpu.memref_slice %arg7[%add3A_59, %dma_wait3A_73] : memref<40x128xi32, #tpu.memory_space<vmem>> -> memref<1x128xi32, #tpu.memory_space<vmem>>
      %dma_wait3A_75 = tpu.memref_squeeze %dma_wait3A_74 : memref<1x128xi32, #tpu.memory_space<vmem>> -> memref<128xi32, #tpu.memory_space<vmem>>
      %dma_wait3A_76 = arith.constant 0 : i32
      %dma_wait3A_77 = arith.constant 0 : i32
      %dma_wait3A_78 = tpu.memref_slice %arg2[%dma_wait3A_76, %dma_wait3A_77] : memref<10240x128xf32, #tpu.memory_space<hbm>> -> memref<10240x128xf32, #tpu.memory_space<hbm>>
      tpu.wait_indirect_dma semaphore(%arg13 : memref<!tpu.dma_semaphore, #tpu.memory_space<semaphore_mem>>) src(%dma_wait3A_78 : memref<10240x128xf32, #tpu.memory_space<hbm>>) dst(%arg10 : memref<128x128xf32, #tpu.memory_space<vmem>>)
      "tpu.region"() ({
        %run_scoped3A = tpu.sem_alloc : memref<!tpu.dma_semaphore, #tpu.memory_space<semaphore_mem>>
        %dma_start3A_79 = arith.constant 0 : i32
        %dma_start3A_80 = tpu.memref_slice %arg8[%add3A_59, %dma_start3A_79] : memref<40x128xi32, #tpu.memory_space<vmem>> -> memref<1x128xi32, #tpu.memory_space<vmem>>
        %dma_start3A_81 = tpu.memref_squeeze %dma_start3A_80 : memref<1x128xi32, #tpu.memory_space<vmem>> -> memref<128xi32, #tpu.memory_space<vmem>>
        %dma_start3A_82 = arith.constant 0 : i32
        %dma_start3A_83 = arith.constant 0 : i32
        %dma_start3A_84 = tpu.memref_slice %arg11[%dma_start3A_82, %dma_start3A_83] : memref<10240x128xf32, #tpu.memory_space<vmem_shared>> -> memref<10240x128xf32, #tpu.memory_space<vmem_shared>>
        tpu.enqueue_indirect_dma source(%arg10 : memref<128x128xf32, #tpu.memory_space<vmem>>) target(%dma_start3A_84 : memref<10240x128xf32, #tpu.memory_space<vmem_shared>>) offsets(%dma_start3A_81 : memref<128xi32, #tpu.memory_space<vmem>>) semaphore(%run_scoped3A : memref<!tpu.dma_semaphore, #tpu.memory_space<semaphore_mem>>) {add = true}
        %dma_wait3A_85 = arith.constant 0 : i32
        %dma_wait3A_86 = tpu.memref_slice %arg8[%add3A_59, %dma_wait3A_85] : memref<40x128xi32, #tpu.memory_space<vmem>> -> memref<1x128xi32, #tpu.memory_space<vmem>>
        %dma_wait3A_87 = tpu.memref_squeeze %dma_wait3A_86 : memref<1x128xi32, #tpu.memory_space<vmem>> -> memref<128xi32, #tpu.memory_space<vmem>>
        %dma_wait3A_88 = arith.constant 0 : i32
        %dma_wait3A_89 = arith.constant 0 : i32
        %dma_wait3A_90 = tpu.memref_slice %arg11[%dma_wait3A_88, %dma_wait3A_89] : memref<10240x128xf32, #tpu.memory_space<vmem_shared>> -> memref<10240x128xf32, #tpu.memory_space<vmem_shared>>
        tpu.wait_indirect_dma semaphore(%run_scoped3A : memref<!tpu.dma_semaphore, #tpu.memory_space<semaphore_mem>>) src(%arg10 : memref<128x128xf32, #tpu.memory_space<vmem>>) dst(%dma_wait3A_90 : memref<10240x128xf32, #tpu.memory_space<vmem_shared>>)
        tpu.yield
      }) : () -> ()
    }
    %scan3A_23 = arith.constant 20 : i32
    %mul3A_24 = arith.constant 80 : i32
    %mul3A_25 = arith.muli %add3A, %mul3A_24 : i32
    %add3A_26 = arith.constant 40 : i32
    %add3A_27 = arith.addi %mul3A_25, %add3A_26 : i32
    "tpu.region"() ({
      %run_scoped3A = tpu.sem_alloc : memref<!tpu.dma_semaphore, #tpu.memory_space<semaphore_mem>>
      %dma_start3A_53 = arith.constant 0 : i32
      %dma_start3A_54 = tpu.memref_slice %arg3[%add3A_27, %dma_start3A_53] : memref<2560x128xi32, #tpu.memory_space<hbm>> -> memref<40x128xi32, #tpu.memory_space<hbm>>
      %dma_start3A_55 = arith.constant 0 : i32
      %dma_start3A_56 = tpu.memref_slice %arg3[%add3A_27, %dma_start3A_55] : memref<2560x128xi32, #tpu.memory_space<hbm>> -> memref<40x128xi32, #tpu.memory_space<hbm>>
      tpu.enqueue_dma source(%dma_start3A_56 : memref<40x128xi32, #tpu.memory_space<hbm>>) target(%arg7 : memref<40x128xi32, #tpu.memory_space<vmem>>) target_semaphore(%run_scoped3A : memref<!tpu.dma_semaphore, #tpu.memory_space<semaphore_mem>>)
      %dma_wait3A = arith.constant 0 : i32
      %dma_wait3A_57 = tpu.memref_slice %arg3[%add3A_27, %dma_wait3A] : memref<2560x128xi32, #tpu.memory_space<hbm>> -> memref<40x128xi32, #tpu.memory_space<hbm>>
      %dma_wait3A_58 = arith.constant 0 : i32
      %dma_wait3A_59 = tpu.memref_slice %arg3[%add3A_27, %dma_wait3A_58] : memref<2560x128xi32, #tpu.memory_space<hbm>> -> memref<40x128xi32, #tpu.memory_space<hbm>>
      tpu.wait_dma2 semaphore(%run_scoped3A : memref<!tpu.dma_semaphore, #tpu.memory_space<semaphore_mem>>) src(%dma_wait3A_59 : memref<40x128xi32, #tpu.memory_space<hbm>>) dst(%arg7 : memref<40x128xi32, #tpu.memory_space<vmem>>)
      tpu.yield
    }) : () -> ()
    %mul3A_28 = arith.constant 80 : i32
    %mul3A_29 = arith.muli %add3A, %mul3A_28 : i32
    %add3A_30 = arith.constant 40 : i32
    %add3A_31 = arith.addi %mul3A_29, %add3A_30 : i32
    "tpu.region"() ({
      %run_scoped3A = tpu.sem_alloc : memref<!tpu.dma_semaphore, #tpu.memory_space<semaphore_mem>>
      %dma_start3A_53 = arith.constant 0 : i32
      %dma_start3A_54 = tpu.memref_slice %arg4[%add3A_31, %dma_start3A_53] : memref<2560x128xi32, #tpu.memory_space<hbm>> -> memref<40x128xi32, #tpu.memory_space<hbm>>
      %dma_start3A_55 = arith.constant 0 : i32
      %dma_start3A_56 = tpu.memref_slice %arg4[%add3A_31, %dma_start3A_55] : memref<2560x128xi32, #tpu.memory_space<hbm>> -> memref<40x128xi32, #tpu.memory_space<hbm>>
      tpu.enqueue_dma source(%dma_start3A_56 : memref<40x128xi32, #tpu.memory_space<hbm>>) target(%arg8 : memref<40x128xi32, #tpu.memory_space<vmem>>) target_semaphore(%run_scoped3A : memref<!tpu.dma_semaphore, #tpu.memory_space<semaphore_mem>>)
      %dma_wait3A = arith.constant 0 : i32
      %dma_wait3A_57 = tpu.memref_slice %arg4[%add3A_31, %dma_wait3A] : memref<2560x128xi32, #tpu.memory_space<hbm>> -> memref<40x128xi32, #tpu.memory_space<hbm>>
      %dma_wait3A_58 = arith.constant 0 : i32
      %dma_wait3A_59 = tpu.memref_slice %arg4[%add3A_31, %dma_wait3A_58] : memref<2560x128xi32, #tpu.memory_space<hbm>> -> memref<40x128xi32, #tpu.memory_space<hbm>>
      tpu.wait_dma2 semaphore(%run_scoped3A : memref<!tpu.dma_semaphore, #tpu.memory_space<semaphore_mem>>) src(%dma_wait3A_59 : memref<40x128xi32, #tpu.memory_space<hbm>>) dst(%arg8 : memref<40x128xi32, #tpu.memory_space<vmem>>)
      tpu.yield
    }) : () -> ()
    %dma_start3A_32 = arith.constant 0 : i32
    %dma_start3A_33 = arith.constant 0 : i32
    %dma_start3A_34 = tpu.memref_slice %arg7[%dma_start3A_32, %dma_start3A_33] : memref<40x128xi32, #tpu.memory_space<vmem>> -> memref<1x128xi32, #tpu.memory_space<vmem>>
    %dma_start3A_35 = tpu.memref_squeeze %dma_start3A_34 : memref<1x128xi32, #tpu.memory_space<vmem>> -> memref<128xi32, #tpu.memory_space<vmem>>
    %dma_start3A_36 = arith.constant 0 : i32
    %dma_start3A_37 = arith.constant 0 : i32
    %dma_start3A_38 = tpu.memref_slice %arg2[%dma_start3A_36, %dma_start3A_37] : memref<10240x128xf32, #tpu.memory_space<hbm>> -> memref<10240x128xf32, #tpu.memory_space<hbm>>
    tpu.enqueue_indirect_dma source(%dma_start3A_38 : memref<10240x128xf32, #tpu.memory_space<hbm>>) target(%arg9 : memref<128x128xf32, #tpu.memory_space<vmem>>) offsets(%dma_start3A_35 : memref<128xi32, #tpu.memory_space<vmem>>) semaphore(%arg12 : memref<!tpu.dma_semaphore, #tpu.memory_space<semaphore_mem>>)
    %scan3A_39 = arith.constant 0 : i32
    %scan3A_40 = arith.constant 0 : i32
    %scan3A_41 = arith.constant 20 : i32
    %scan3A_42 = arith.addi %scan3A_40, %scan3A_41 : i32
    %scan3A_43 = arith.constant 1 : i32
    scf.for %scan3A_53 = %scan3A_40 to %scan3A_42 step %scan3A_43  : i32 {
      %mul3A_54 = arith.constant 2 : i32
      %mul3A_55 = arith.muli %mul3A_54, %scan3A_53 : i32
      %mul3A_56 = arith.constant 2 : i32
      %mul3A_57 = arith.muli %mul3A_56, %scan3A_53 : i32
      %add3A_58 = arith.constant 1 : i32
      %add3A_59 = arith.addi %mul3A_57, %add3A_58 : i32
      %dma_start3A_60 = arith.constant 0 : i32
      %dma_start3A_61 = tpu.memref_slice %arg7[%add3A_59, %dma_start3A_60] : memref<40x128xi32, #tpu.memory_space<vmem>> -> memref<1x128xi32, #tpu.memory_space<vmem>>
      %dma_start3A_62 = tpu.memref_squeeze %dma_start3A_61 : memref<1x128xi32, #tpu.memory_space<vmem>> -> memref<128xi32, #tpu.memory_space<vmem>>
      %dma_start3A_63 = arith.constant 0 : i32
      %dma_start3A_64 = arith.constant 0 : i32
      %dma_start3A_65 = tpu.memref_slice %arg2[%dma_start3A_63, %dma_start3A_64] : memref<10240x128xf32, #tpu.memory_space<hbm>> -> memref<10240x128xf32, #tpu.memory_space<hbm>>
      tpu.enqueue_indirect_dma source(%dma_start3A_65 : memref<10240x128xf32, #tpu.memory_space<hbm>>) target(%arg10 : memref<128x128xf32, #tpu.memory_space<vmem>>) offsets(%dma_start3A_62 : memref<128xi32, #tpu.memory_space<vmem>>) semaphore(%arg13 : memref<!tpu.dma_semaphore, #tpu.memory_space<semaphore_mem>>)
      %dma_wait3A = arith.constant 0 : i32
      %dma_wait3A_66 = tpu.memref_slice %arg7[%mul3A_55, %dma_wait3A] : memref<40x128xi32, #tpu.memory_space<vmem>> -> memref<1x128xi32, #tpu.memory_space<vmem>>
      %dma_wait3A_67 = tpu.memref_squeeze %dma_wait3A_66 : memref<1x128xi32, #tpu.memory_space<vmem>> -> memref<128xi32, #tpu.memory_space<vmem>>
      %dma_wait3A_68 = arith.constant 0 : i32
      %dma_wait3A_69 = arith.constant 0 : i32
      %dma_wait3A_70 = tpu.memref_slice %arg2[%dma_wait3A_68, %dma_wait3A_69] : memref<10240x128xf32, #tpu.memory_space<hbm>> -> memref<10240x128xf32, #tpu.memory_space<hbm>>
      tpu.wait_indirect_dma semaphore(%arg12 : memref<!tpu.dma_semaphore, #tpu.memory_space<semaphore_mem>>) src(%dma_wait3A_70 : memref<10240x128xf32, #tpu.memory_space<hbm>>) dst(%arg9 : memref<128x128xf32, #tpu.memory_space<vmem>>)
      "tpu.region"() ({
        %run_scoped3A = tpu.sem_alloc : memref<!tpu.dma_semaphore, #tpu.memory_space<semaphore_mem>>
        %dma_start3A_79 = arith.constant 0 : i32
        %dma_start3A_80 = tpu.memref_slice %arg8[%mul3A_55, %dma_start3A_79] : memref<40x128xi32, #tpu.memory_space<vmem>> -> memref<1x128xi32, #tpu.memory_space<vmem>>
        %dma_start3A_81 = tpu.memref_squeeze %dma_start3A_80 : memref<1x128xi32, #tpu.memory_space<vmem>> -> memref<128xi32, #tpu.memory_space<vmem>>
        %dma_start3A_82 = arith.constant 0 : i32
        %dma_start3A_83 = arith.constant 0 : i32
        %dma_start3A_84 = tpu.memref_slice %arg11[%dma_start3A_82, %dma_start3A_83] : memref<10240x128xf32, #tpu.memory_space<vmem_shared>> -> memref<10240x128xf32, #tpu.memory_space<vmem_shared>>
        tpu.enqueue_indirect_dma source(%arg9 : memref<128x128xf32, #tpu.memory_space<vmem>>) target(%dma_start3A_84 : memref<10240x128xf32, #tpu.memory_space<vmem_shared>>) offsets(%dma_start3A_81 : memref<128xi32, #tpu.memory_space<vmem>>) semaphore(%run_scoped3A : memref<!tpu.dma_semaphore, #tpu.memory_space<semaphore_mem>>) {add = true}
        %dma_wait3A_85 = arith.constant 0 : i32
        %dma_wait3A_86 = tpu.memref_slice %arg8[%mul3A_55, %dma_wait3A_85] : memref<40x128xi32, #tpu.memory_space<vmem>> -> memref<1x128xi32, #tpu.memory_space<vmem>>
        %dma_wait3A_87 = tpu.memref_squeeze %dma_wait3A_86 : memref<1x128xi32, #tpu.memory_space<vmem>> -> memref<128xi32, #tpu.memory_space<vmem>>
        %dma_wait3A_88 = arith.constant 0 : i32
        %dma_wait3A_89 = arith.constant 0 : i32
        %dma_wait3A_90 = tpu.memref_slice %arg11[%dma_wait3A_88, %dma_wait3A_89] : memref<10240x128xf32, #tpu.memory_space<vmem_shared>> -> memref<10240x128xf32, #tpu.memory_space<vmem_shared>>
        tpu.wait_indirect_dma semaphore(%run_scoped3A : memref<!tpu.dma_semaphore, #tpu.memory_space<semaphore_mem>>) src(%arg9 : memref<128x128xf32, #tpu.memory_space<vmem>>) dst(%dma_wait3A_90 : memref<10240x128xf32, #tpu.memory_space<vmem_shared>>)
        tpu.yield
      }) : () -> ()
      %lt3A = arith.constant 19 : i32
      %lt3A_71 = arith.cmpi slt, %scan3A_53, %lt3A : i32
      %convert_element_type3A = arith.extui %lt3A_71 : i1 to i32
      %cond3A = arith.constant 0 : i32
      %cond3A_72 = arith.cmpi ne, %convert_element_type3A, %cond3A : i32
      scf.if %cond3A_72 {
        %add3A_79 = arith.constant 2 : i32
        %add3A_80 = arith.addi %mul3A_55, %add3A_79 : i32
        %dma_start3A_81 = arith.constant 0 : i32
        %dma_start3A_82 = tpu.memref_slice %arg7[%add3A_80, %dma_start3A_81] : memref<40x128xi32, #tpu.memory_space<vmem>> -> memref<1x128xi32, #tpu.memory_space<vmem>>
        %dma_start3A_83 = tpu.memref_squeeze %dma_start3A_82 : memref<1x128xi32, #tpu.memory_space<vmem>> -> memref<128xi32, #tpu.memory_space<vmem>>
        %dma_start3A_84 = arith.constant 0 : i32
        %dma_start3A_85 = arith.constant 0 : i32
        %dma_start3A_86 = tpu.memref_slice %arg2[%dma_start3A_84, %dma_start3A_85] : memref<10240x128xf32, #tpu.memory_space<hbm>> -> memref<10240x128xf32, #tpu.memory_space<hbm>>
        tpu.enqueue_indirect_dma source(%dma_start3A_86 : memref<10240x128xf32, #tpu.memory_space<hbm>>) target(%arg9 : memref<128x128xf32, #tpu.memory_space<vmem>>) offsets(%dma_start3A_83 : memref<128xi32, #tpu.memory_space<vmem>>) semaphore(%arg12 : memref<!tpu.dma_semaphore, #tpu.memory_space<semaphore_mem>>)
      } else {
      }
      %dma_wait3A_73 = arith.constant 0 : i32
      %dma_wait3A_74 = tpu.memref_slice %arg7[%add3A_59, %dma_wait3A_73] : memref<40x128xi32, #tpu.memory_space<vmem>> -> memref<1x128xi32, #tpu.memory_space<vmem>>
      %dma_wait3A_75 = tpu.memref_squeeze %dma_wait3A_74 : memref<1x128xi32, #tpu.memory_space<vmem>> -> memref<128xi32, #tpu.memory_space<vmem>>
      %dma_wait3A_76 = arith.constant 0 : i32
      %dma_wait3A_77 = arith.constant 0 : i32
      %dma_wait3A_78 = tpu.memref_slice %arg2[%dma_wait3A_76, %dma_wait3A_77] : memref<10240x128xf32, #tpu.memory_space<hbm>> -> memref<10240x128xf32, #tpu.memory_space<hbm>>
      tpu.wait_indirect_dma semaphore(%arg13 : memref<!tpu.dma_semaphore, #tpu.memory_space<semaphore_mem>>) src(%dma_wait3A_78 : memref<10240x128xf32, #tpu.memory_space<hbm>>) dst(%arg10 : memref<128x128xf32, #tpu.memory_space<vmem>>)
      "tpu.region"() ({
        %run_scoped3A = tpu.sem_alloc : memref<!tpu.dma_semaphore, #tpu.memory_space<semaphore_mem>>
        %dma_start3A_79 = arith.constant 0 : i32
        %dma_start3A_80 = tpu.memref_slice %arg8[%add3A_59, %dma_start3A_79] : memref<40x128xi32, #tpu.memory_space<vmem>> -> memref<1x128xi32, #tpu.memory_space<vmem>>
        %dma_start3A_81 = tpu.memref_squeeze %dma_start3A_80 : memref<1x128xi32, #tpu.memory_space<vmem>> -> memref<128xi32, #tpu.memory_space<vmem>>
        %dma_start3A_82 = arith.constant 0 : i32
        %dma_start3A_83 = arith.constant 0 : i32
        %dma_start3A_84 = tpu.memref_slice %arg11[%dma_start3A_82, %dma_start3A_83] : memref<10240x128xf32, #tpu.memory_space<vmem_shared>> -> memref<10240x128xf32, #tpu.memory_space<vmem_shared>>
        tpu.enqueue_indirect_dma source(%arg10 : memref<128x128xf32, #tpu.memory_space<vmem>>) target(%dma_start3A_84 : memref<10240x128xf32, #tpu.memory_space<vmem_shared>>) offsets(%dma_start3A_81 : memref<128xi32, #tpu.memory_space<vmem>>) semaphore(%run_scoped3A : memref<!tpu.dma_semaphore, #tpu.memory_space<semaphore_mem>>) {add = true}
        %dma_wait3A_85 = arith.constant 0 : i32
        %dma_wait3A_86 = tpu.memref_slice %arg8[%add3A_59, %dma_wait3A_85] : memref<40x128xi32, #tpu.memory_space<vmem>> -> memref<1x128xi32, #tpu.memory_space<vmem>>
        %dma_wait3A_87 = tpu.memref_squeeze %dma_wait3A_86 : memref<1x128xi32, #tpu.memory_space<vmem>> -> memref<128xi32, #tpu.memory_space<vmem>>
        %dma_wait3A_88 = arith.constant 0 : i32
        %dma_wait3A_89 = arith.constant 0 : i32
        %dma_wait3A_90 = tpu.memref_slice %arg11[%dma_wait3A_88, %dma_wait3A_89] : memref<10240x128xf32, #tpu.memory_space<vmem_shared>> -> memref<10240x128xf32, #tpu.memory_space<vmem_shared>>
        tpu.wait_indirect_dma semaphore(%run_scoped3A : memref<!tpu.dma_semaphore, #tpu.memory_space<semaphore_mem>>) src(%arg10 : memref<128x128xf32, #tpu.memory_space<vmem>>) dst(%dma_wait3A_90 : memref<10240x128xf32, #tpu.memory_space<vmem_shared>>)
        tpu.yield
      }) : () -> ()
    }
    %scan3A_44 = arith.constant 20 : i32
    %barrier3A_45 = arith.constant 0 : index
    tpu.barrier barrier_id(%barrier3A_45)
    %mul3A_46 = arith.constant 640 : i32
    %mul3A_47 = arith.muli %arg1, %mul3A_46 : i32
    %mul3A_48 = arith.constant 10240 : i32
    %mul3A_49 = arith.muli %arg0, %mul3A_48 : i32
    %mul3A_50 = arith.constant 640 : i32
    %mul3A_51 = arith.muli %arg1, %mul3A_50 : i32
    %add3A_52 = arith.addi %mul3A_49, %mul3A_51 : i32
    "tpu.region"() ({
      %run_scoped3A = tpu.sem_alloc : memref<!tpu.dma_semaphore, #tpu.memory_space<semaphore_mem>>
      %dma_start3A_53 = arith.constant 0 : i32
      %dma_start3A_54 = tpu.memref_slice %arg6[%add3A_52, %dma_start3A_53] : memref<20480x128xf32, #tpu.memory_space<hbm>> -> memref<640x128xf32, #tpu.memory_space<hbm>>
      %dma_start3A_55 = arith.constant 0 : i32
      %dma_start3A_56 = tpu.memref_slice %arg11[%mul3A_47, %dma_start3A_55] : memref<10240x128xf32, #tpu.memory_space<vmem_shared>> -> memref<640x128xf32, #tpu.memory_space<vmem_shared>>
      tpu.enqueue_dma source(%dma_start3A_56 : memref<640x128xf32, #tpu.memory_space<vmem_shared>>) target(%dma_start3A_54 : memref<640x128xf32, #tpu.memory_space<hbm>>) target_semaphore(%run_scoped3A : memref<!tpu.dma_semaphore, #tpu.memory_space<semaphore_mem>>)
      %dma_wait3A = arith.constant 0 : i32
      %dma_wait3A_57 = tpu.memref_slice %arg6[%add3A_52, %dma_wait3A] : memref<20480x128xf32, #tpu.memory_space<hbm>> -> memref<640x128xf32, #tpu.memory_space<hbm>>
      %dma_wait3A_58 = arith.constant 0 : i32
      %dma_wait3A_59 = tpu.memref_slice %arg11[%mul3A_47, %dma_wait3A_58] : memref<10240x128xf32, #tpu.memory_space<vmem_shared>> -> memref<640x128xf32, #tpu.memory_space<vmem_shared>>
      tpu.wait_dma2 semaphore(%run_scoped3A : memref<!tpu.dma_semaphore, #tpu.memory_space<semaphore_mem>>) src(%dma_wait3A_59 : memref<640x128xf32, #tpu.memory_space<vmem_shared>>) dst(%dma_wait3A_57 : memref<640x128xf32, #tpu.memory_space<hbm>>)
      tpu.yield
    }) : () -> ()
    return
  }
}

#map = affine_map<(d0, d1) -> (0, 0)>
#map1 = affine_map<(d0, d1) -> (0)>
module attributes {stable_mosaic.version = 14 : i64} {
  func.func @_deg_sc(%arg0: i32, %arg1: i32, %arg2: memref<2560x128xi32, #tpu.memory_space<hbm>>, %arg3: memref<10240xf32, #tpu.memory_space<hbm>>, %arg4: memref<128xf32, #tpu.memory_space<hbm>>, %arg5: memref<20480xf32, #tpu.memory_space<hbm>>, %arg6: memref<80x128xi32, #tpu.memory_space<vmem>>, %arg7: memref<128xf32, #tpu.memory_space<vmem>>, %arg8: memref<10240xf32, #tpu.memory_space<vmem_shared>>) attributes {dimension_semantics = [#tpu.dimension_semantics<core_parallel>, #tpu.dimension_semantics<subcore_parallel>], iteration_bounds = array<i64: 2, 16>, scalar_prefetch = 0 : i64, scratch_operands = 3 : i64, tpu.core_type = #tpu.core_type<sc_vector_subcore>, window_params = [{transform_indices = #map}, {transform_indices = #map1}, {transform_indices = #map1}, {transform_indices = #map1}]} {
    %mul3A = arith.constant 2 : i32
    %mul3A_0 = arith.muli %arg1, %mul3A : i32
    %add3A = arith.addi %mul3A_0, %arg0 : i32
    %mul3A_1 = arith.constant 640 : i32
    %mul3A_2 = arith.muli %arg1, %mul3A_1 : i32
    %mul3A_3 = arith.constant 640 : i32
    %mul3A_4 = arith.muli %arg1, %mul3A_3 : i32
    "tpu.region"() ({
      %run_scoped3A = tpu.sem_alloc : memref<!tpu.dma_semaphore, #tpu.memory_space<semaphore_mem>>
      %dma_start3A = tpu.memref_slice %arg8[%mul3A_4] : memref<10240xf32, #tpu.memory_space<vmem_shared>> -> memref<640xf32, #tpu.memory_space<vmem_shared>>
      %dma_start3A_20 = tpu.memref_slice %arg3[%mul3A_2] : memref<10240xf32, #tpu.memory_space<hbm>> -> memref<640xf32, #tpu.memory_space<hbm>>
      tpu.enqueue_dma source(%dma_start3A_20 : memref<640xf32, #tpu.memory_space<hbm>>) target(%dma_start3A : memref<640xf32, #tpu.memory_space<vmem_shared>>) target_semaphore(%run_scoped3A : memref<!tpu.dma_semaphore, #tpu.memory_space<semaphore_mem>>)
      %dma_wait3A = tpu.memref_slice %arg8[%mul3A_4] : memref<10240xf32, #tpu.memory_space<vmem_shared>> -> memref<640xf32, #tpu.memory_space<vmem_shared>>
      %dma_wait3A_21 = tpu.memref_slice %arg3[%mul3A_2] : memref<10240xf32, #tpu.memory_space<hbm>> -> memref<640xf32, #tpu.memory_space<hbm>>
      tpu.wait_dma2 semaphore(%run_scoped3A : memref<!tpu.dma_semaphore, #tpu.memory_space<semaphore_mem>>) src(%dma_wait3A_21 : memref<640xf32, #tpu.memory_space<hbm>>) dst(%dma_wait3A : memref<640xf32, #tpu.memory_space<vmem_shared>>)
      tpu.yield
    }) : () -> ()
    "tpu.region"() ({
      %run_scoped3A = tpu.sem_alloc : memref<!tpu.dma_semaphore, #tpu.memory_space<semaphore_mem>>
      tpu.enqueue_dma source(%arg4 : memref<128xf32, #tpu.memory_space<hbm>>) target(%arg7 : memref<128xf32, #tpu.memory_space<vmem>>) target_semaphore(%run_scoped3A : memref<!tpu.dma_semaphore, #tpu.memory_space<semaphore_mem>>)
      tpu.wait_dma2 semaphore(%run_scoped3A : memref<!tpu.dma_semaphore, #tpu.memory_space<semaphore_mem>>) src(%arg4 : memref<128xf32, #tpu.memory_space<hbm>>) dst(%arg7 : memref<128xf32, #tpu.memory_space<vmem>>)
      tpu.yield
    }) : () -> ()
    %mul3A_5 = arith.constant 80 : i32
    %mul3A_6 = arith.muli %add3A, %mul3A_5 : i32
    "tpu.region"() ({
      %run_scoped3A = tpu.sem_alloc : memref<!tpu.dma_semaphore, #tpu.memory_space<semaphore_mem>>
      %dma_start3A = arith.constant 0 : i32
      %dma_start3A_20 = tpu.memref_slice %arg2[%mul3A_6, %dma_start3A] : memref<2560x128xi32, #tpu.memory_space<hbm>> -> memref<80x128xi32, #tpu.memory_space<hbm>>
      %dma_start3A_21 = arith.constant 0 : i32
      %dma_start3A_22 = tpu.memref_slice %arg2[%mul3A_6, %dma_start3A_21] : memref<2560x128xi32, #tpu.memory_space<hbm>> -> memref<80x128xi32, #tpu.memory_space<hbm>>
      tpu.enqueue_dma source(%dma_start3A_22 : memref<80x128xi32, #tpu.memory_space<hbm>>) target(%arg6 : memref<80x128xi32, #tpu.memory_space<vmem>>) target_semaphore(%run_scoped3A : memref<!tpu.dma_semaphore, #tpu.memory_space<semaphore_mem>>)
      %dma_wait3A = arith.constant 0 : i32
      %dma_wait3A_23 = tpu.memref_slice %arg2[%mul3A_6, %dma_wait3A] : memref<2560x128xi32, #tpu.memory_space<hbm>> -> memref<80x128xi32, #tpu.memory_space<hbm>>
      %dma_wait3A_24 = arith.constant 0 : i32
      %dma_wait3A_25 = tpu.memref_slice %arg2[%mul3A_6, %dma_wait3A_24] : memref<2560x128xi32, #tpu.memory_space<hbm>> -> memref<80x128xi32, #tpu.memory_space<hbm>>
      tpu.wait_dma2 semaphore(%run_scoped3A : memref<!tpu.dma_semaphore, #tpu.memory_space<semaphore_mem>>) src(%dma_wait3A_25 : memref<80x128xi32, #tpu.memory_space<hbm>>) dst(%arg6 : memref<80x128xi32, #tpu.memory_space<vmem>>)
      tpu.yield
    }) : () -> ()
    %barrier3A = arith.constant 0 : index
    tpu.barrier barrier_id(%barrier3A)
    %scan3A = arith.constant 0 : i32
    %scan3A_7 = arith.constant 0 : i32
    %scan3A_8 = arith.constant 80 : i32
    %scan3A_9 = arith.addi %scan3A_7, %scan3A_8 : i32
    %scan3A_10 = arith.constant 1 : i32
    scf.for %scan3A_20 = %scan3A_7 to %scan3A_9 step %scan3A_10  : i32 {
      "tpu.region"() ({
        %run_scoped3A = tpu.sem_alloc : memref<!tpu.dma_semaphore, #tpu.memory_space<semaphore_mem>>
        %dma_start3A = arith.constant 0 : i32
        %dma_start3A_21 = tpu.memref_slice %arg6[%scan3A_20, %dma_start3A] : memref<80x128xi32, #tpu.memory_space<vmem>> -> memref<1x128xi32, #tpu.memory_space<vmem>>
        %dma_start3A_22 = tpu.memref_squeeze %dma_start3A_21 : memref<1x128xi32, #tpu.memory_space<vmem>> -> memref<128xi32, #tpu.memory_space<vmem>>
        %dma_start3A_23 = arith.constant 0 : i32
        %dma_start3A_24 = tpu.memref_slice %arg8[%dma_start3A_23] : memref<10240xf32, #tpu.memory_space<vmem_shared>> -> memref<10240xf32, #tpu.memory_space<vmem_shared>>
        tpu.enqueue_indirect_dma source(%arg7 : memref<128xf32, #tpu.memory_space<vmem>>) target(%dma_start3A_24 : memref<10240xf32, #tpu.memory_space<vmem_shared>>) offsets(%dma_start3A_22 : memref<128xi32, #tpu.memory_space<vmem>>) semaphore(%run_scoped3A : memref<!tpu.dma_semaphore, #tpu.memory_space<semaphore_mem>>) {add = true}
        %dma_wait3A = arith.constant 0 : i32
        %dma_wait3A_25 = tpu.memref_slice %arg6[%scan3A_20, %dma_wait3A] : memref<80x128xi32, #tpu.memory_space<vmem>> -> memref<1x128xi32, #tpu.memory_space<vmem>>
        %dma_wait3A_26 = tpu.memref_squeeze %dma_wait3A_25 : memref<1x128xi32, #tpu.memory_space<vmem>> -> memref<128xi32, #tpu.memory_space<vmem>>
        %dma_wait3A_27 = arith.constant 0 : i32
        %dma_wait3A_28 = tpu.memref_slice %arg8[%dma_wait3A_27] : memref<10240xf32, #tpu.memory_space<vmem_shared>> -> memref<10240xf32, #tpu.memory_space<vmem_shared>>
        tpu.wait_indirect_dma semaphore(%run_scoped3A : memref<!tpu.dma_semaphore, #tpu.memory_space<semaphore_mem>>) src(%arg7 : memref<128xf32, #tpu.memory_space<vmem>>) dst(%dma_wait3A_28 : memref<10240xf32, #tpu.memory_space<vmem_shared>>)
        tpu.yield
      }) : () -> ()
    }
    %scan3A_11 = arith.constant 80 : i32
    %barrier3A_12 = arith.constant 0 : index
    tpu.barrier barrier_id(%barrier3A_12)
    %mul3A_13 = arith.constant 640 : i32
    %mul3A_14 = arith.muli %arg1, %mul3A_13 : i32
    %mul3A_15 = arith.constant 10240 : i32
    %mul3A_16 = arith.muli %arg0, %mul3A_15 : i32
    %mul3A_17 = arith.constant 640 : i32
    %mul3A_18 = arith.muli %arg1, %mul3A_17 : i32
    %add3A_19 = arith.addi %mul3A_16, %mul3A_18 : i32
    "tpu.region"() ({
      %run_scoped3A = tpu.sem_alloc : memref<!tpu.dma_semaphore, #tpu.memory_space<semaphore_mem>>
      %dma_start3A = tpu.memref_slice %arg5[%add3A_19] : memref<20480xf32, #tpu.memory_space<hbm>> -> memref<640xf32, #tpu.memory_space<hbm>>
      %dma_start3A_20 = tpu.memref_slice %arg8[%mul3A_14] : memref<10240xf32, #tpu.memory_space<vmem_shared>> -> memref<640xf32, #tpu.memory_space<vmem_shared>>
      tpu.enqueue_dma source(%dma_start3A_20 : memref<640xf32, #tpu.memory_space<vmem_shared>>) target(%dma_start3A : memref<640xf32, #tpu.memory_space<hbm>>) target_semaphore(%run_scoped3A : memref<!tpu.dma_semaphore, #tpu.memory_space<semaphore_mem>>)
      %dma_wait3A = tpu.memref_slice %arg5[%add3A_19] : memref<20480xf32, #tpu.memory_space<hbm>> -> memref<640xf32, #tpu.memory_space<hbm>>
      %dma_wait3A_21 = tpu.memref_slice %arg8[%mul3A_14] : memref<10240xf32, #tpu.memory_space<vmem_shared>> -> memref<640xf32, #tpu.memory_space<vmem_shared>>
      tpu.wait_dma2 semaphore(%run_scoped3A : memref<!tpu.dma_semaphore, #tpu.memory_space<semaphore_mem>>) src(%dma_wait3A_21 : memref<640xf32, #tpu.memory_space<vmem_shared>>) dst(%dma_wait3A : memref<640xf32, #tpu.memory_space<hbm>>)
      tpu.yield
    }) : () -> ()
    return
  }
}

#map = affine_map<(d0, d1) -> (0, 0)>
module attributes {stable_mosaic.version = 14 : i64} {
  func.func @agg(%arg0: i32, %arg1: i32, %arg2: memref<10240x128xf32, #tpu.memory_space<hbm>>, %arg3: memref<2560x128xi32, #tpu.memory_space<hbm>>, %arg4: memref<2560x128xi32, #tpu.memory_space<hbm>>, %arg5: memref<10240x128xf32, #tpu.memory_space<hbm>>, %arg6: memref<20480x128xf32, #tpu.memory_space<hbm>>, %arg7: memref<40x128xi32, #tpu.memory_space<vmem>>, %arg8: memref<40x128xi32, #tpu.memory_space<vmem>>, %arg9: memref<128x128xf32, #tpu.memory_space<vmem>>, %arg10: memref<128x128xf32, #tpu.memory_space<vmem>>, %arg11: memref<10240x128xf32, #tpu.memory_space<vmem_shared>>, %arg12: memref<!tpu.dma_semaphore, #tpu.memory_space<semaphore_mem>>, %arg13: memref<!tpu.dma_semaphore, #tpu.memory_space<semaphore_mem>>) attributes {dimension_semantics = [#tpu.dimension_semantics<core_parallel>, #tpu.dimension_semantics<subcore_parallel>], iteration_bounds = array<i64: 2, 16>, scalar_prefetch = 0 : i64, scratch_operands = 7 : i64, tpu.core_type = #tpu.core_type<sc_vector_subcore>, window_params = [{transform_indices = #map}, {transform_indices = #map}, {transform_indices = #map}, {transform_indices = #map}, {transform_indices = #map}]} {
    %mul3A = arith.constant 2 : i32
    %mul3A_0 = arith.muli %arg1, %mul3A : i32
    %add3A = arith.addi %mul3A_0, %arg0 : i32
    %mul3A_1 = arith.constant 640 : i32
    %mul3A_2 = arith.muli %arg1, %mul3A_1 : i32
    %mul3A_3 = arith.constant 640 : i32
    %mul3A_4 = arith.muli %arg1, %mul3A_3 : i32
    "tpu.region"() ({
      %run_scoped3A = tpu.sem_alloc : memref<!tpu.dma_semaphore, #tpu.memory_space<semaphore_mem>>
      %dma_start3A_53 = arith.constant 0 : i32
      %dma_start3A_54 = tpu.memref_slice %arg11[%mul3A_4, %dma_start3A_53] : memref<10240x128xf32, #tpu.memory_space<vmem_shared>> -> memref<640x128xf32, #tpu.memory_space<vmem_shared>>
      %dma_start3A_55 = arith.constant 0 : i32
      %dma_start3A_56 = tpu.memref_slice %arg5[%mul3A_2, %dma_start3A_55] : memref<10240x128xf32, #tpu.memory_space<hbm>> -> memref<640x128xf32, #tpu.memory_space<hbm>>
      tpu.enqueue_dma source(%dma_start3A_56 : memref<640x128xf32, #tpu.memory_space<hbm>>) target(%dma_start3A_54 : memref<640x128xf32, #tpu.memory_space<vmem_shared>>) target_semaphore(%run_scoped3A : memref<!tpu.dma_semaphore, #tpu.memory_space<semaphore_mem>>)
      %dma_wait3A = arith.constant 0 : i32
      %dma_wait3A_57 = tpu.memref_slice %arg11[%mul3A_4, %dma_wait3A] : memref<10240x128xf32, #tpu.memory_space<vmem_shared>> -> memref<640x128xf32, #tpu.memory_space<vmem_shared>>
      %dma_wait3A_58 = arith.constant 0 : i32
      %dma_wait3A_59 = tpu.memref_slice %arg5[%mul3A_2, %dma_wait3A_58] : memref<10240x128xf32, #tpu.memory_space<hbm>> -> memref<640x128xf32, #tpu.memory_space<hbm>>
      tpu.wait_dma2 semaphore(%run_scoped3A : memref<!tpu.dma_semaphore, #tpu.memory_space<semaphore_mem>>) src(%dma_wait3A_59 : memref<640x128xf32, #tpu.memory_space<hbm>>) dst(%dma_wait3A_57 : memref<640x128xf32, #tpu.memory_space<vmem_shared>>)
      tpu.yield
    }) : () -> ()
    %barrier3A = arith.constant 0 : index
    tpu.barrier barrier_id(%barrier3A)
    %mul3A_5 = arith.constant 80 : i32
    %mul3A_6 = arith.muli %add3A, %mul3A_5 : i32
    %add3A_7 = arith.constant 0 : i32
    %add3A_8 = arith.addi %mul3A_6, %add3A_7 : i32
    "tpu.region"() ({
      %run_scoped3A = tpu.sem_alloc : memref<!tpu.dma_semaphore, #tpu.memory_space<semaphore_mem>>
      %dma_start3A_53 = arith.constant 0 : i32
      %dma_start3A_54 = tpu.memref_slice %arg3[%add3A_8, %dma_start3A_53] : memref<2560x128xi32, #tpu.memory_space<hbm>> -> memref<40x128xi32, #tpu.memory_space<hbm>>
      %dma_start3A_55 = arith.constant 0 : i32
      %dma_start3A_56 = tpu.memref_slice %arg3[%add3A_8, %dma_start3A_55] : memref<2560x128xi32, #tpu.memory_space<hbm>> -> memref<40x128xi32, #tpu.memory_space<hbm>>
      tpu.enqueue_dma source(%dma_start3A_56 : memref<40x128xi32, #tpu.memory_space<hbm>>) target(%arg7 : memref<40x128xi32, #tpu.memory_space<vmem>>) target_semaphore(%run_scoped3A : memref<!tpu.dma_semaphore, #tpu.memory_space<semaphore_mem>>)
      %dma_wait3A = arith.constant 0 : i32
      %dma_wait3A_57 = tpu.memref_slice %arg3[%add3A_8, %dma_wait3A] : memref<2560x128xi32, #tpu.memory_space<hbm>> -> memref<40x128xi32, #tpu.memory_space<hbm>>
      %dma_wait3A_58 = arith.constant 0 : i32
      %dma_wait3A_59 = tpu.memref_slice %arg3[%add3A_8, %dma_wait3A_58] : memref<2560x128xi32, #tpu.memory_space<hbm>> -> memref<40x128xi32, #tpu.memory_space<hbm>>
      tpu.wait_dma2 semaphore(%run_scoped3A : memref<!tpu.dma_semaphore, #tpu.memory_space<semaphore_mem>>) src(%dma_wait3A_59 : memref<40x128xi32, #tpu.memory_space<hbm>>) dst(%arg7 : memref<40x128xi32, #tpu.memory_space<vmem>>)
      tpu.yield
    }) : () -> ()
    %mul3A_9 = arith.constant 80 : i32
    %mul3A_10 = arith.muli %add3A, %mul3A_9 : i32
    %add3A_11 = arith.constant 0 : i32
    %add3A_12 = arith.addi %mul3A_10, %add3A_11 : i32
    "tpu.region"() ({
      %run_scoped3A = tpu.sem_alloc : memref<!tpu.dma_semaphore, #tpu.memory_space<semaphore_mem>>
      %dma_start3A_53 = arith.constant 0 : i32
      %dma_start3A_54 = tpu.memref_slice %arg4[%add3A_12, %dma_start3A_53] : memref<2560x128xi32, #tpu.memory_space<hbm>> -> memref<40x128xi32, #tpu.memory_space<hbm>>
      %dma_start3A_55 = arith.constant 0 : i32
      %dma_start3A_56 = tpu.memref_slice %arg4[%add3A_12, %dma_start3A_55] : memref<2560x128xi32, #tpu.memory_space<hbm>> -> memref<40x128xi32, #tpu.memory_space<hbm>>
      tpu.enqueue_dma source(%dma_start3A_56 : memref<40x128xi32, #tpu.memory_space<hbm>>) target(%arg8 : memref<40x128xi32, #tpu.memory_space<vmem>>) target_semaphore(%run_scoped3A : memref<!tpu.dma_semaphore, #tpu.memory_space<semaphore_mem>>)
      %dma_wait3A = arith.constant 0 : i32
      %dma_wait3A_57 = tpu.memref_slice %arg4[%add3A_12, %dma_wait3A] : memref<2560x128xi32, #tpu.memory_space<hbm>> -> memref<40x128xi32, #tpu.memory_space<hbm>>
      %dma_wait3A_58 = arith.constant 0 : i32
      %dma_wait3A_59 = tpu.memref_slice %arg4[%add3A_12, %dma_wait3A_58] : memref<2560x128xi32, #tpu.memory_space<hbm>> -> memref<40x128xi32, #tpu.memory_space<hbm>>
      tpu.wait_dma2 semaphore(%run_scoped3A : memref<!tpu.dma_semaphore, #tpu.memory_space<semaphore_mem>>) src(%dma_wait3A_59 : memref<40x128xi32, #tpu.memory_space<hbm>>) dst(%arg8 : memref<40x128xi32, #tpu.memory_space<vmem>>)
      tpu.yield
    }) : () -> ()
    %dma_start3A = arith.constant 0 : i32
    %dma_start3A_13 = arith.constant 0 : i32
    %dma_start3A_14 = tpu.memref_slice %arg7[%dma_start3A, %dma_start3A_13] : memref<40x128xi32, #tpu.memory_space<vmem>> -> memref<1x128xi32, #tpu.memory_space<vmem>>
    %dma_start3A_15 = tpu.memref_squeeze %dma_start3A_14 : memref<1x128xi32, #tpu.memory_space<vmem>> -> memref<128xi32, #tpu.memory_space<vmem>>
    %dma_start3A_16 = arith.constant 0 : i32
    %dma_start3A_17 = arith.constant 0 : i32
    %dma_start3A_18 = tpu.memref_slice %arg2[%dma_start3A_16, %dma_start3A_17] : memref<10240x128xf32, #tpu.memory_space<hbm>> -> memref<10240x128xf32, #tpu.memory_space<hbm>>
    tpu.enqueue_indirect_dma source(%dma_start3A_18 : memref<10240x128xf32, #tpu.memory_space<hbm>>) target(%arg9 : memref<128x128xf32, #tpu.memory_space<vmem>>) offsets(%dma_start3A_15 : memref<128xi32, #tpu.memory_space<vmem>>) semaphore(%arg12 : memref<!tpu.dma_semaphore, #tpu.memory_space<semaphore_mem>>)
    %scan3A = arith.constant 0 : i32
    %scan3A_19 = arith.constant 0 : i32
    %scan3A_20 = arith.constant 20 : i32
    %scan3A_21 = arith.addi %scan3A_19, %scan3A_20 : i32
    %scan3A_22 = arith.constant 1 : i32
    scf.for %scan3A_53 = %scan3A_19 to %scan3A_21 step %scan3A_22  : i32 {
      %mul3A_54 = arith.constant 2 : i32
      %mul3A_55 = arith.muli %mul3A_54, %scan3A_53 : i32
      %mul3A_56 = arith.constant 2 : i32
      %mul3A_57 = arith.muli %mul3A_56, %scan3A_53 : i32
      %add3A_58 = arith.constant 1 : i32
      %add3A_59 = arith.addi %mul3A_57, %add3A_58 : i32
      %dma_start3A_60 = arith.constant 0 : i32
      %dma_start3A_61 = tpu.memref_slice %arg7[%add3A_59, %dma_start3A_60] : memref<40x128xi32, #tpu.memory_space<vmem>> -> memref<1x128xi32, #tpu.memory_space<vmem>>
      %dma_start3A_62 = tpu.memref_squeeze %dma_start3A_61 : memref<1x128xi32, #tpu.memory_space<vmem>> -> memref<128xi32, #tpu.memory_space<vmem>>
      %dma_start3A_63 = arith.constant 0 : i32
      %dma_start3A_64 = arith.constant 0 : i32
      %dma_start3A_65 = tpu.memref_slice %arg2[%dma_start3A_63, %dma_start3A_64] : memref<10240x128xf32, #tpu.memory_space<hbm>> -> memref<10240x128xf32, #tpu.memory_space<hbm>>
      tpu.enqueue_indirect_dma source(%dma_start3A_65 : memref<10240x128xf32, #tpu.memory_space<hbm>>) target(%arg10 : memref<128x128xf32, #tpu.memory_space<vmem>>) offsets(%dma_start3A_62 : memref<128xi32, #tpu.memory_space<vmem>>) semaphore(%arg13 : memref<!tpu.dma_semaphore, #tpu.memory_space<semaphore_mem>>)
      %dma_wait3A = arith.constant 0 : i32
      %dma_wait3A_66 = tpu.memref_slice %arg7[%mul3A_55, %dma_wait3A] : memref<40x128xi32, #tpu.memory_space<vmem>> -> memref<1x128xi32, #tpu.memory_space<vmem>>
      %dma_wait3A_67 = tpu.memref_squeeze %dma_wait3A_66 : memref<1x128xi32, #tpu.memory_space<vmem>> -> memref<128xi32, #tpu.memory_space<vmem>>
      %dma_wait3A_68 = arith.constant 0 : i32
      %dma_wait3A_69 = arith.constant 0 : i32
      %dma_wait3A_70 = tpu.memref_slice %arg2[%dma_wait3A_68, %dma_wait3A_69] : memref<10240x128xf32, #tpu.memory_space<hbm>> -> memref<10240x128xf32, #tpu.memory_space<hbm>>
      tpu.wait_indirect_dma semaphore(%arg12 : memref<!tpu.dma_semaphore, #tpu.memory_space<semaphore_mem>>) src(%dma_wait3A_70 : memref<10240x128xf32, #tpu.memory_space<hbm>>) dst(%arg9 : memref<128x128xf32, #tpu.memory_space<vmem>>)
      "tpu.region"() ({
        %run_scoped3A = tpu.sem_alloc : memref<!tpu.dma_semaphore, #tpu.memory_space<semaphore_mem>>
        %dma_start3A_79 = arith.constant 0 : i32
        %dma_start3A_80 = tpu.memref_slice %arg8[%mul3A_55, %dma_start3A_79] : memref<40x128xi32, #tpu.memory_space<vmem>> -> memref<1x128xi32, #tpu.memory_space<vmem>>
        %dma_start3A_81 = tpu.memref_squeeze %dma_start3A_80 : memref<1x128xi32, #tpu.memory_space<vmem>> -> memref<128xi32, #tpu.memory_space<vmem>>
        %dma_start3A_82 = arith.constant 0 : i32
        %dma_start3A_83 = arith.constant 0 : i32
        %dma_start3A_84 = tpu.memref_slice %arg11[%dma_start3A_82, %dma_start3A_83] : memref<10240x128xf32, #tpu.memory_space<vmem_shared>> -> memref<10240x128xf32, #tpu.memory_space<vmem_shared>>
        tpu.enqueue_indirect_dma source(%arg9 : memref<128x128xf32, #tpu.memory_space<vmem>>) target(%dma_start3A_84 : memref<10240x128xf32, #tpu.memory_space<vmem_shared>>) offsets(%dma_start3A_81 : memref<128xi32, #tpu.memory_space<vmem>>) semaphore(%run_scoped3A : memref<!tpu.dma_semaphore, #tpu.memory_space<semaphore_mem>>) {add = true}
        %dma_wait3A_85 = arith.constant 0 : i32
        %dma_wait3A_86 = tpu.memref_slice %arg8[%mul3A_55, %dma_wait3A_85] : memref<40x128xi32, #tpu.memory_space<vmem>> -> memref<1x128xi32, #tpu.memory_space<vmem>>
        %dma_wait3A_87 = tpu.memref_squeeze %dma_wait3A_86 : memref<1x128xi32, #tpu.memory_space<vmem>> -> memref<128xi32, #tpu.memory_space<vmem>>
        %dma_wait3A_88 = arith.constant 0 : i32
        %dma_wait3A_89 = arith.constant 0 : i32
        %dma_wait3A_90 = tpu.memref_slice %arg11[%dma_wait3A_88, %dma_wait3A_89] : memref<10240x128xf32, #tpu.memory_space<vmem_shared>> -> memref<10240x128xf32, #tpu.memory_space<vmem_shared>>
        tpu.wait_indirect_dma semaphore(%run_scoped3A : memref<!tpu.dma_semaphore, #tpu.memory_space<semaphore_mem>>) src(%arg9 : memref<128x128xf32, #tpu.memory_space<vmem>>) dst(%dma_wait3A_90 : memref<10240x128xf32, #tpu.memory_space<vmem_shared>>)
        tpu.yield
      }) : () -> ()
      %lt3A = arith.constant 19 : i32
      %lt3A_71 = arith.cmpi slt, %scan3A_53, %lt3A : i32
      %convert_element_type3A = arith.extui %lt3A_71 : i1 to i32
      %cond3A = arith.constant 0 : i32
      %cond3A_72 = arith.cmpi ne, %convert_element_type3A, %cond3A : i32
      scf.if %cond3A_72 {
        %add3A_79 = arith.constant 2 : i32
        %add3A_80 = arith.addi %mul3A_55, %add3A_79 : i32
        %dma_start3A_81 = arith.constant 0 : i32
        %dma_start3A_82 = tpu.memref_slice %arg7[%add3A_80, %dma_start3A_81] : memref<40x128xi32, #tpu.memory_space<vmem>> -> memref<1x128xi32, #tpu.memory_space<vmem>>
        %dma_start3A_83 = tpu.memref_squeeze %dma_start3A_82 : memref<1x128xi32, #tpu.memory_space<vmem>> -> memref<128xi32, #tpu.memory_space<vmem>>
        %dma_start3A_84 = arith.constant 0 : i32
        %dma_start3A_85 = arith.constant 0 : i32
        %dma_start3A_86 = tpu.memref_slice %arg2[%dma_start3A_84, %dma_start3A_85] : memref<10240x128xf32, #tpu.memory_space<hbm>> -> memref<10240x128xf32, #tpu.memory_space<hbm>>
        tpu.enqueue_indirect_dma source(%dma_start3A_86 : memref<10240x128xf32, #tpu.memory_space<hbm>>) target(%arg9 : memref<128x128xf32, #tpu.memory_space<vmem>>) offsets(%dma_start3A_83 : memref<128xi32, #tpu.memory_space<vmem>>) semaphore(%arg12 : memref<!tpu.dma_semaphore, #tpu.memory_space<semaphore_mem>>)
      } else {
      }
      %dma_wait3A_73 = arith.constant 0 : i32
      %dma_wait3A_74 = tpu.memref_slice %arg7[%add3A_59, %dma_wait3A_73] : memref<40x128xi32, #tpu.memory_space<vmem>> -> memref<1x128xi32, #tpu.memory_space<vmem>>
      %dma_wait3A_75 = tpu.memref_squeeze %dma_wait3A_74 : memref<1x128xi32, #tpu.memory_space<vmem>> -> memref<128xi32, #tpu.memory_space<vmem>>
      %dma_wait3A_76 = arith.constant 0 : i32
      %dma_wait3A_77 = arith.constant 0 : i32
      %dma_wait3A_78 = tpu.memref_slice %arg2[%dma_wait3A_76, %dma_wait3A_77] : memref<10240x128xf32, #tpu.memory_space<hbm>> -> memref<10240x128xf32, #tpu.memory_space<hbm>>
      tpu.wait_indirect_dma semaphore(%arg13 : memref<!tpu.dma_semaphore, #tpu.memory_space<semaphore_mem>>) src(%dma_wait3A_78 : memref<10240x128xf32, #tpu.memory_space<hbm>>) dst(%arg10 : memref<128x128xf32, #tpu.memory_space<vmem>>)
      "tpu.region"() ({
        %run_scoped3A = tpu.sem_alloc : memref<!tpu.dma_semaphore, #tpu.memory_space<semaphore_mem>>
        %dma_start3A_79 = arith.constant 0 : i32
        %dma_start3A_80 = tpu.memref_slice %arg8[%add3A_59, %dma_start3A_79] : memref<40x128xi32, #tpu.memory_space<vmem>> -> memref<1x128xi32, #tpu.memory_space<vmem>>
        %dma_start3A_81 = tpu.memref_squeeze %dma_start3A_80 : memref<1x128xi32, #tpu.memory_space<vmem>> -> memref<128xi32, #tpu.memory_space<vmem>>
        %dma_start3A_82 = arith.constant 0 : i32
        %dma_start3A_83 = arith.constant 0 : i32
        %dma_start3A_84 = tpu.memref_slice %arg11[%dma_start3A_82, %dma_start3A_83] : memref<10240x128xf32, #tpu.memory_space<vmem_shared>> -> memref<10240x128xf32, #tpu.memory_space<vmem_shared>>
        tpu.enqueue_indirect_dma source(%arg10 : memref<128x128xf32, #tpu.memory_space<vmem>>) target(%dma_start3A_84 : memref<10240x128xf32, #tpu.memory_space<vmem_shared>>) offsets(%dma_start3A_81 : memref<128xi32, #tpu.memory_space<vmem>>) semaphore(%run_scoped3A : memref<!tpu.dma_semaphore, #tpu.memory_space<semaphore_mem>>) {add = true}
        %dma_wait3A_85 = arith.constant 0 : i32
        %dma_wait3A_86 = tpu.memref_slice %arg8[%add3A_59, %dma_wait3A_85] : memref<40x128xi32, #tpu.memory_space<vmem>> -> memref<1x128xi32, #tpu.memory_space<vmem>>
        %dma_wait3A_87 = tpu.memref_squeeze %dma_wait3A_86 : memref<1x128xi32, #tpu.memory_space<vmem>> -> memref<128xi32, #tpu.memory_space<vmem>>
        %dma_wait3A_88 = arith.constant 0 : i32
        %dma_wait3A_89 = arith.constant 0 : i32
        %dma_wait3A_90 = tpu.memref_slice %arg11[%dma_wait3A_88, %dma_wait3A_89] : memref<10240x128xf32, #tpu.memory_space<vmem_shared>> -> memref<10240x128xf32, #tpu.memory_space<vmem_shared>>
        tpu.wait_indirect_dma semaphore(%run_scoped3A : memref<!tpu.dma_semaphore, #tpu.memory_space<semaphore_mem>>) src(%arg10 : memref<128x128xf32, #tpu.memory_space<vmem>>) dst(%dma_wait3A_90 : memref<10240x128xf32, #tpu.memory_space<vmem_shared>>)
        tpu.yield
      }) : () -> ()
    }
    %scan3A_23 = arith.constant 20 : i32
    %mul3A_24 = arith.constant 80 : i32
    %mul3A_25 = arith.muli %add3A, %mul3A_24 : i32
    %add3A_26 = arith.constant 40 : i32
    %add3A_27 = arith.addi %mul3A_25, %add3A_26 : i32
    "tpu.region"() ({
      %run_scoped3A = tpu.sem_alloc : memref<!tpu.dma_semaphore, #tpu.memory_space<semaphore_mem>>
      %dma_start3A_53 = arith.constant 0 : i32
      %dma_start3A_54 = tpu.memref_slice %arg3[%add3A_27, %dma_start3A_53] : memref<2560x128xi32, #tpu.memory_space<hbm>> -> memref<40x128xi32, #tpu.memory_space<hbm>>
      %dma_start3A_55 = arith.constant 0 : i32
      %dma_start3A_56 = tpu.memref_slice %arg3[%add3A_27, %dma_start3A_55] : memref<2560x128xi32, #tpu.memory_space<hbm>> -> memref<40x128xi32, #tpu.memory_space<hbm>>
      tpu.enqueue_dma source(%dma_start3A_56 : memref<40x128xi32, #tpu.memory_space<hbm>>) target(%arg7 : memref<40x128xi32, #tpu.memory_space<vmem>>) target_semaphore(%run_scoped3A : memref<!tpu.dma_semaphore, #tpu.memory_space<semaphore_mem>>)
      %dma_wait3A = arith.constant 0 : i32
      %dma_wait3A_57 = tpu.memref_slice %arg3[%add3A_27, %dma_wait3A] : memref<2560x128xi32, #tpu.memory_space<hbm>> -> memref<40x128xi32, #tpu.memory_space<hbm>>
      %dma_wait3A_58 = arith.constant 0 : i32
      %dma_wait3A_59 = tpu.memref_slice %arg3[%add3A_27, %dma_wait3A_58] : memref<2560x128xi32, #tpu.memory_space<hbm>> -> memref<40x128xi32, #tpu.memory_space<hbm>>
      tpu.wait_dma2 semaphore(%run_scoped3A : memref<!tpu.dma_semaphore, #tpu.memory_space<semaphore_mem>>) src(%dma_wait3A_59 : memref<40x128xi32, #tpu.memory_space<hbm>>) dst(%arg7 : memref<40x128xi32, #tpu.memory_space<vmem>>)
      tpu.yield
    }) : () -> ()
    %mul3A_28 = arith.constant 80 : i32
    %mul3A_29 = arith.muli %add3A, %mul3A_28 : i32
    %add3A_30 = arith.constant 40 : i32
    %add3A_31 = arith.addi %mul3A_29, %add3A_30 : i32
    "tpu.region"() ({
      %run_scoped3A = tpu.sem_alloc : memref<!tpu.dma_semaphore, #tpu.memory_space<semaphore_mem>>
      %dma_start3A_53 = arith.constant 0 : i32
      %dma_start3A_54 = tpu.memref_slice %arg4[%add3A_31, %dma_start3A_53] : memref<2560x128xi32, #tpu.memory_space<hbm>> -> memref<40x128xi32, #tpu.memory_space<hbm>>
      %dma_start3A_55 = arith.constant 0 : i32
      %dma_start3A_56 = tpu.memref_slice %arg4[%add3A_31, %dma_start3A_55] : memref<2560x128xi32, #tpu.memory_space<hbm>> -> memref<40x128xi32, #tpu.memory_space<hbm>>
      tpu.enqueue_dma source(%dma_start3A_56 : memref<40x128xi32, #tpu.memory_space<hbm>>) target(%arg8 : memref<40x128xi32, #tpu.memory_space<vmem>>) target_semaphore(%run_scoped3A : memref<!tpu.dma_semaphore, #tpu.memory_space<semaphore_mem>>)
      %dma_wait3A = arith.constant 0 : i32
      %dma_wait3A_57 = tpu.memref_slice %arg4[%add3A_31, %dma_wait3A] : memref<2560x128xi32, #tpu.memory_space<hbm>> -> memref<40x128xi32, #tpu.memory_space<hbm>>
      %dma_wait3A_58 = arith.constant 0 : i32
      %dma_wait3A_59 = tpu.memref_slice %arg4[%add3A_31, %dma_wait3A_58] : memref<2560x128xi32, #tpu.memory_space<hbm>> -> memref<40x128xi32, #tpu.memory_space<hbm>>
      tpu.wait_dma2 semaphore(%run_scoped3A : memref<!tpu.dma_semaphore, #tpu.memory_space<semaphore_mem>>) src(%dma_wait3A_59 : memref<40x128xi32, #tpu.memory_space<hbm>>) dst(%arg8 : memref<40x128xi32, #tpu.memory_space<vmem>>)
      tpu.yield
    }) : () -> ()
    %dma_start3A_32 = arith.constant 0 : i32
    %dma_start3A_33 = arith.constant 0 : i32
    %dma_start3A_34 = tpu.memref_slice %arg7[%dma_start3A_32, %dma_start3A_33] : memref<40x128xi32, #tpu.memory_space<vmem>> -> memref<1x128xi32, #tpu.memory_space<vmem>>
    %dma_start3A_35 = tpu.memref_squeeze %dma_start3A_34 : memref<1x128xi32, #tpu.memory_space<vmem>> -> memref<128xi32, #tpu.memory_space<vmem>>
    %dma_start3A_36 = arith.constant 0 : i32
    %dma_start3A_37 = arith.constant 0 : i32
    %dma_start3A_38 = tpu.memref_slice %arg2[%dma_start3A_36, %dma_start3A_37] : memref<10240x128xf32, #tpu.memory_space<hbm>> -> memref<10240x128xf32, #tpu.memory_space<hbm>>
    tpu.enqueue_indirect_dma source(%dma_start3A_38 : memref<10240x128xf32, #tpu.memory_space<hbm>>) target(%arg9 : memref<128x128xf32, #tpu.memory_space<vmem>>) offsets(%dma_start3A_35 : memref<128xi32, #tpu.memory_space<vmem>>) semaphore(%arg12 : memref<!tpu.dma_semaphore, #tpu.memory_space<semaphore_mem>>)
    %scan3A_39 = arith.constant 0 : i32
    %scan3A_40 = arith.constant 0 : i32
    %scan3A_41 = arith.constant 20 : i32
    %scan3A_42 = arith.addi %scan3A_40, %scan3A_41 : i32
    %scan3A_43 = arith.constant 1 : i32
    scf.for %scan3A_53 = %scan3A_40 to %scan3A_42 step %scan3A_43  : i32 {
      %mul3A_54 = arith.constant 2 : i32
      %mul3A_55 = arith.muli %mul3A_54, %scan3A_53 : i32
      %mul3A_56 = arith.constant 2 : i32
      %mul3A_57 = arith.muli %mul3A_56, %scan3A_53 : i32
      %add3A_58 = arith.constant 1 : i32
      %add3A_59 = arith.addi %mul3A_57, %add3A_58 : i32
      %dma_start3A_60 = arith.constant 0 : i32
      %dma_start3A_61 = tpu.memref_slice %arg7[%add3A_59, %dma_start3A_60] : memref<40x128xi32, #tpu.memory_space<vmem>> -> memref<1x128xi32, #tpu.memory_space<vmem>>
      %dma_start3A_62 = tpu.memref_squeeze %dma_start3A_61 : memref<1x128xi32, #tpu.memory_space<vmem>> -> memref<128xi32, #tpu.memory_space<vmem>>
      %dma_start3A_63 = arith.constant 0 : i32
      %dma_start3A_64 = arith.constant 0 : i32
      %dma_start3A_65 = tpu.memref_slice %arg2[%dma_start3A_63, %dma_start3A_64] : memref<10240x128xf32, #tpu.memory_space<hbm>> -> memref<10240x128xf32, #tpu.memory_space<hbm>>
      tpu.enqueue_indirect_dma source(%dma_start3A_65 : memref<10240x128xf32, #tpu.memory_space<hbm>>) target(%arg10 : memref<128x128xf32, #tpu.memory_space<vmem>>) offsets(%dma_start3A_62 : memref<128xi32, #tpu.memory_space<vmem>>) semaphore(%arg13 : memref<!tpu.dma_semaphore, #tpu.memory_space<semaphore_mem>>)
      %dma_wait3A = arith.constant 0 : i32
      %dma_wait3A_66 = tpu.memref_slice %arg7[%mul3A_55, %dma_wait3A] : memref<40x128xi32, #tpu.memory_space<vmem>> -> memref<1x128xi32, #tpu.memory_space<vmem>>
      %dma_wait3A_67 = tpu.memref_squeeze %dma_wait3A_66 : memref<1x128xi32, #tpu.memory_space<vmem>> -> memref<128xi32, #tpu.memory_space<vmem>>
      %dma_wait3A_68 = arith.constant 0 : i32
      %dma_wait3A_69 = arith.constant 0 : i32
      %dma_wait3A_70 = tpu.memref_slice %arg2[%dma_wait3A_68, %dma_wait3A_69] : memref<10240x128xf32, #tpu.memory_space<hbm>> -> memref<10240x128xf32, #tpu.memory_space<hbm>>
      tpu.wait_indirect_dma semaphore(%arg12 : memref<!tpu.dma_semaphore, #tpu.memory_space<semaphore_mem>>) src(%dma_wait3A_70 : memref<10240x128xf32, #tpu.memory_space<hbm>>) dst(%arg9 : memref<128x128xf32, #tpu.memory_space<vmem>>)
      "tpu.region"() ({
        %run_scoped3A = tpu.sem_alloc : memref<!tpu.dma_semaphore, #tpu.memory_space<semaphore_mem>>
        %dma_start3A_79 = arith.constant 0 : i32
        %dma_start3A_80 = tpu.memref_slice %arg8[%mul3A_55, %dma_start3A_79] : memref<40x128xi32, #tpu.memory_space<vmem>> -> memref<1x128xi32, #tpu.memory_space<vmem>>
        %dma_start3A_81 = tpu.memref_squeeze %dma_start3A_80 : memref<1x128xi32, #tpu.memory_space<vmem>> -> memref<128xi32, #tpu.memory_space<vmem>>
        %dma_start3A_82 = arith.constant 0 : i32
        %dma_start3A_83 = arith.constant 0 : i32
        %dma_start3A_84 = tpu.memref_slice %arg11[%dma_start3A_82, %dma_start3A_83] : memref<10240x128xf32, #tpu.memory_space<vmem_shared>> -> memref<10240x128xf32, #tpu.memory_space<vmem_shared>>
        tpu.enqueue_indirect_dma source(%arg9 : memref<128x128xf32, #tpu.memory_space<vmem>>) target(%dma_start3A_84 : memref<10240x128xf32, #tpu.memory_space<vmem_shared>>) offsets(%dma_start3A_81 : memref<128xi32, #tpu.memory_space<vmem>>) semaphore(%run_scoped3A : memref<!tpu.dma_semaphore, #tpu.memory_space<semaphore_mem>>) {add = true}
        %dma_wait3A_85 = arith.constant 0 : i32
        %dma_wait3A_86 = tpu.memref_slice %arg8[%mul3A_55, %dma_wait3A_85] : memref<40x128xi32, #tpu.memory_space<vmem>> -> memref<1x128xi32, #tpu.memory_space<vmem>>
        %dma_wait3A_87 = tpu.memref_squeeze %dma_wait3A_86 : memref<1x128xi32, #tpu.memory_space<vmem>> -> memref<128xi32, #tpu.memory_space<vmem>>
        %dma_wait3A_88 = arith.constant 0 : i32
        %dma_wait3A_89 = arith.constant 0 : i32
        %dma_wait3A_90 = tpu.memref_slice %arg11[%dma_wait3A_88, %dma_wait3A_89] : memref<10240x128xf32, #tpu.memory_space<vmem_shared>> -> memref<10240x128xf32, #tpu.memory_space<vmem_shared>>
        tpu.wait_indirect_dma semaphore(%run_scoped3A : memref<!tpu.dma_semaphore, #tpu.memory_space<semaphore_mem>>) src(%arg9 : memref<128x128xf32, #tpu.memory_space<vmem>>) dst(%dma_wait3A_90 : memref<10240x128xf32, #tpu.memory_space<vmem_shared>>)
        tpu.yield
      }) : () -> ()
      %lt3A = arith.constant 19 : i32
      %lt3A_71 = arith.cmpi slt, %scan3A_53, %lt3A : i32
      %convert_element_type3A = arith.extui %lt3A_71 : i1 to i32
      %cond3A = arith.constant 0 : i32
      %cond3A_72 = arith.cmpi ne, %convert_element_type3A, %cond3A : i32
      scf.if %cond3A_72 {
        %add3A_79 = arith.constant 2 : i32
        %add3A_80 = arith.addi %mul3A_55, %add3A_79 : i32
        %dma_start3A_81 = arith.constant 0 : i32
        %dma_start3A_82 = tpu.memref_slice %arg7[%add3A_80, %dma_start3A_81] : memref<40x128xi32, #tpu.memory_space<vmem>> -> memref<1x128xi32, #tpu.memory_space<vmem>>
        %dma_start3A_83 = tpu.memref_squeeze %dma_start3A_82 : memref<1x128xi32, #tpu.memory_space<vmem>> -> memref<128xi32, #tpu.memory_space<vmem>>
        %dma_start3A_84 = arith.constant 0 : i32
        %dma_start3A_85 = arith.constant 0 : i32
        %dma_start3A_86 = tpu.memref_slice %arg2[%dma_start3A_84, %dma_start3A_85] : memref<10240x128xf32, #tpu.memory_space<hbm>> -> memref<10240x128xf32, #tpu.memory_space<hbm>>
        tpu.enqueue_indirect_dma source(%dma_start3A_86 : memref<10240x128xf32, #tpu.memory_space<hbm>>) target(%arg9 : memref<128x128xf32, #tpu.memory_space<vmem>>) offsets(%dma_start3A_83 : memref<128xi32, #tpu.memory_space<vmem>>) semaphore(%arg12 : memref<!tpu.dma_semaphore, #tpu.memory_space<semaphore_mem>>)
      } else {
      }
      %dma_wait3A_73 = arith.constant 0 : i32
      %dma_wait3A_74 = tpu.memref_slice %arg7[%add3A_59, %dma_wait3A_73] : memref<40x128xi32, #tpu.memory_space<vmem>> -> memref<1x128xi32, #tpu.memory_space<vmem>>
      %dma_wait3A_75 = tpu.memref_squeeze %dma_wait3A_74 : memref<1x128xi32, #tpu.memory_space<vmem>> -> memref<128xi32, #tpu.memory_space<vmem>>
      %dma_wait3A_76 = arith.constant 0 : i32
      %dma_wait3A_77 = arith.constant 0 : i32
      %dma_wait3A_78 = tpu.memref_slice %arg2[%dma_wait3A_76, %dma_wait3A_77] : memref<10240x128xf32, #tpu.memory_space<hbm>> -> memref<10240x128xf32, #tpu.memory_space<hbm>>
      tpu.wait_indirect_dma semaphore(%arg13 : memref<!tpu.dma_semaphore, #tpu.memory_space<semaphore_mem>>) src(%dma_wait3A_78 : memref<10240x128xf32, #tpu.memory_space<hbm>>) dst(%arg10 : memref<128x128xf32, #tpu.memory_space<vmem>>)
      "tpu.region"() ({
        %run_scoped3A = tpu.sem_alloc : memref<!tpu.dma_semaphore, #tpu.memory_space<semaphore_mem>>
        %dma_start3A_79 = arith.constant 0 : i32
        %dma_start3A_80 = tpu.memref_slice %arg8[%add3A_59, %dma_start3A_79] : memref<40x128xi32, #tpu.memory_space<vmem>> -> memref<1x128xi32, #tpu.memory_space<vmem>>
        %dma_start3A_81 = tpu.memref_squeeze %dma_start3A_80 : memref<1x128xi32, #tpu.memory_space<vmem>> -> memref<128xi32, #tpu.memory_space<vmem>>
        %dma_start3A_82 = arith.constant 0 : i32
        %dma_start3A_83 = arith.constant 0 : i32
        %dma_start3A_84 = tpu.memref_slice %arg11[%dma_start3A_82, %dma_start3A_83] : memref<10240x128xf32, #tpu.memory_space<vmem_shared>> -> memref<10240x128xf32, #tpu.memory_space<vmem_shared>>
        tpu.enqueue_indirect_dma source(%arg10 : memref<128x128xf32, #tpu.memory_space<vmem>>) target(%dma_start3A_84 : memref<10240x128xf32, #tpu.memory_space<vmem_shared>>) offsets(%dma_start3A_81 : memref<128xi32, #tpu.memory_space<vmem>>) semaphore(%run_scoped3A : memref<!tpu.dma_semaphore, #tpu.memory_space<semaphore_mem>>) {add = true}
        %dma_wait3A_85 = arith.constant 0 : i32
        %dma_wait3A_86 = tpu.memref_slice %arg8[%add3A_59, %dma_wait3A_85] : memref<40x128xi32, #tpu.memory_space<vmem>> -> memref<1x128xi32, #tpu.memory_space<vmem>>
        %dma_wait3A_87 = tpu.memref_squeeze %dma_wait3A_86 : memref<1x128xi32, #tpu.memory_space<vmem>> -> memref<128xi32, #tpu.memory_space<vmem>>
        %dma_wait3A_88 = arith.constant 0 : i32
        %dma_wait3A_89 = arith.constant 0 : i32
        %dma_wait3A_90 = tpu.memref_slice %arg11[%dma_wait3A_88, %dma_wait3A_89] : memref<10240x128xf32, #tpu.memory_space<vmem_shared>> -> memref<10240x128xf32, #tpu.memory_space<vmem_shared>>
        tpu.wait_indirect_dma semaphore(%run_scoped3A : memref<!tpu.dma_semaphore, #tpu.memory_space<semaphore_mem>>) src(%arg10 : memref<128x128xf32, #tpu.memory_space<vmem>>) dst(%dma_wait3A_90 : memref<10240x128xf32, #tpu.memory_space<vmem_shared>>)
        tpu.yield
      }) : () -> ()
    }
    %scan3A_44 = arith.constant 20 : i32
    %barrier3A_45 = arith.constant 0 : index
    tpu.barrier barrier_id(%barrier3A_45)
    %mul3A_46 = arith.constant 640 : i32
    %mul3A_47 = arith.muli %arg1, %mul3A_46 : i32
    %mul3A_48 = arith.constant 10240 : i32
    %mul3A_49 = arith.muli %arg0, %mul3A_48 : i32
    %mul3A_50 = arith.constant 640 : i32
    %mul3A_51 = arith.muli %arg1, %mul3A_50 : i32
    %add3A_52 = arith.addi %mul3A_49, %mul3A_51 : i32
    "tpu.region"() ({
      %run_scoped3A = tpu.sem_alloc : memref<!tpu.dma_semaphore, #tpu.memory_space<semaphore_mem>>
      %dma_start3A_53 = arith.constant 0 : i32
      %dma_start3A_54 = tpu.memref_slice %arg6[%add3A_52, %dma_start3A_53] : memref<20480x128xf32, #tpu.memory_space<hbm>> -> memref<640x128xf32, #tpu.memory_space<hbm>>
      %dma_start3A_55 = arith.constant 0 : i32
      %dma_start3A_56 = tpu.memref_slice %arg11[%mul3A_47, %dma_start3A_55] : memref<10240x128xf32, #tpu.memory_space<vmem_shared>> -> memref<640x128xf32, #tpu.memory_space<vmem_shared>>
      tpu.enqueue_dma source(%dma_start3A_56 : memref<640x128xf32, #tpu.memory_space<vmem_shared>>) target(%dma_start3A_54 : memref<640x128xf32, #tpu.memory_space<hbm>>) target_semaphore(%run_scoped3A : memref<!tpu.dma_semaphore, #tpu.memory_space<semaphore_mem>>)
      %dma_wait3A = arith.constant 0 : i32
      %dma_wait3A_57 = tpu.memref_slice %arg6[%add3A_52, %dma_wait3A] : memref<20480x128xf32, #tpu.memory_space<hbm>> -> memref<640x128xf32, #tpu.memory_space<hbm>>
      %dma_wait3A_58 = arith.constant 0 : i32
      %dma_wait3A_59 = tpu.memref_slice %arg11[%mul3A_47, %dma_wait3A_58] : memref<10240x128xf32, #tpu.memory_space<vmem_shared>> -> memref<640x128xf32, #tpu.memory_space<vmem_shared>>
      tpu.wait_dma2 semaphore(%run_scoped3A : memref<!tpu.dma_semaphore, #tpu.memory_space<semaphore_mem>>) src(%dma_wait3A_59 : memref<640x128xf32, #tpu.memory_space<vmem_shared>>) dst(%dma_wait3A_57 : memref<640x128xf32, #tpu.memory_space<hbm>>)
      tpu.yield
    }) : () -> ()
    return
  }
}

module attributes {stable_mosaic.version = 14 : i64} {
  func.func @_t0_body(%arg0: i32, %arg1: memref<640x1xf32, #tpu.memory_space<vmem>>, %arg2: memref<640x1xf32, #tpu.memory_space<vmem>>, %arg3: memref<640x128xf32, #tpu.memory_space<vmem>>, %arg4: memref<128x128xf32, #tpu.memory_space<vmem>>, %arg5: memref<640x128xf32, #tpu.memory_space<vmem>>, %arg6: memref<640x1xf32, #tpu.memory_space<vmem>>) attributes {dimension_semantics = [#tpu.dimension_semantics<arbitrary>], iteration_bounds = array<i64: 16>, scalar_prefetch = 0 : i64, scratch_operands = 0 : i64, tpu.core_type = #tpu.core_type<tc>, window_params = [{transform_indices = @transform_0, window_bounds = array<i64: 640, 1>}, {transform_indices = @transform_1, window_bounds = array<i64: 640, 1>}, {transform_indices = @transform_2, window_bounds = array<i64: 640, 128>}, {pipeline_mode = #tpu.pipeline_mode<synchronous>, transform_indices = @transform_3, window_bounds = array<i64: 128, 128>}, {transform_indices = @transform_4, window_bounds = array<i64: 640, 128>}, {transform_indices = @transform_5, window_bounds = array<i64: 640, 1>}]} {
    %get3A = arith.constant 0 : index
    %get3A_0 = arith.constant 0 : index
    %get3A_1 = vector.load %arg1[%get3A, %get3A_0] : memref<640x1xf32, #tpu.memory_space<vmem>>, vector<640x1xf32>
    %get3A_2 = arith.constant 0 : index
    %get3A_3 = arith.constant 0 : index
    %get3A_4 = vector.load %arg2[%get3A_2, %get3A_3] : memref<640x1xf32, #tpu.memory_space<vmem>>, vector<640x1xf32>
    %add3A = arith.addf %get3A_1, %get3A_4 : vector<640x1xf32>
    %add3A_5 = arith.constant 1.000000e+00 : f32
    %add3A_6 = vector.broadcast %add3A_5 : f32 to vector<640x1xf32>
    %add3A_7 = arith.addf %add3A, %add3A_6 : vector<640x1xf32>
    %gt3A = arith.constant 0.000000e+00 : f32
    %gt3A_8 = vector.broadcast %gt3A : f32 to vector<640x1xf32>
    %gt3A_9 = arith.cmpf ogt, %add3A_7, %gt3A_8 : vector<640x1xf32>
    %rsqrt3A = math.rsqrt %add3A_7 : vector<640x1xf32>
    %jit3A = arith.constant 0.000000e+00 : f32
    %broadcast_in_dim3A = vector.broadcast %jit3A : f32 to vector<640x1xf32>
    %select_n3A = arith.select %gt3A_9, %rsqrt3A, %broadcast_in_dim3A : vector<640x1xi1>, vector<640x1xf32>
    %get3A_10 = arith.constant 0 : index
    %get3A_11 = arith.constant 0 : index
    %get3A_12 = vector.load %arg3[%get3A_10, %get3A_11] : memref<640x128xf32, #tpu.memory_space<vmem>>, vector<640x128xf32>
    %get3A_13 = arith.constant 0 : index
    %get3A_14 = arith.constant 0 : index
    %get3A_15 = vector.load %arg4[%get3A_13, %get3A_14] : memref<128x128xf32, #tpu.memory_space<vmem>>, vector<128x128xf32>
    %dot_general3A = arith.constant dense<0.000000e+00> : vector<640x128xf32>
    %dot_general3A_16 = tpu.matmul %get3A_12, %get3A_15, %dot_general3A {dimension_numbers = #tpu.dot_dimension_numbers<[1], [0], [0], [1], [0, 0, 1, 1], [], []>, transpose_lhs_hint = false} : vector<640x128xf32>, vector<128x128xf32>, vector<640x128xf32> -> vector<640x128xf32>
    %mul3A = vector.broadcast %select_n3A : vector<640x1xf32> to vector<640x128xf32>
    %mul3A_17 = arith.mulf %dot_general3A_16, %mul3A : vector<640x128xf32>
    %swap3A = arith.constant 0 : index
    %swap3A_18 = arith.constant 0 : index
    %swap3A_19 = vector.load %arg5[%swap3A, %swap3A_18] : memref<640x128xf32, #tpu.memory_space<vmem>>, vector<640x128xf32>
    tpu.vector_store %arg5[%swap3A, %swap3A_18], %mul3A_17 {strides = array<i32>} : memref<640x128xf32, #tpu.memory_space<vmem>>, vector<640x128xf32>,
    %swap3A_20 = arith.constant 0 : index
    %swap3A_21 = arith.constant 0 : index
    %swap3A_22 = vector.load %arg6[%swap3A_20, %swap3A_21] : memref<640x1xf32, #tpu.memory_space<vmem>>, vector<640x1xf32>
    tpu.vector_store %arg6[%swap3A_20, %swap3A_21], %select_n3A {strides = array<i32>} : memref<640x1xf32, #tpu.memory_space<vmem>>, vector<640x1xf32>,
    return
  }
  func.func @transform_0(%arg0: i32) -> (i32, i32) {
    %c0_i32 = arith.constant 0 : i32
    %c0_i32_0 = arith.constant 0 : i32
    return %arg0, %c0_i32 : i32, i32
  }
  func.func @transform_1(%arg0: i32) -> (i32, i32) {
    %add3A = arith.constant 16 : i32
    %add3A_0 = arith.addi %arg0, %add3A : i32
    %c0_i32 = arith.constant 0 : i32
    %c0_i32_1 = arith.constant 0 : i32
    return %add3A_0, %c0_i32 : i32, i32
  }
  func.func @transform_2(%arg0: i32) -> (i32, i32) {
    %c0_i32 = arith.constant 0 : i32
    %c0_i32_0 = arith.constant 0 : i32
    return %arg0, %c0_i32 : i32, i32
  }
  func.func @transform_3(%arg0: i32) -> (i32, i32) {
    %c0_i32 = arith.constant 0 : i32
    %c0_i32_0 = arith.constant 0 : i32
    %c0_i32_1 = arith.constant 0 : i32
    return %c0_i32, %c0_i32_0 : i32, i32
  }
  func.func @transform_4(%arg0: i32) -> (i32, i32) {
    %c0_i32 = arith.constant 0 : i32
    %c0_i32_0 = arith.constant 0 : i32
    return %arg0, %c0_i32 : i32, i32
  }
  func.func @transform_5(%arg0: i32) -> (i32, i32) {
    %c0_i32 = arith.constant 0 : i32
    %c0_i32_0 = arith.constant 0 : i32
    return %arg0, %c0_i32 : i32, i32
  }
}

module attributes {stable_mosaic.version = 14 : i64} {
  func.func @_t1_body(%arg0: i32, %arg1: memref<640x128xf32, #tpu.memory_space<vmem>>, %arg2: memref<640x128xf32, #tpu.memory_space<vmem>>, %arg3: memref<640x128xf32, #tpu.memory_space<vmem>>, %arg4: memref<640x1xf32, #tpu.memory_space<vmem>>, %arg5: memref<1x128xf32, #tpu.memory_space<vmem>>, %arg6: memref<1x128xf32, #tpu.memory_space<vmem>>, %arg7: memref<1x128xf32, #tpu.memory_space<vmem>>, %arg8: memref<128x128xf32, #tpu.memory_space<vmem>>, %arg9: memref<640x128xf32, #tpu.memory_space<vmem>>) attributes {dimension_semantics = [#tpu.dimension_semantics<arbitrary>], iteration_bounds = array<i64: 16>, scalar_prefetch = 0 : i64, scratch_operands = 0 : i64, tpu.core_type = #tpu.core_type<tc>, window_params = [{transform_indices = @transform_0, window_bounds = array<i64: 640, 128>}, {transform_indices = @transform_1, window_bounds = array<i64: 640, 128>}, {transform_indices = @transform_2, window_bounds = array<i64: 640, 128>}, {transform_indices = @transform_3, window_bounds = array<i64: 640, 1>}, {pipeline_mode = #tpu.pipeline_mode<synchronous>, transform_indices = @transform_4, window_bounds = array<i64: 1, 128>}, {pipeline_mode = #tpu.pipeline_mode<synchronous>, transform_indices = @transform_5, window_bounds = array<i64: 1, 128>}, {pipeline_mode = #tpu.pipeline_mode<synchronous>, transform_indices = @transform_6, window_bounds = array<i64: 1, 128>}, {pipeline_mode = #tpu.pipeline_mode<synchronous>, transform_indices = @transform_7, window_bounds = array<i64: 128, 128>}, {transform_indices = @transform_8, window_bounds = array<i64: 640, 128>}]} {
    %get3A = arith.constant 0 : index
    %get3A_0 = arith.constant 0 : index
    %get3A_1 = vector.load %arg4[%get3A, %get3A_0] : memref<640x1xf32, #tpu.memory_space<vmem>>, vector<640x1xf32>
    %get3A_2 = arith.constant 0 : index
    %get3A_3 = arith.constant 0 : index
    %get3A_4 = vector.load %arg1[%get3A_2, %get3A_3] : memref<640x128xf32, #tpu.memory_space<vmem>>, vector<640x128xf32>
    %get3A_5 = arith.constant 0 : index
    %get3A_6 = arith.constant 0 : index
    %get3A_7 = vector.load %arg2[%get3A_5, %get3A_6] : memref<640x128xf32, #tpu.memory_space<vmem>>, vector<640x128xf32>
    %add3A = arith.addf %get3A_4, %get3A_7 : vector<640x128xf32>
    %get3A_8 = arith.constant 0 : index
    %get3A_9 = arith.constant 0 : index
    %get3A_10 = vector.load %arg3[%get3A_8, %get3A_9] : memref<640x128xf32, #tpu.memory_space<vmem>>, vector<640x128xf32>
    %add3A_11 = arith.addf %add3A, %get3A_10 : vector<640x128xf32>
    %mul3A = vector.broadcast %get3A_1 : vector<640x1xf32> to vector<640x128xf32>
    %mul3A_12 = arith.mulf %mul3A, %add3A_11 : vector<640x128xf32>
    %get3A_13 = arith.constant 0 : index
    %get3A_14 = arith.constant 0 : index
    %get3A_15 = vector.load %arg5[%get3A_13, %get3A_14] : memref<1x128xf32, #tpu.memory_space<vmem>>, vector<1x128xf32>
    %add3A_16 = vector.broadcast %get3A_15 : vector<1x128xf32> to vector<640x128xf32>
    %add3A_17 = arith.addf %mul3A_12, %add3A_16 : vector<640x128xf32>
    %get3A_18 = arith.constant 0 : index
    %get3A_19 = arith.constant 0 : index
    %get3A_20 = vector.load %arg6[%get3A_18, %get3A_19] : memref<1x128xf32, #tpu.memory_space<vmem>>, vector<1x128xf32>
    %mul3A_21 = arith.constant 0.999994993 : f32
    %mul3A_22 = vector.broadcast %mul3A_21 : f32 to vector<1x128xf32>
    %mul3A_23 = arith.mulf %get3A_20, %mul3A_22 : vector<1x128xf32>
    %mul3A_24 = vector.broadcast %mul3A_23 : vector<1x128xf32> to vector<640x128xf32>
    %mul3A_25 = arith.mulf %add3A_17, %mul3A_24 : vector<640x128xf32>
    %get3A_26 = arith.constant 0 : index
    %get3A_27 = arith.constant 0 : index
    %get3A_28 = vector.load %arg7[%get3A_26, %get3A_27] : memref<1x128xf32, #tpu.memory_space<vmem>>, vector<1x128xf32>
    %add3A_29 = vector.broadcast %get3A_28 : vector<1x128xf32> to vector<640x128xf32>
    %add3A_30 = arith.addf %mul3A_25, %add3A_29 : vector<640x128xf32>
    %max3A = arith.constant 0.000000e+00 : f32
    %max3A_31 = vector.broadcast %max3A : f32 to vector<640x128xf32>
    %max3A_32 = arith.maximumf %add3A_30, %max3A_31 : vector<640x128xf32>
    %get3A_33 = arith.constant 0 : index
    %get3A_34 = arith.constant 0 : index
    %get3A_35 = vector.load %arg8[%get3A_33, %get3A_34] : memref<128x128xf32, #tpu.memory_space<vmem>>, vector<128x128xf32>
    %dot_general3A = arith.constant dense<0.000000e+00> : vector<640x128xf32>
    %dot_general3A_36 = tpu.matmul %max3A_32, %get3A_35, %dot_general3A {dimension_numbers = #tpu.dot_dimension_numbers<[1], [0], [0], [1], [0, 0, 1, 1], [], []>, transpose_lhs_hint = false} : vector<640x128xf32>, vector<128x128xf32>, vector<640x128xf32> -> vector<640x128xf32>
    %mul3A_37 = vector.broadcast %get3A_1 : vector<640x1xf32> to vector<640x128xf32>
    %mul3A_38 = arith.mulf %mul3A_37, %dot_general3A_36 : vector<640x128xf32>
    %swap3A = arith.constant 0 : index
    %swap3A_39 = arith.constant 0 : index
    %swap3A_40 = vector.load %arg9[%swap3A, %swap3A_39] : memref<640x128xf32, #tpu.memory_space<vmem>>, vector<640x128xf32>
    tpu.vector_store %arg9[%swap3A, %swap3A_39], %mul3A_38 {strides = array<i32>} : memref<640x128xf32, #tpu.memory_space<vmem>>, vector<640x128xf32>,
    return
  }
  func.func @transform_0(%arg0: i32) -> (i32, i32) {
    %c0_i32 = arith.constant 0 : i32
    %c0_i32_0 = arith.constant 0 : i32
    return %arg0, %c0_i32 : i32, i32
  }
  func.func @transform_1(%arg0: i32) -> (i32, i32) {
    %add3A = arith.constant 16 : i32
    %add3A_0 = arith.addi %arg0, %add3A : i32
    %c0_i32 = arith.constant 0 : i32
    %c0_i32_1 = arith.constant 0 : i32
    return %add3A_0, %c0_i32 : i32, i32
  }
  func.func @transform_2(%arg0: i32) -> (i32, i32) {
    %c0_i32 = arith.constant 0 : i32
    %c0_i32_0 = arith.constant 0 : i32
    return %arg0, %c0_i32 : i32, i32
  }
  func.func @transform_3(%arg0: i32) -> (i32, i32) {
    %c0_i32 = arith.constant 0 : i32
    %c0_i32_0 = arith.constant 0 : i32
    return %arg0, %c0_i32 : i32, i32
  }
  func.func @transform_4(%arg0: i32) -> (i32, i32) {
    %c0_i32 = arith.constant 0 : i32
    %c0_i32_0 = arith.constant 0 : i32
    %c0_i32_1 = arith.constant 0 : i32
    return %c0_i32, %c0_i32_0 : i32, i32
  }
  func.func @transform_5(%arg0: i32) -> (i32, i32) {
    %c0_i32 = arith.constant 0 : i32
    %c0_i32_0 = arith.constant 0 : i32
    %c0_i32_1 = arith.constant 0 : i32
    return %c0_i32, %c0_i32_0 : i32, i32
  }
  func.func @transform_6(%arg0: i32) -> (i32, i32) {
    %c0_i32 = arith.constant 0 : i32
    %c0_i32_0 = arith.constant 0 : i32
    %c0_i32_1 = arith.constant 0 : i32
    return %c0_i32, %c0_i32_0 : i32, i32
  }
  func.func @transform_7(%arg0: i32) -> (i32, i32) {
    %c0_i32 = arith.constant 0 : i32
    %c0_i32_0 = arith.constant 0 : i32
    %c0_i32_1 = arith.constant 0 : i32
    return %c0_i32, %c0_i32_0 : i32, i32
  }
  func.func @transform_8(%arg0: i32) -> (i32, i32) {
    %c0_i32 = arith.constant 0 : i32
    %c0_i32_0 = arith.constant 0 : i32
    return %arg0, %c0_i32 : i32, i32
  }
}

module attributes {stable_mosaic.version = 14 : i64} {
  func.func @_t1b_body(%arg0: i32, %arg1: memref<640x128xf32, #tpu.memory_space<vmem>>, %arg2: memref<640x128xf32, #tpu.memory_space<vmem>>, %arg3: memref<640x128xf32, #tpu.memory_space<vmem>>, %arg4: memref<640x1xf32, #tpu.memory_space<vmem>>, %arg5: memref<1x128xf32, #tpu.memory_space<vmem>>, %arg6: memref<1x128xf32, #tpu.memory_space<vmem>>, %arg7: memref<1x128xf32, #tpu.memory_space<vmem>>, %arg8: memref<640x128xf32, #tpu.memory_space<vmem>>) attributes {dimension_semantics = [#tpu.dimension_semantics<arbitrary>], iteration_bounds = array<i64: 16>, scalar_prefetch = 0 : i64, scratch_operands = 0 : i64, tpu.core_type = #tpu.core_type<tc>, window_params = [{transform_indices = @transform_0, window_bounds = array<i64: 640, 128>}, {transform_indices = @transform_1, window_bounds = array<i64: 640, 128>}, {transform_indices = @transform_2, window_bounds = array<i64: 640, 128>}, {transform_indices = @transform_3, window_bounds = array<i64: 640, 1>}, {pipeline_mode = #tpu.pipeline_mode<synchronous>, transform_indices = @transform_4, window_bounds = array<i64: 1, 128>}, {pipeline_mode = #tpu.pipeline_mode<synchronous>, transform_indices = @transform_5, window_bounds = array<i64: 1, 128>}, {pipeline_mode = #tpu.pipeline_mode<synchronous>, transform_indices = @transform_6, window_bounds = array<i64: 1, 128>}, {transform_indices = @transform_7, window_bounds = array<i64: 640, 128>}]} {
    %get3A = arith.constant 0 : index
    %get3A_0 = arith.constant 0 : index
    %get3A_1 = vector.load %arg4[%get3A, %get3A_0] : memref<640x1xf32, #tpu.memory_space<vmem>>, vector<640x1xf32>
    %get3A_2 = arith.constant 0 : index
    %get3A_3 = arith.constant 0 : index
    %get3A_4 = vector.load %arg1[%get3A_2, %get3A_3] : memref<640x128xf32, #tpu.memory_space<vmem>>, vector<640x128xf32>
    %get3A_5 = arith.constant 0 : index
    %get3A_6 = arith.constant 0 : index
    %get3A_7 = vector.load %arg2[%get3A_5, %get3A_6] : memref<640x128xf32, #tpu.memory_space<vmem>>, vector<640x128xf32>
    %add3A = arith.addf %get3A_4, %get3A_7 : vector<640x128xf32>
    %get3A_8 = arith.constant 0 : index
    %get3A_9 = arith.constant 0 : index
    %get3A_10 = vector.load %arg3[%get3A_8, %get3A_9] : memref<640x128xf32, #tpu.memory_space<vmem>>, vector<640x128xf32>
    %add3A_11 = arith.addf %add3A, %get3A_10 : vector<640x128xf32>
    %mul3A = vector.broadcast %get3A_1 : vector<640x1xf32> to vector<640x128xf32>
    %mul3A_12 = arith.mulf %mul3A, %add3A_11 : vector<640x128xf32>
    %get3A_13 = arith.constant 0 : index
    %get3A_14 = arith.constant 0 : index
    %get3A_15 = vector.load %arg5[%get3A_13, %get3A_14] : memref<1x128xf32, #tpu.memory_space<vmem>>, vector<1x128xf32>
    %add3A_16 = vector.broadcast %get3A_15 : vector<1x128xf32> to vector<640x128xf32>
    %add3A_17 = arith.addf %mul3A_12, %add3A_16 : vector<640x128xf32>
    %get3A_18 = arith.constant 0 : index
    %get3A_19 = arith.constant 0 : index
    %get3A_20 = vector.load %arg6[%get3A_18, %get3A_19] : memref<1x128xf32, #tpu.memory_space<vmem>>, vector<1x128xf32>
    %mul3A_21 = arith.constant 0.999994993 : f32
    %mul3A_22 = vector.broadcast %mul3A_21 : f32 to vector<1x128xf32>
    %mul3A_23 = arith.mulf %get3A_20, %mul3A_22 : vector<1x128xf32>
    %mul3A_24 = vector.broadcast %mul3A_23 : vector<1x128xf32> to vector<640x128xf32>
    %mul3A_25 = arith.mulf %add3A_17, %mul3A_24 : vector<640x128xf32>
    %get3A_26 = arith.constant 0 : index
    %get3A_27 = arith.constant 0 : index
    %get3A_28 = vector.load %arg7[%get3A_26, %get3A_27] : memref<1x128xf32, #tpu.memory_space<vmem>>, vector<1x128xf32>
    %add3A_29 = vector.broadcast %get3A_28 : vector<1x128xf32> to vector<640x128xf32>
    %add3A_30 = arith.addf %mul3A_25, %add3A_29 : vector<640x128xf32>
    %max3A = arith.constant 0.000000e+00 : f32
    %max3A_31 = vector.broadcast %max3A : f32 to vector<640x128xf32>
    %max3A_32 = arith.maximumf %add3A_30, %max3A_31 : vector<640x128xf32>
    %mul3A_33 = vector.broadcast %get3A_1 : vector<640x1xf32> to vector<640x128xf32>
    %mul3A_34 = arith.mulf %mul3A_33, %max3A_32 : vector<640x128xf32>
    %swap3A = arith.constant 0 : index
    %swap3A_35 = arith.constant 0 : index
    %swap3A_36 = vector.load %arg8[%swap3A, %swap3A_35] : memref<640x128xf32, #tpu.memory_space<vmem>>, vector<640x128xf32>
    tpu.vector_store %arg8[%swap3A, %swap3A_35], %mul3A_34 {strides = array<i32>} : memref<640x128xf32, #tpu.memory_space<vmem>>, vector<640x128xf32>,
    return
  }
  func.func @transform_0(%arg0: i32) -> (i32, i32) {
    %c0_i32 = arith.constant 0 : i32
    %c0_i32_0 = arith.constant 0 : i32
    return %arg0, %c0_i32 : i32, i32
  }
  func.func @transform_1(%arg0: i32) -> (i32, i32) {
    %add3A = arith.constant 16 : i32
    %add3A_0 = arith.addi %arg0, %add3A : i32
    %c0_i32 = arith.constant 0 : i32
    %c0_i32_1 = arith.constant 0 : i32
    return %add3A_0, %c0_i32 : i32, i32
  }
  func.func @transform_2(%arg0: i32) -> (i32, i32) {
    %c0_i32 = arith.constant 0 : i32
    %c0_i32_0 = arith.constant 0 : i32
    return %arg0, %c0_i32 : i32, i32
  }
  func.func @transform_3(%arg0: i32) -> (i32, i32) {
    %c0_i32 = arith.constant 0 : i32
    %c0_i32_0 = arith.constant 0 : i32
    return %arg0, %c0_i32 : i32, i32
  }
  func.func @transform_4(%arg0: i32) -> (i32, i32) {
    %c0_i32 = arith.constant 0 : i32
    %c0_i32_0 = arith.constant 0 : i32
    %c0_i32_1 = arith.constant 0 : i32
    return %c0_i32, %c0_i32_0 : i32, i32
  }
  func.func @transform_5(%arg0: i32) -> (i32, i32) {
    %c0_i32 = arith.constant 0 : i32
    %c0_i32_0 = arith.constant 0 : i32
    %c0_i32_1 = arith.constant 0 : i32
    return %c0_i32, %c0_i32_0 : i32, i32
  }
  func.func @transform_6(%arg0: i32) -> (i32, i32) {
    %c0_i32 = arith.constant 0 : i32
    %c0_i32_0 = arith.constant 0 : i32
    %c0_i32_1 = arith.constant 0 : i32
    return %c0_i32, %c0_i32_0 : i32, i32
  }
  func.func @transform_7(%arg0: i32) -> (i32, i32) {
    %c0_i32 = arith.constant 0 : i32
    %c0_i32_0 = arith.constant 0 : i32
    return %arg0, %c0_i32 : i32, i32
  }
}

module attributes {stable_mosaic.version = 14 : i64} {
  func.func @_t2_body(%arg0: i32, %arg1: memref<640x128xf32, #tpu.memory_space<vmem>>, %arg2: memref<640x128xf32, #tpu.memory_space<vmem>>, %arg3: memref<640x128xf32, #tpu.memory_space<vmem>>, %arg4: memref<640x1xf32, #tpu.memory_space<vmem>>, %arg5: memref<128x64xf32, #tpu.memory_space<vmem>>, %arg6: memref<1x64xf32, #tpu.memory_space<vmem>>, %arg7: memref<64x64xf32, #tpu.memory_space<vmem>>, %arg8: memref<1x64xf32, #tpu.memory_space<vmem>>, %arg9: memref<64x64xf32, #tpu.memory_space<vmem>>, %arg10: memref<1x64xf32, #tpu.memory_space<vmem>>, %arg11: memref<640x64xf32, #tpu.memory_space<vmem>>) attributes {dimension_semantics = [#tpu.dimension_semantics<arbitrary>], iteration_bounds = array<i64: 16>, scalar_prefetch = 0 : i64, scratch_operands = 0 : i64, tpu.core_type = #tpu.core_type<tc>, window_params = [{transform_indices = @transform_0, window_bounds = array<i64: 640, 128>}, {transform_indices = @transform_1, window_bounds = array<i64: 640, 128>}, {transform_indices = @transform_2, window_bounds = array<i64: 640, 128>}, {transform_indices = @transform_3, window_bounds = array<i64: 640, 1>}, {pipeline_mode = #tpu.pipeline_mode<synchronous>, transform_indices = @transform_4, window_bounds = array<i64: 128, 64>}, {pipeline_mode = #tpu.pipeline_mode<synchronous>, transform_indices = @transform_5, window_bounds = array<i64: 1, 64>}, {pipeline_mode = #tpu.pipeline_mode<synchronous>, transform_indices = @transform_6, window_bounds = array<i64: 64, 64>}, {pipeline_mode = #tpu.pipeline_mode<synchronous>, transform_indices = @transform_7, window_bounds = array<i64: 1, 64>}, {pipeline_mode = #tpu.pipeline_mode<synchronous>, transform_indices = @transform_8, window_bounds = array<i64: 64, 64>}, {pipeline_mode = #tpu.pipeline_mode<synchronous>, transform_indices = @transform_9, window_bounds = array<i64: 1, 64>}, {transform_indices = @transform_10, window_bounds = array<i64: 640, 64>}]} {
    %get3A = arith.constant 0 : index
    %get3A_0 = arith.constant 0 : index
    %get3A_1 = vector.load %arg4[%get3A, %get3A_0] : memref<640x1xf32, #tpu.memory_space<vmem>>, vector<640x1xf32>
    %get3A_2 = arith.constant 0 : index
    %get3A_3 = arith.constant 0 : index
    %get3A_4 = vector.load %arg1[%get3A_2, %get3A_3] : memref<640x128xf32, #tpu.memory_space<vmem>>, vector<640x128xf32>
    %get3A_5 = arith.constant 0 : index
    %get3A_6 = arith.constant 0 : index
    %get3A_7 = vector.load %arg2[%get3A_5, %get3A_6] : memref<640x128xf32, #tpu.memory_space<vmem>>, vector<640x128xf32>
    %add3A = arith.addf %get3A_4, %get3A_7 : vector<640x128xf32>
    %get3A_8 = arith.constant 0 : index
    %get3A_9 = arith.constant 0 : index
    %get3A_10 = vector.load %arg3[%get3A_8, %get3A_9] : memref<640x128xf32, #tpu.memory_space<vmem>>, vector<640x128xf32>
    %add3A_11 = arith.addf %add3A, %get3A_10 : vector<640x128xf32>
    %mul3A = vector.broadcast %get3A_1 : vector<640x1xf32> to vector<640x128xf32>
    %mul3A_12 = arith.mulf %mul3A, %add3A_11 : vector<640x128xf32>
    %get3A_13 = arith.constant 0 : index
    %get3A_14 = arith.constant 0 : index
    %get3A_15 = vector.load %arg5[%get3A_13, %get3A_14] : memref<128x64xf32, #tpu.memory_space<vmem>>, vector<128x64xf32>
    %dot_general3A = arith.constant dense<0.000000e+00> : vector<640x64xf32>
    %dot_general3A_16 = tpu.matmul %mul3A_12, %get3A_15, %dot_general3A {dimension_numbers = #tpu.dot_dimension_numbers<[1], [0], [0], [1], [0, 0, 1, 1], [], []>, transpose_lhs_hint = false} : vector<640x128xf32>, vector<128x64xf32>, vector<640x64xf32> -> vector<640x64xf32>
    %get3A_17 = arith.constant 0 : index
    %get3A_18 = arith.constant 0 : index
    %get3A_19 = vector.load %arg6[%get3A_17, %get3A_18] : memref<1x64xf32, #tpu.memory_space<vmem>>, vector<1x64xf32>
    %add3A_20 = vector.broadcast %get3A_19 : vector<1x64xf32> to vector<640x64xf32>
    %add3A_21 = arith.addf %dot_general3A_16, %add3A_20 : vector<640x64xf32>
    %get3A_22 = arith.constant 0 : index
    %get3A_23 = arith.constant 0 : index
    %get3A_24 = vector.load %arg7[%get3A_22, %get3A_23] : memref<64x64xf32, #tpu.memory_space<vmem>>, vector<64x64xf32>
    %dot_general3A_25 = arith.constant dense<0.000000e+00> : vector<640x64xf32>
    %dot_general3A_26 = tpu.matmul %add3A_21, %get3A_24, %dot_general3A_25 {dimension_numbers = #tpu.dot_dimension_numbers<[1], [1], [0], [0], [0, 0, 1, 0], [], []>, transpose_lhs_hint = false} : vector<640x64xf32>, vector<64x64xf32>, vector<640x64xf32> -> vector<640x64xf32>
    %get3A_27 = arith.constant 0 : index
    %get3A_28 = arith.constant 0 : index
    %get3A_29 = vector.load %arg8[%get3A_27, %get3A_28] : memref<1x64xf32, #tpu.memory_space<vmem>>, vector<1x64xf32>
    %add3A_30 = vector.broadcast %get3A_29 : vector<1x64xf32> to vector<640x64xf32>
    %add3A_31 = arith.addf %dot_general3A_26, %add3A_30 : vector<640x64xf32>
    %get3A_32 = arith.constant 0 : index
    %get3A_33 = arith.constant 0 : index
    %get3A_34 = vector.load %arg9[%get3A_32, %get3A_33] : memref<64x64xf32, #tpu.memory_space<vmem>>, vector<64x64xf32>
    %dot_general3A_35 = arith.constant dense<0.000000e+00> : vector<640x64xf32>
    %dot_general3A_36 = tpu.matmul %add3A_31, %get3A_34, %dot_general3A_35 {dimension_numbers = #tpu.dot_dimension_numbers<[1], [1], [0], [0], [0, 0, 1, 0], [], []>, transpose_lhs_hint = false} : vector<640x64xf32>, vector<64x64xf32>, vector<640x64xf32> -> vector<640x64xf32>
    %get3A_37 = arith.constant 0 : index
    %get3A_38 = arith.constant 0 : index
    %get3A_39 = vector.load %arg10[%get3A_37, %get3A_38] : memref<1x64xf32, #tpu.memory_space<vmem>>, vector<1x64xf32>
    %add3A_40 = vector.broadcast %get3A_39 : vector<1x64xf32> to vector<640x64xf32>
    %add3A_41 = arith.addf %dot_general3A_36, %add3A_40 : vector<640x64xf32>
    %add3A_42 = arith.addf %add3A_21, %add3A_41 : vector<640x64xf32>
    %swap3A = arith.constant 0 : index
    %swap3A_43 = arith.constant 0 : index
    %swap3A_44 = vector.load %arg11[%swap3A, %swap3A_43] : memref<640x64xf32, #tpu.memory_space<vmem>>, vector<640x64xf32>
    tpu.vector_store %arg11[%swap3A, %swap3A_43], %add3A_42 {strides = array<i32>} : memref<640x64xf32, #tpu.memory_space<vmem>>, vector<640x64xf32>,
    return
  }
  func.func @transform_0(%arg0: i32) -> (i32, i32) {
    %c0_i32 = arith.constant 0 : i32
    %c0_i32_0 = arith.constant 0 : i32
    return %arg0, %c0_i32 : i32, i32
  }
  func.func @transform_1(%arg0: i32) -> (i32, i32) {
    %add3A = arith.constant 16 : i32
    %add3A_0 = arith.addi %arg0, %add3A : i32
    %c0_i32 = arith.constant 0 : i32
    %c0_i32_1 = arith.constant 0 : i32
    return %add3A_0, %c0_i32 : i32, i32
  }
  func.func @transform_2(%arg0: i32) -> (i32, i32) {
    %c0_i32 = arith.constant 0 : i32
    %c0_i32_0 = arith.constant 0 : i32
    return %arg0, %c0_i32 : i32, i32
  }
  func.func @transform_3(%arg0: i32) -> (i32, i32) {
    %c0_i32 = arith.constant 0 : i32
    %c0_i32_0 = arith.constant 0 : i32
    return %arg0, %c0_i32 : i32, i32
  }
  func.func @transform_4(%arg0: i32) -> (i32, i32) {
    %c0_i32 = arith.constant 0 : i32
    %c0_i32_0 = arith.constant 0 : i32
    %c0_i32_1 = arith.constant 0 : i32
    return %c0_i32, %c0_i32_0 : i32, i32
  }
  func.func @transform_5(%arg0: i32) -> (i32, i32) {
    %c0_i32 = arith.constant 0 : i32
    %c0_i32_0 = arith.constant 0 : i32
    %c0_i32_1 = arith.constant 0 : i32
    return %c0_i32, %c0_i32_0 : i32, i32
  }
  func.func @transform_6(%arg0: i32) -> (i32, i32) {
    %c0_i32 = arith.constant 0 : i32
    %c0_i32_0 = arith.constant 0 : i32
    %c0_i32_1 = arith.constant 0 : i32
    return %c0_i32, %c0_i32_0 : i32, i32
  }
  func.func @transform_7(%arg0: i32) -> (i32, i32) {
    %c0_i32 = arith.constant 0 : i32
    %c0_i32_0 = arith.constant 0 : i32
    %c0_i32_1 = arith.constant 0 : i32
    return %c0_i32, %c0_i32_0 : i32, i32
  }
  func.func @transform_8(%arg0: i32) -> (i32, i32) {
    %c0_i32 = arith.constant 0 : i32
    %c0_i32_0 = arith.constant 0 : i32
    %c0_i32_1 = arith.constant 0 : i32
    return %c0_i32, %c0_i32_0 : i32, i32
  }
  func.func @transform_9(%arg0: i32) -> (i32, i32) {
    %c0_i32 = arith.constant 0 : i32
    %c0_i32_0 = arith.constant 0 : i32
    %c0_i32_1 = arith.constant 0 : i32
    return %c0_i32, %c0_i32_0 : i32, i32
  }
  func.func @transform_10(%arg0: i32) -> (i32, i32) {
    %c0_i32 = arith.constant 0 : i32
    %c0_i32_0 = arith.constant 0 : i32
    return %arg0, %c0_i32 : i32, i32
  }
}

</mosaic_0001>

<sc_bundles>
// kernel: kernel.10.cloned.1.call-start
scs
__scs_entry_jumppad:
0x0: {  	(pc) =	sbr.rel $0x88, $3  }
0x1: {  	(tag) =	ssettag $0x0;
	lr =	simm.s32 $0x1  }
0x2: {  	[smem:$0x3F91] =	sst lr;
	_ =	strace $0xD0000000  }
0x3: {  	_ = 	snop  }
0x4: {  	_ = 	snop  }
0x5: {  	_ = 	snop  }
0x6: {  	_ = 	snop  }
0x7: {  	_ = 	snop  }
__scs_overlays_trampoline_lowered:
0x8: {  	[smem:$0x3FA0] =	sst s0  }
0x9: {  	[smem:$0x3FA1] =	sst s1  }
0xa: {  	[smem:$0x3FA2] =	sst s2  }
0xb: {  	[smem:$0x3FA3] =	sst s3  }
0xc: {  	[smem:$0x3FA4] =	sst s4  }
0xd: {  	[smem:$0x3FA5] =	sst s5  }
0xe: {  	[smem:$0x3FA6] =	sst s6  }
0xf: {  	[smem:$0x3FA7] =	sst s7  }
0x10: {  	[smem:$0x3FA8] =	sst s8  }
0x11: {  	[smem:$0x3FA9] =	sst s9;
	s0 =	simm.s32 @!p0 $0x0  }
0x12: {  	s1 =	sld [smem:$0x3F8F];
	s0 =	simm.s32 @p0 $0x1  }
0x13: {  	[smem:$0x3FAA] =	sst s0;
	s0 =	simm.s32 @!p1 $0x0  }
0x14: {  	s2 =	sld [smem:$0x3F8E];
	s0 =	simm.s32 @p1 $0x1  }
0x15: {  	[smem:$0x3FAB] =	sst s0;
	s0 =	simm.s32 @!p2 $0x0  }
0x16: {  	s3 =	sld [smem:$0x3FDB];
	s0 =	simm.s32 @p2 $0x1  }
0x17: {  	s4 =	simm.s32 $0x1BF5;
	[smem:$0x3FAD] =	sst s0  }
0x18: {  	s0 =	sld [smem:$0x3F90];
	_ =	swait.ge [sflag:s4], $0x0  }
0x19: {  	s7 =	sld [smem:$0x3F91]  }
0x1a: {  	s8 =	sadd.s32 $0xFFFFE003, lr  }
0x1b: {  	s9 =	sadd.s32 $0xFFFFFEF7, lr;
	s5 =	simm.s32 $0xFFFFFFFF;
	p2 =	slt.u32 s8, $0xFFFFF086  }
0x1c: {  	p1 =	slt.u32 s9, $0xF7A;
	s5 =	simm.s32 @!p2 $0x0  }
0x1d: {  	s5 =	simm.s32 @p1 $0x1;
	p0 =	seq.s32 s7, s2  }
0x1e: {  	s7 =	smul.u32 @!p0 $0xF7A, s2;
	p2 =	seq.s32 @!p0 s5, $0x0  }
0x1f: {  	s9 =	smul.u32 $0xF7A, s1;
	s8 =	simm.s32 @!p0 $0x1BF5;
	p2 =	por !p2, p0  }
0x20: {  	[sflag:s8] =	ssyncset.s32 @!p0 $0xFFFFF086;
	s6 =	sadd.s32 @!p0 s3, s7;
	s7 =	simm.s32 @!p0 $0x108  }
0x21: {  	s3 =	sadd.s32 s3, s9;
	s6 =	sadd.s32 @!p0 $0x88, s6;
	s7 =	simm.s32 @p2 $0x1082  }
0x22: {  	[simem:s7], [sflag:s8] =	dma.local @!p0 [hbm:s6], $0xF7A  }
0x23: {  	s9 =	sor.u32 $0xD0000000, s2;
	s6 =	simm.s32 $0x108;
	_ =	swait.ge @!p0 [sflag:s8], $0x0  }
0x24: {  	s3 =	sadd.s32 $0x88, s3;
	s6 =	simm.s32 @!p1 $0x1082;
	[sflag:s4] =	ssyncset.s32 $0xFFFFF086  }
0x25: {  	[simem:s6], [sflag:s4] =	dma.local [hbm:s3], $0xF7A  }
0x26: {  	[smem:$0x3F91] =	sst s1;
	(tag) =	ssettag s2;
	_ =	strace s9  }
0x27: {  	s1 =	sld [smem:$0x3FA1]  }
0x28: {  	s2 =	sld [smem:$0x3FA2]  }
0x29: {  	s4 =	sld [smem:$0x3FA4]  }
0x2a: {  	p0 =	seq.s32 s5, $0x0;
	s5 =	sld [smem:$0x3FA5]  }
0x2b: {  	s6 =	sld [smem:$0x3FA6]  }
0x2c: {  	s7 =	sld [smem:$0x3FA7]  }
0x2d: {  	s3 =	simm.s32 $0x108;
	s8 =	sld [smem:$0x3FA8]  }
0x2e: {  	s3 =	simm.s32 @!p0 $0x1082;
	s9 =	sld [smem:$0x3FA9]  }
0x2f: {  	lr =	sadd.s32 s0, s3;
	s0 =	sld [smem:$0x3FA0]  }
0x30: {  	s3 =	sld [smem:$0x3FA3]  }
0x31: {  	[smem:$0x3FAC] =	sst s10  }
0x32: {  	s10 =	sld [smem:$0x3FAA];
	_ =	sdelay $0x3  }
0x33: {  	p0 =	seq.s32 s10, $0x1;
	s10 =	sld [smem:$0x3FAC];
	_ =	sdelay $0x3  }
0x34: {  	[smem:$0x3FAC] =	sst s10  }
0x35: {  	s10 =	sld [smem:$0x3FAB];
	_ =	sdelay $0x3  }
0x36: {  	p1 =	seq.s32 s10, $0x1;
	s10 =	sld [smem:$0x3FAC];
	_ =	sdelay $0x3  }
0x37: {  	[smem:$0x3FAC] =	sst s10  }
0x38: {  	s10 =	sld [smem:$0x3FAD]  }
0x39: {  	_ = 	snop;
	(pc) =	sbr.ind lr, $3  }
0x3a: {  	_ = 	snop  }
0x3b: {  	_ = 	snop  }
0x3c: {  	p2 =	seq.s32 s10, $0x1;
	s10 =	sld [smem:$0x3FAC]  }
0x3d: {  	_ =	shalt  }
0x3e: {  	_ =	shalt  }
0x3f: {  	_ =	shalt  }
0x40: {  	_ =	shalt  }
0x41: {  	_ =	shalt  }
0x42: {  	_ =	shalt  }
0x43: {  	_ =	shalt  }
0x44: {  	_ =	shalt  }
0x45: {  	_ =	shalt  }
0x46: {  	_ =	shalt  }
0x47: {  	_ =	shalt  }
0x48: {  	_ =	shalt  }
0x49: {  	_ =	shalt  }
0x4a: {  	_ =	shalt  }
0x4b: {  	_ =	shalt  }
0x4c: {  	_ =	shalt  }
0x4d: {  	_ =	shalt  }
0x4e: {  	_ =	shalt  }
0x4f: {  	_ =	shalt  }
0x50: {  	_ =	shalt  }
0x51: {  	_ =	shalt  }
0x52: {  	_ =	shalt  }
0x53: {  	_ =	shalt  }
0x54: {  	_ =	shalt  }
0x55: {  	_ =	shalt  }
0x56: {  	_ =	shalt  }
0x57: {  	_ =	shalt  }
0x58: {  	_ =	shalt  }
0x59: {  	_ =	shalt  }
0x5a: {  	_ =	shalt  }
0x5b: {  	_ =	shalt  }
0x5c: {  	_ =	shalt  }
0x5d: {  	_ =	shalt  }
0x5e: {  	_ =	shalt  }
0x5f: {  	_ =	shalt  }
0x60: {  	_ =	shalt  }
0x61: {  	_ =	shalt  }
0x62: {  	_ =	shalt  }
0x63: {  	_ =	shalt  }
0x64: {  	_ =	shalt  }
0x65: {  	_ =	shalt  }
0x66: {  	_ =	shalt  }
0x67: {  	_ =	shalt  }
0x68: {  	_ =	shalt  }
0x69: {  	_ =	shalt  }
0x6a: {  	_ =	shalt  }
0x6b: {  	_ =	shalt  }
0x6c: {  	_ =	shalt  }
0x6d: {  	_ =	shalt  }
0x6e: {  	_ =	shalt  }
0x6f: {  	_ =	shalt  }
0x70: {  	_ =	shalt  }
0x71: {  	_ =	shalt  }
0x72: {  	_ =	shalt  }
0x73: {  	_ =	shalt  }
0x74: {  	_ =	shalt  }
0x75: {  	_ =	shalt  }
0x76: {  	_ =	shalt  }
0x77: {  	_ =	shalt  }
0x78: {  	_ =	shalt  }
0x79: {  	_ =	shalt  }
0x7a: {  	_ =	shalt  }
0x7b: {  	_ =	shalt  }
0x7c: {  	_ =	shalt  }
0x7d: {  	_ =	shalt  }
0x7e: {  	_ =	shalt  }
0x7f: {  	_ =	shalt  }
0x80: {  	_ =	shalt  }
0x81: {  	_ =	shalt  }
0x82: {  	_ =	shalt  }
0x83: {  	_ =	shalt  }
0x84: {  	_ =	shalt  }
0x85: {  	_ =	shalt  }
0x86: {  	_ =	shalt  }
0x87: {  	_ =	shalt  }
.Lfunc_end0:
.L_simem_size_0:
called_computation_lowered:
.L_overlay_start_0:
0x88: {  	s2 =	sld [smem:$0x3FD9]  }
0x89: {  	s3 =	sld [smem:$0x3FFE];
	_ =	sdelay $0x1  }
0x8a: {  	s1 =	srdreg.scid  }
0x8b: {  	s0 =	sand.u32 $0x1, s1  }
0x8c: {  	s16 =	sshll.u32 s0, $0xA;
	s2 =	sadd.s32 s3, s2  }
0x8d: {  	s2 =	sadd.s32 s2, s16  }
0x8e: {  	[smem:$0x3FB8] =	sst s2  }
0x8f: {  	_ = 	snop  }
0x90: {  	(tm) =	ssettm $0x1  }
0x91: {  	s17 =	sld [smem:$0x3FFB];
	_ =	sdelay $0x3  }
0x92: {  	_ =	strace s17  }
0x93: {  	s2 =	sld [smem:$0x3FFC];
	_ =	sdelay $0x3  }
0x94: {  	_ =	strace s2  }
0x95: {  	s2 =	sld [smem:$0x3FFD];
	_ =	sdelay $0x3  }
0x96: {  	_ =	strace s2  }
0x97: {  	_ =	strace $0x8FFFFFFF  }
0x98: {  	s18 =	sld [smem:$0x3FDB];
	_ =	sdelay $0x1  }
0x99: {  	s19 =	simm.s32 $_scs_section_size  }
0x9a: {  	s4 =	simm.s32 $_size__tile_overlayer_lowered;
	s5 =	simm.s32 $_tile_overlayer_lowered  }
0x9b: {  	s22 =	simm.s32 $0x1BFF;
	s21 =	sshll.u32 s5, $0x1;
	s2 =	sadd.s32 s19, s18  }
0x9c: {  	s6 =	simm.s32 $0x0;
	s20 =	sshll.u32 s4, $0x1;
	s4 =	sadd.s32 s21, s2  }
0x9d: {  	[timem:s6], [sflag:s22] =	dma.local [hbm:s4], s20  }
0x9e: {  	_ =	swait.ge [sflag:s22], s20  }
0x9f: {  	s3 =	ssub.s32 $0x0, s20;
	[sflag:s22] =	ssyncset.done $0x0  }
0xa0: {  	[sflag:s22] =	ssyncadd.s32 s3;
	_ =	sdelay $0x1  }
0xa1: {  	s23 =	simm.s32 $0x1B8B  }
0xa2: {  	_ =	swait.ge [sflag:s23], $0x1  }
0xa3: {  	[sflag:s23] =	ssyncset.done $0x0  }
0xa4: {  	s25 =	simm.s32 $0x1B8E;
	s24 =	sld [smem:$0x3FFE];
	[sflag:s23] =	ssyncadd.s32 $0xFFFFFFFF  }
0xa5: {  	s26 =	simm.s32 $execute0_lowered;
	[smem:$0x3FD2] =	sst s25  }
0xa6: {  	s4 =	sshll.u32 s26, $0x1;
	_ =	strace $0x80000046;
	[dreg:$0x1] =	wrdreg $0xFFFFFFFF  }
0xa7: {  	s28 =	simm.s32 $_size_execute0_lowered;
	s2 =	sadd.s32 s2, s4;
	[dreg:$0x0] =	wrdreg $0x0  }
0xa8: {  	s4 =	sshll.u32 s28, $0x1;
	[dreg:$0x2] =	wrdreg s2  }
0xa9: {  	[dreg:$0x3] =	wrdreg s4  }
0xaa: {  	[dreg:$0x4] =	wrdreg $0xC0  }
0xab: {  	_ =	task [dreg:s6], $0x5FFFF  }
0xac: {  	[dreg:$0x1] =	wrdreg $0xFFFFFFFF  }
0xad: {  	[dreg:$0x0] =	wrdreg $0x60  }
0xae: {  	[dreg:$0x2] =	wrdreg s24  }
0xaf: {  	[dreg:$0x3] =	wrdreg $0x28800  }
0xb0: {  	[dreg:$0x4] =	wrdreg $0x9  }
0xb1: {  	_ =	task.clear_ibuf [dreg:s6], $0x5FFFF;
	_ =	strace $0x90000046  }
0xb2: {  	s29 =	simm.s32 $0x9;
	_ =	strace $0x80000048  }
0xb3: {  	_ =	swait.ge [sflag:s29], $0x1  }
0xb4: {  	[sflag:s29] =	ssyncadd.s32 $0xFFFFFFFF  }
0xb5: {  	_ =	strace $0x90000048  }
0xb6: {  	_ =	sfence  }
0xb7: {  	s30 =	sld [smem:$0x0];
	_ =	sdelay $0x2  }
0xb8: {  	s31 =	sshll.u32 s1, $0xD;
	s1 =	sshrl.u32 s1, $0x2  }
0xb9: {  	s3 =	sand.u32 $0x4000, s31;
	s1 =	sadd.s32 s1, s30  }
0xba: {  	s0 =	sor.u32 s3, s0;
	s1 =	sshll.u32 s1, $0x11  }
0xbb: {  	s0 =	sor.u32 s1, s0  }
0xbc: {  	s0 =	sadd.s32 $0x8F2B, s0  }
0xbd: {  	[sflag:s0] =	ssyncadd.remote.s32 $0x1  }
0xbe: {  	_ =	sfence.sel $0xFFFF  }
0xbf: {  	[dreg:$0x0] =	wrdreg $0xFFFFFFFF;
	(pc) =	sbr.abs _section_cstart, $3  }
0xc0: {  	[dreg:$0x1] =	wrdreg $0xFFFFFFFF  }
0xc1: {  	_ =	task.clear_ibuf [dreg:s6], $0x2FFFF;
	_ =	strace $0x9FFFFFFF  }
0xc2: {  	(tm) =	ssettm $0x7FFFFFFF  }
0xc3: {  	_ =	shalt  }
tec
execute0_lowered:
.L_overlay_start_1:
0x0: {  	(tag) =	ssettag $0x1  }
0x1: {  	s1 =	srdreg.scid  }
0x2: {  	s0 =	stileid.u32;
	s5 =	rddreg [dreg:$0x0]  }
0x3: {  	s2 =	rddreg [dreg:$0x1];
	s3 =	simm.s32 $0x0;
	s12 =	simm.s32 $0x2800  }
0x4: {  	s13 =	simm.s32 $0x80;
	s14 =	simm.s32 $0x0;
	s4 =	sand.u32 $0x1, s1  }
0x5: {  	s28 =	sshll.u32 s0, $0x1;
	s7 =	smul.u32 $0x280, s0;
	[smem:$0x7FF] =	sst s3  }
0x6: {  	s31 =	sshll.u32 s0, $0x6;
	s1 =	sor.u32 s4, s28;
	s8 =	smul.u32 $0x2800, s4  }
0x7: {  	s10 =	ssub.s32 $0x2, s4;
	s4 =	sadd.s32 $0xE400, s5;
	s6 =	smul.u32 $0x500, s1  }
0x8: {  	s1 =	rddreg [dreg:$0x2];
	_ =	strace $0x80000047;
	s29 =	sshrl.u32 s7, $0x3  }
0x9: {  	s11 =	sshrl.u32 s10, $0x1;
	s30 =	sadd.s32 s7, s2;
	s8 =	sadd.s32 s7, s8  }
0xa: {  	s10 =	ssub.s32 s10, s11;
	s11 =	simm.s32 $0x1;
	s8 =	sshrl.u32 s8, $0x3  }
0xb: {  	s9 =	sadd.s32 s6, s5;
	s6 =	sadd.s32 s29, s5;
	s8 =	sadd.s32 s8, s5  }
0xc: {  	s5 =	sadd.s32 $0xDE00, s6;
	s6 =	sor.u32 $0x1C01, s31;
	s7 =	sadd.s32 $0x3E00, s9  }
0xd: {  	s9 =	smax.u32 s10, $0x1;
	s10 =	sshrl.u32 s30, $0x3;
	s8 =	sadd.s32 $0xE600, s8  }
.LBB2_1:
0xe: {  	[spmem:s10], [sflag:s6] =	dma.local [hbm:s5], $0x50  }
0xf: {  	_ =	swait.ge [sflag:s11], $0x50  }
0x10: {  	[sflag:s11] =	ssyncset.done $0x0  }
0x11: {  	[sflag:s11] =	ssyncadd.s32 $0xFFFFFFB0  }
0x12: {  	[tilespmem:s12], [sflag:$0x1] =	stream.linear.gather [hbm4b:s4+s3], $0x80, $0x38;
	[tilespmem:$0x2B00] =	vst v63  }
0x13: {  	_ =	swait.ge [sflag:s11], $0x80  }
0x14: {  	[sflag:s11] =	ssyncset.done $0x0  }
0x15: {  	[sflag:s11] =	ssyncadd.s32 $0xFFFFFF80  }
0x16: {  	[tilespmem:s3], [sflag:$0x1] =	stream.linear.gather [hbm4b:s7+s3], $0x2800, $0x38;
	[tilespmem:$0x2B00] =	vst v63  }
0x17: {  	_ =	swait.ge [sflag:s11], $0x2800  }
0x18: {  	[sflag:s11] =	ssyncset.done $0x0  }
0x19: {  	[sflag:s11] =	ssyncadd.s32 $0xFFFFD800  }
0x1a: {  	s15 =	simm.s32 $0x0;
	[bflag:$0x0] =	sbarrier.arrive $0xFFFF  }
0x1b: {  	[spmem:s2] =	stream.indirect.scatter.add.f32 [tilespmem:s12], [sflag:$0x1], $0x1, s15, s13, $0xb8;
	[tilespmem:$0x2B00] =	vst v63  }
0x1c: {  	_ =	swait.ge [sflag:s11], $0x80  }
0x1d: {  	s15 =	simm.s32 $0x200;
	[sflag:s11] =	ssyncset.done $0x0  }
.LBB2_2:
0x1e: {  	s16 =	sshra.s32 s15, $0x2;
	[sflag:s11] =	ssyncadd.s32 $0xFFFFFF80;
	p0 =	sne.s32 s15, $0x9E00  }
0x1f: {  	[spmem:s2] =	stream.indirect.scatter.add.f32 [tilespmem:s12], [sflag:$0x1], $0x1, s16, s13, $0xb8;
	[tilespmem:$0x2B00] =	vst v63  }
.Ltmp0:
0x20: {  	_ = 	snop;
	(pc) =	sbr.rel @p0 .LBB2_2-.Ltmp0, $4  }
0x21: {  	_ = 	snop  }
0x22: {  	s15 =	sadd.s32 $0x200, s15  }
0x23: {  	_ =	swait.ge [sflag:s11], $0x80  }
0x24: {  	[sflag:s11] =	ssyncset.done $0x0  }
0x25: {  	s14 =	sadd.s32 $0x1, s14  }
0x26: {  	[sflag:s11] =	ssyncadd.s32 $0xFFFFFF80;
	p0 =	sne.s32 s14, s9  }
.Ltmp1:
0x27: {  	[bflag:$0x0] =	sbarrier.arrive $0xFFFF;
	(pc) =	sbr.rel @p0 .LBB2_1-.Ltmp1, $4  }
0x28: {  	[hbm:s8], [sflag:s6] =	dma.local [spmem:s10], $0x50  }
0x29: {  	_ =	swait.ge [sflag:s11], $0x50  }
0x2a: {  	[sflag:s11] =	ssyncset.done $0x0  }
0x2b: {  	[sflag:s11] =	ssyncadd.s32 $0xFFFFFFB0  }
0x2c: {  	_ =	sfence.sel $0x180000  }
0x2d: {  	[bflag:$0x0] =	sbarrier.arrive $0xFFFF  }
0x2e: {  	p0 =	sne.s32 s0, $0x0;
	_ =	strace $0x90000047  }
0x2f: {  	s0 =	sadd.s32 @!p0 $0x100000, s1;
	[bflag:$0x2] =	sbarrier.arrive $0xFFFF  }
0x30: {  	[sflag:s0] =	ssyncadd.tile.s32 @!p0 $0x1;
	_ =	shalt  }
.Lfunc_end2:
_tile_overlayer_lowered:
.L_overlay_start_2:
0x31: {  	(tag) =	ssettag $0x2  }
0x32: {  	s0 =	rddreg [dreg:$0x0];
	s2 =	stileid.u32  }
0x33: {  	s1 =	rddreg [dreg:$0x1];
	p0 =	sne.s32 s2, $0x0  }
0x34: {  	s3 =	rddreg [dreg:$0x2];
	[bflag:$0x3] =	sbarrier.arrive $0xFFFF;
	s2 =	simm.s32 @!p0 $0x1C01  }
0x35: {  	[timem:s3], [sflag:s2] =	dma.local @!p0 [hbm:s0], s1  }
0x36: {  	s0 =	simm.s32 @!p0 $0x1  }
0x37: {  	_ =	swait.ge @!p0 [sflag:s0], s1  }
0x38: {  	s1 =	ssub.s32 @!p0 $0x0, s1;
	[sflag:s0] =	ssyncset.done @!p0 $0x0  }
0x39: {  	[sflag:s0] =	ssyncadd.s32 @!p0 s1  }
0x3a: {  	[bflag:$0x3] =	sbarrier.arrive $0xFFFF  }
0x3b: {  	_ =	shalt  }

// kernel: kernel.13.cloned.1.call-start
scs
__scs_entry_jumppad:
0x0: {  	(pc) =	sbr.rel $0x88, $3  }
0x1: {  	(tag) =	ssettag $0x0;
	lr =	simm.s32 $0x1  }
0x2: {  	[smem:$0x3F91] =	sst lr;
	_ =	strace $0xD0000000  }
0x3: {  	_ = 	snop  }
0x4: {  	_ = 	snop  }
0x5: {  	_ = 	snop  }
0x6: {  	_ = 	snop  }
0x7: {  	_ = 	snop  }
__scs_overlays_trampoline_lowered:
0x8: {  	[smem:$0x3FA0] =	sst s0  }
0x9: {  	[smem:$0x3FA1] =	sst s1  }
0xa: {  	[smem:$0x3FA2] =	sst s2  }
0xb: {  	[smem:$0x3FA3] =	sst s3  }
0xc: {  	[smem:$0x3FA4] =	sst s4  }
0xd: {  	[smem:$0x3FA5] =	sst s5  }
0xe: {  	[smem:$0x3FA6] =	sst s6  }
0xf: {  	[smem:$0x3FA7] =	sst s7  }
0x10: {  	[smem:$0x3FA8] =	sst s8  }
0x11: {  	[smem:$0x3FA9] =	sst s9;
	s0 =	simm.s32 @!p0 $0x0  }
0x12: {  	s1 =	sld [smem:$0x3F8F];
	s0 =	simm.s32 @p0 $0x1  }
0x13: {  	[smem:$0x3FAA] =	sst s0;
	s0 =	simm.s32 @!p1 $0x0  }
0x14: {  	s2 =	sld [smem:$0x3F8E];
	s0 =	simm.s32 @p1 $0x1  }
0x15: {  	[smem:$0x3FAB] =	sst s0;
	s0 =	simm.s32 @!p2 $0x0  }
0x16: {  	s3 =	sld [smem:$0x3FDB];
	s0 =	simm.s32 @p2 $0x1  }
0x17: {  	s4 =	simm.s32 $0x1BF5;
	[smem:$0x3FAD] =	sst s0  }
0x18: {  	s0 =	sld [smem:$0x3F90];
	_ =	swait.ge [sflag:s4], $0x0  }
0x19: {  	s7 =	sld [smem:$0x3F91]  }
0x1a: {  	s8 =	sadd.s32 $0xFFFFE003, lr  }
0x1b: {  	s9 =	sadd.s32 $0xFFFFFEF7, lr;
	s5 =	simm.s32 $0xFFFFFFFF;
	p2 =	slt.u32 s8, $0xFFFFF086  }
0x1c: {  	p1 =	slt.u32 s9, $0xF7A;
	s5 =	simm.s32 @!p2 $0x0  }
0x1d: {  	s5 =	simm.s32 @p1 $0x1;
	p0 =	seq.s32 s7, s2  }
0x1e: {  	s7 =	smul.u32 @!p0 $0xF7A, s2;
	p2 =	seq.s32 @!p0 s5, $0x0  }
0x1f: {  	s9 =	smul.u32 $0xF7A, s1;
	s8 =	simm.s32 @!p0 $0x1BF5;
	p2 =	por !p2, p0  }
0x20: {  	[sflag:s8] =	ssyncset.s32 @!p0 $0xFFFFF086;
	s6 =	sadd.s32 @!p0 s3, s7;
	s7 =	simm.s32 @!p0 $0x108  }
0x21: {  	s3 =	sadd.s32 s3, s9;
	s6 =	sadd.s32 @!p0 $0x88, s6;
	s7 =	simm.s32 @p2 $0x1082  }
0x22: {  	[simem:s7], [sflag:s8] =	dma.local @!p0 [hbm:s6], $0xF7A  }
0x23: {  	s9 =	sor.u32 $0xD0000000, s2;
	s6 =	simm.s32 $0x108;
	_ =	swait.ge @!p0 [sflag:s8], $0x0  }
0x24: {  	s3 =	sadd.s32 $0x88, s3;
	s6 =	simm.s32 @!p1 $0x1082;
	[sflag:s4] =	ssyncset.s32 $0xFFFFF086  }
0x25: {  	[simem:s6], [sflag:s4] =	dma.local [hbm:s3], $0xF7A  }
0x26: {  	[smem:$0x3F91] =	sst s1;
	(tag) =	ssettag s2;
	_ =	strace s9  }
0x27: {  	s1 =	sld [smem:$0x3FA1]  }
0x28: {  	s2 =	sld [smem:$0x3FA2]  }
0x29: {  	s4 =	sld [smem:$0x3FA4]  }
0x2a: {  	p0 =	seq.s32 s5, $0x0;
	s5 =	sld [smem:$0x3FA5]  }
0x2b: {  	s6 =	sld [smem:$0x3FA6]  }
0x2c: {  	s7 =	sld [smem:$0x3FA7]  }
0x2d: {  	s3 =	simm.s32 $0x108;
	s8 =	sld [smem:$0x3FA8]  }
0x2e: {  	s3 =	simm.s32 @!p0 $0x1082;
	s9 =	sld [smem:$0x3FA9]  }
0x2f: {  	lr =	sadd.s32 s0, s3;
	s0 =	sld [smem:$0x3FA0]  }
0x30: {  	s3 =	sld [smem:$0x3FA3]  }
0x31: {  	[smem:$0x3FAC] =	sst s10  }
0x32: {  	s10 =	sld [smem:$0x3FAA];
	_ =	sdelay $0x3  }
0x33: {  	p0 =	seq.s32 s10, $0x1;
	s10 =	sld [smem:$0x3FAC];
	_ =	sdelay $0x3  }
0x34: {  	[smem:$0x3FAC] =	sst s10  }
0x35: {  	s10 =	sld [smem:$0x3FAB];
	_ =	sdelay $0x3  }
0x36: {  	p1 =	seq.s32 s10, $0x1;
	s10 =	sld [smem:$0x3FAC];
	_ =	sdelay $0x3  }
0x37: {  	[smem:$0x3FAC] =	sst s10  }
0x38: {  	s10 =	sld [smem:$0x3FAD]  }
0x39: {  	_ = 	snop;
	(pc) =	sbr.ind lr, $3  }
0x3a: {  	_ = 	snop  }
0x3b: {  	_ = 	snop  }
0x3c: {  	p2 =	seq.s32 s10, $0x1;
	s10 =	sld [smem:$0x3FAC]  }
0x3d: {  	_ =	shalt  }
0x3e: {  	_ =	shalt  }
0x3f: {  	_ =	shalt  }
0x40: {  	_ =	shalt  }
0x41: {  	_ =	shalt  }
0x42: {  	_ =	shalt  }
0x43: {  	_ =	shalt  }
0x44: {  	_ =	shalt  }
0x45: {  	_ =	shalt  }
0x46: {  	_ =	shalt  }
0x47: {  	_ =	shalt  }
0x48: {  	_ =	shalt  }
0x49: {  	_ =	shalt  }
0x4a: {  	_ =	shalt  }
0x4b: {  	_ =	shalt  }
0x4c: {  	_ =	shalt  }
0x4d: {  	_ =	shalt  }
0x4e: {  	_ =	shalt  }
0x4f: {  	_ =	shalt  }
0x50: {  	_ =	shalt  }
0x51: {  	_ =	shalt  }
0x52: {  	_ =	shalt  }
0x53: {  	_ =	shalt  }
0x54: {  	_ =	shalt  }
0x55: {  	_ =	shalt  }
0x56: {  	_ =	shalt  }
0x57: {  	_ =	shalt  }
0x58: {  	_ =	shalt  }
0x59: {  	_ =	shalt  }
0x5a: {  	_ =	shalt  }
0x5b: {  	_ =	shalt  }
0x5c: {  	_ =	shalt  }
0x5d: {  	_ =	shalt  }
0x5e: {  	_ =	shalt  }
0x5f: {  	_ =	shalt  }
0x60: {  	_ =	shalt  }
0x61: {  	_ =	shalt  }
0x62: {  	_ =	shalt  }
0x63: {  	_ =	shalt  }
0x64: {  	_ =	shalt  }
0x65: {  	_ =	shalt  }
0x66: {  	_ =	shalt  }
0x67: {  	_ =	shalt  }
0x68: {  	_ =	shalt  }
0x69: {  	_ =	shalt  }
0x6a: {  	_ =	shalt  }
0x6b: {  	_ =	shalt  }
0x6c: {  	_ =	shalt  }
0x6d: {  	_ =	shalt  }
0x6e: {  	_ =	shalt  }
0x6f: {  	_ =	shalt  }
0x70: {  	_ =	shalt  }
0x71: {  	_ =	shalt  }
0x72: {  	_ =	shalt  }
0x73: {  	_ =	shalt  }
0x74: {  	_ =	shalt  }
0x75: {  	_ =	shalt  }
0x76: {  	_ =	shalt  }
0x77: {  	_ =	shalt  }
0x78: {  	_ =	shalt  }
0x79: {  	_ =	shalt  }
0x7a: {  	_ =	shalt  }
0x7b: {  	_ =	shalt  }
0x7c: {  	_ =	shalt  }
0x7d: {  	_ =	shalt  }
0x7e: {  	_ =	shalt  }
0x7f: {  	_ =	shalt  }
0x80: {  	_ =	shalt  }
0x81: {  	_ =	shalt  }
0x82: {  	_ =	shalt  }
0x83: {  	_ =	shalt  }
0x84: {  	_ =	shalt  }
0x85: {  	_ =	shalt  }
0x86: {  	_ =	shalt  }
0x87: {  	_ =	shalt  }
.Lfunc_end0:
.L_simem_size_0:
called_computation.1_lowered:
.L_overlay_start_0:
0x88: {  	s2 =	sld [smem:$0x3FD9]  }
0x89: {  	s3 =	sld [smem:$0x3FFE];
	_ =	sdelay $0x1  }
0x8a: {  	s1 =	srdreg.scid  }
0x8b: {  	s0 =	sand.u32 $0x1, s1  }
0x8c: {  	s17 =	sshll.u32 s0, $0xA;
	s2 =	sadd.s32 s3, s2  }
0x8d: {  	s2 =	sadd.s32 s2, s17  }
0x8e: {  	[smem:$0x3FB8] =	sst s2  }
0x8f: {  	_ = 	snop  }
0x90: {  	s2 =	sld [smem:$0x3FD0];
	(tm) =	ssettm $0x1  }
0x91: {  	s18 =	sld [smem:$0x3FFB];
	_ =	sdelay $0x3  }
0x92: {  	_ =	strace s18  }
0x93: {  	s3 =	sld [smem:$0x3FFC];
	_ =	sdelay $0x3  }
0x94: {  	_ =	strace s3  }
0x95: {  	s3 =	sld [smem:$0x3FFD];
	_ =	sdelay $0x3  }
0x96: {  	_ =	strace s3  }
0x97: {  	_ =	strace $0x8FFFFFFF  }
0x98: {  	s19 =	sld [smem:$0x3FDB];
	_ =	sdelay $0x1  }
0x99: {  	s4 =	simm.s32 $_scs_section_size  }
0x9a: {  	s5 =	simm.s32 $_size__tile_overlayer_lowered;
	s6 =	simm.s32 $_tile_overlayer_lowered  }
0x9b: {  	s22 =	simm.s32 $0x1BFF;
	s21 =	sshll.u32 s6, $0x1;
	s3 =	sadd.s32 s4, s19  }
0x9c: {  	s7 =	simm.s32 $0x0;
	s20 =	sshll.u32 s5, $0x1;
	s5 =	sadd.s32 s21, s3  }
0x9d: {  	[timem:s7], [sflag:s22] =	dma.local [hbm:s5], s20  }
0x9e: {  	_ =	swait.ge [sflag:s22], s20  }
0x9f: {  	s4 =	ssub.s32 $0x0, s20;
	[sflag:s22] =	ssyncset.done $0x0  }
0xa0: {  	[sflag:s22] =	ssyncadd.s32 s4;
	_ =	sdelay $0x1  }
0xa1: {  	s23 =	simm.s32 $0x1B8B  }
0xa2: {  	_ =	swait.ge [sflag:s23], $0x1  }
0xa3: {  	[sflag:s23] =	ssyncset.done $0x0  }
0xa4: {  	s25 =	simm.s32 $0x1B8E;
	s24 =	sld [smem:$0x3FFE];
	[sflag:s23] =	ssyncadd.s32 $0xFFFFFFFF  }
0xa5: {  	s26 =	simm.s32 $execute0_lowered;
	[smem:$0x3FD2] =	sst s25  }
0xa6: {  	s5 =	sshll.u32 s26, $0x1;
	_ =	strace $0x80000049;
	[dreg:$0x1] =	wrdreg $0xFFFFFFFF  }
0xa7: {  	s28 =	simm.s32 $_size_execute0_lowered;
	s3 =	sadd.s32 s3, s5;
	[dreg:$0x0] =	wrdreg $0x0  }
0xa8: {  	s5 =	sshll.u32 s28, $0x1;
	[dreg:$0x2] =	wrdreg s3  }
0xa9: {  	[dreg:$0x3] =	wrdreg s5  }
0xaa: {  	[dreg:$0x4] =	wrdreg $0xC0  }
0xab: {  	_ =	task [dreg:s7], $0x5FFFF  }
0xac: {  	[dreg:$0x1] =	wrdreg $0xFFFFFFFF  }
0xad: {  	[dreg:$0x0] =	wrdreg $0x60  }
0xae: {  	[dreg:$0x2] =	wrdreg s24  }
0xaf: {  	[dreg:$0x3] =	wrdreg s2  }
0xb0: {  	[dreg:$0x4] =	wrdreg $0xA8000  }
0xb1: {  	[dreg:$0x5] =	wrdreg $0x9  }
0xb2: {  	_ =	task.clear_ibuf [dreg:s7], $0x6FFFF;
	_ =	strace $0x90000049  }
0xb3: {  	s29 =	simm.s32 $0x9;
	_ =	strace $0x8000004B  }
0xb4: {  	_ =	swait.ge [sflag:s29], $0x1  }
0xb5: {  	[sflag:s29] =	ssyncadd.s32 $0xFFFFFFFF  }
0xb6: {  	_ =	strace $0x9000004B  }
0xb7: {  	_ =	sfence  }
0xb8: {  	s30 =	sld [smem:$0x0];
	_ =	sdelay $0x2  }
0xb9: {  	s31 =	sshll.u32 s1, $0xD;
	s1 =	sshrl.u32 s1, $0x2  }
0xba: {  	s3 =	sand.u32 $0x4000, s31;
	s1 =	sadd.s32 s1, s30  }
0xbb: {  	s0 =	sor.u32 s3, s0;
	s1 =	sshll.u32 s1, $0x11  }
0xbc: {  	s0 =	sor.u32 s1, s0  }
0xbd: {  	s0 =	sadd.s32 $0x8F2B, s0  }
0xbe: {  	[sflag:s0] =	ssyncadd.remote.s32 $0x1  }
0xbf: {  	_ =	sfence.sel $0xFFFF  }
0xc0: {  	[dreg:$0x0] =	wrdreg $0xFFFFFFFF;
	(pc) =	sbr.abs _section_cstart, $3  }
0xc1: {  	[dreg:$0x1] =	wrdreg $0xFFFFFFFF  }
0xc2: {  	_ =	task.clear_ibuf [dreg:s7], $0x2FFFF;
	_ =	strace $0x9FFFFFFF  }
0xc3: {  	(tm) =	ssettm $0x7FFFFFFF  }
tec
execute0_lowered:
.L_overlay_start_1:
0x0: {  	(tag) =	ssettag $0x1  }
0x1: {  	s5 =	rddreg [dreg:$0x0]  }
0x2: {  	s9 =	rddreg [dreg:$0x1]  }
0x3: {  	s2 =	rddreg [dreg:$0x2]  }
0x4: {  	s0 =	rddreg [dreg:$0x3];
	s3 =	simm.s32 $0x0  }
0x5: {  	s1 =	stileid.u32;
	s4 =	srdreg.scid;
	s16 =	simm.s32 $0x80  }
0x6: {  	s17 =	simm.s32 $0x2800;
	s18 =	simm.s32 $0x6800;
	s19 =	simm.s32 $0x1  }
0x7: {  	s20 =	simm.s32 $0x2;
	s21 =	simm.s32 $0x1380;
	s22 =	simm.s32 $0x2700  }
0x8: {  	s23 =	simm.s32 $0x2780;
	s24 =	simm.s32 $0x0;
	[smem:$0x7FF] =	sst s3  }
0x9: {  	s6 =	smul.u32 $0x2800, s1;
	s7 =	sand.u32 $0x1, s4;
	s4 =	sadd.s32 $0xDE00, s5  }
0xa: {  	s10 =	sadd.s32 $0x3E00, s5;
	s12 =	sshll.u32 s1, $0x1;
	s13 =	smul.u32 $0x50000, s1  }
0xb: {  	s28 =	sshll.u32 s1, $0x6;
	_ =	strace $0x8000004A;
	s8 =	smul.u32 $0x28000, s7  }
0xc: {  	s25 =	ssub.s32 $0x2, s7;
	s7 =	sor.u32 s7, s12;
	s11 =	sadd.s32 s6, s5  }
0xd: {  	s26 =	sshrl.u32 s25, $0x1;
	s13 =	sshrl.u32 s13, $0x2;
	s14 =	smul.u32 $0x2800, s7  }
0xe: {  	s29 =	smul.u32 $0x500, s7;
	s6 =	sadd.s32 s6, s8;
	s12 =	ssub.s32 s25, s26  }
0xf: {  	s13 =	sadd.s32 s13, s2;
	s15 =	sadd.s32 s6, s5;
	s30 =	sshrl.u32 s14, $0x3  }
0x10: {  	s5 =	sadd.s32 $0x35E00, s11;
	s6 =	sor.u32 $0x1C03, s28;
	s7 =	sadd.s32 s9, s29  }
0x11: {  	s8 =	sadd.s32 s10, s29;
	s12 =	smax.u32 s12, $0x1;
	s13 =	sshrl.u32 s13, $0x3  }
0x12: {  	s14 =	simm.s32 $0x3;
	s31 =	sadd.s32 $0x280, s30;
	s11 =	sadd.s32 $0x5DE00, s15  }
0x13: {  	s15 =	simm.s32 $0x1400;
	s9 =	sadd.s32 s9, s31;
	s10 =	sadd.s32 s10, s31  }
.LBB2_1:
0x14: {  	[spmem:s13], [sflag:s6] =	dma.local [hbm:s5], $0x2800  }
0x15: {  	_ =	swait.ge [sflag:s14], $0x2800  }
0x16: {  	[sflag:s14] =	ssyncset.done $0x0  }
0x17: {  	[sflag:s14] =	ssyncadd.s32 $0xFFFFD800  }
0x18: {  	[bflag:$0x0] =	sbarrier.arrive $0xFFFF  }
0x19: {  	[tilespmem:s3], [sflag:$0x3] =	stream.linear.gather [hbm4b:s7+s3], $0x1400, $0x38;
	[tilespmem:$0x1E800] =	vst v63  }
0x1a: {  	_ =	swait.ge [sflag:s14], $0x1400  }
0x1b: {  	[sflag:s14] =	ssyncset.done $0x0  }
0x1c: {  	[sflag:s14] =	ssyncadd.s32 $0xFFFFEC00  }
0x1d: {  	[tilespmem:s15], [sflag:$0x3] =	stream.linear.gather [hbm4b:s8+s3], $0x1400, $0x38;
	[tilespmem:$0x1E800] =	vst v63  }
0x1e: {  	_ =	swait.ge [sflag:s14], $0x1400  }
0x1f: {  	[sflag:s14] =	ssyncset.done $0x0  }
0x20: {  	[sflag:s14] =	ssyncadd.s32 $0xFFFFEC00  }
0x21: {  	[tilespmem:s17], [sflag:$0x1] =	stream.indirect.gather [hbm4b:s4+s16], $0x80, s3, s16, $0xb8;
	[tilespmem:$0x1E800] =	vst v63  }
0x22: {  	s25 =	simm.s32 $0x80  }
0x23: {  	[tilespmem:s18], [sflag:$0x2] =	stream.indirect.gather [hbm4b:s4+s16], $0x80, s25, s16, $0xb8;
	[tilespmem:$0x1E800] =	vst v63  }
0x24: {  	_ =	swait.ge [sflag:s19], $0x4000  }
0x25: {  	[sflag:s19] =	ssyncset.done $0x0  }
0x26: {  	s29 =	simm.s32 $0x1400;
	[sflag:s19] =	ssyncadd.s32 $0xFFFFC000  }
0x27: {  	[spmem:s2] =	stream.indirect.scatter.add.f32 [tilespmem:s17], [sflag:$0x3], $0x80, s29, s16, $0xb8;
	[tilespmem:$0x1E800] =	vst v63  }
0x28: {  	_ =	swait.ge [sflag:s14], $0x4000  }
0x29: {  	[sflag:s14] =	ssyncset.done $0x0  }
0x2a: {  	s30 =	simm.s32 $0x100;
	[sflag:s14] =	ssyncadd.s32 $0xFFFFC000  }
0x2b: {  	[tilespmem:s17], [sflag:$0x1] =	stream.indirect.gather [hbm4b:s4+s16], $0x80, s30, s16, $0xb8;
	[tilespmem:$0x1E800] =	vst v63  }
0x2c: {  	_ =	swait.ge [sflag:s20], $0x4000  }
0x2d: {  	[sflag:s20] =	ssyncset.done $0x0  }
0x2e: {  	s31 =	simm.s32 $0x1480;
	[sflag:s20] =	ssyncadd.s32 $0xFFFFC000  }
0x2f: {  	[spmem:s2] =	stream.indirect.scatter.add.f32 [tilespmem:s18], [sflag:$0x3], $0x80, s31, s16, $0xb8;
	[tilespmem:$0x1E800] =	vst v63  }
0x30: {  	_ =	swait.ge [sflag:s14], $0x4000  }
0x31: {  	s26 =	simm.s32 $0x800;
	s25 =	simm.s32 $0x100;
	[sflag:s14] =	ssyncset.done $0x0  }
.LBB2_2:
0x32: {  	s28 =	sadd.s32 $0x80, s25  }
0x33: {  	[sflag:s14] =	ssyncadd.s32 $0xFFFFC000;
	s29 =	smov.u32 s26;
	s30 =	sadd.s32 $0x400, s26  }
0x34: {  	[tilespmem:s18], [sflag:$0x2] =	stream.indirect.gather [hbm4b:s4+s16], $0x80, s28, s16, $0xb8;
	[tilespmem:$0x1E800] =	vst v63  }
0x35: {  	p0 =	sne.s32 s26, $0x4800;
	_ =	swait.ge [sflag:s19], $0x4000  }
0x36: {  	[sflag:s19] =	ssyncset.done $0x0  }
0x37: {  	s26 =	sadd.s32 $0x1400, s25;
	[sflag:s19] =	ssyncadd.s32 $0xFFFFC000  }
0x38: {  	[spmem:s2] =	stream.indirect.scatter.add.f32 [tilespmem:s17], [sflag:$0x3], $0x80, s26, s16, $0xb8;
	[tilespmem:$0x1E800] =	vst v63  }
0x39: {  	_ =	swait.ge [sflag:s14], $0x4000  }
0x3a: {  	[sflag:s14] =	ssyncset.done $0x0  }
0x3b: {  	s26 =	sadd.s32 $0x100, s25;
	[sflag:s14] =	ssyncadd.s32 $0xFFFFC000  }
0x3c: {  	[tilespmem:s17], [sflag:$0x1] =	stream.indirect.gather [hbm4b:s4+s16], $0x80, s26, s16, $0xb8;
	[tilespmem:$0x1E800] =	vst v63  }
0x3d: {  	_ =	swait.ge [sflag:s20], $0x4000  }
.Ltmp0:
0x3e: {  	[sflag:s20] =	ssyncset.done $0x0;
	(pc) =	sbr.rel @p0 .LBB2_2-.Ltmp0, $4  }
0x3f: {  	s25 =	sadd.s32 $0x1480, s25;
	[sflag:s20] =	ssyncadd.s32 $0xFFFFC000  }
0x40: {  	[spmem:s2] =	stream.indirect.scatter.add.f32 [tilespmem:s18], [sflag:$0x3], $0x80, s25, s16, $0xb8;
	[tilespmem:$0x1E800] =	vst v63  }
0x41: {  	_ =	swait.ge [sflag:s14], $0x4000  }
0x42: {  	s26 =	smov.u32 s30;
	s25 =	sshra.s32 s29, $0x2;
	[sflag:s14] =	ssyncset.done $0x0  }
0x43: {  	s26 =	sadd.s32 $0x80, s25;
	[sflag:s14] =	ssyncadd.s32 $0xFFFFC000  }
0x44: {  	[tilespmem:s18], [sflag:$0x2] =	stream.indirect.gather [hbm4b:s4+s16], $0x80, s26, s16, $0xb8;
	[tilespmem:$0x1E800] =	vst v63  }
0x45: {  	_ =	swait.ge [sflag:s19], $0x4000  }
0x46: {  	[sflag:s19] =	ssyncset.done $0x0  }
0x47: {  	s29 =	sadd.s32 $0x1400, s25;
	[sflag:s19] =	ssyncadd.s32 $0xFFFFC000  }
0x48: {  	[spmem:s2] =	stream.indirect.scatter.add.f32 [tilespmem:s17], [sflag:$0x3], $0x80, s29, s16, $0xb8;
	[tilespmem:$0x1E800] =	vst v63  }
0x49: {  	_ =	swait.ge [sflag:s14], $0x4000  }
0x4a: {  	[sflag:s14] =	ssyncset.done $0x0  }
0x4b: {  	s30 =	sadd.s32 $0x100, s25;
	[sflag:s14] =	ssyncadd.s32 $0xFFFFC000  }
0x4c: {  	[tilespmem:s17], [sflag:$0x1] =	stream.indirect.gather [hbm4b:s4+s16], $0x80, s30, s16, $0xb8;
	[tilespmem:$0x1E800] =	vst v63  }
0x4d: {  	_ =	swait.ge [sflag:s20], $0x4000  }
0x4e: {  	[sflag:s20] =	ssyncset.done $0x0  }
0x4f: {  	s31 =	sadd.s32 $0x1480, s25;
	[sflag:s20] =	ssyncadd.s32 $0xFFFFC000  }
0x50: {  	[spmem:s2] =	stream.indirect.scatter.add.f32 [tilespmem:s18], [sflag:$0x3], $0x80, s31, s16, $0xb8;
	[tilespmem:$0x1E800] =	vst v63  }
0x51: {  	_ =	swait.ge [sflag:s14], $0x4000  }
0x52: {  	[sflag:s14] =	ssyncset.done $0x0  }
0x53: {  	[sflag:s14] =	ssyncadd.s32 $0xFFFFC000  }
0x54: {  	[tilespmem:s18], [sflag:$0x2] =	stream.indirect.gather [hbm4b:s4+s16], $0x80, s21, s16, $0xb8;
	[tilespmem:$0x1E800] =	vst v63  }
0x55: {  	_ =	swait.ge [sflag:s19], $0x4000  }
0x56: {  	[sflag:s19] =	ssyncset.done $0x0  }
0x57: {  	[sflag:s19] =	ssyncadd.s32 $0xFFFFC000  }
0x58: {  	[spmem:s2] =	stream.indirect.scatter.add.f32 [tilespmem:s17], [sflag:$0x3], $0x80, s22, s16, $0xb8;
	[tilespmem:$0x1E800] =	vst v63  }
0x59: {  	_ =	swait.ge [sflag:s14], $0x4000  }
0x5a: {  	[sflag:s14] =	ssyncset.done $0x0  }
0x5b: {  	[sflag:s14] =	ssyncadd.s32 $0xFFFFC000  }
0x5c: {  	_ =	swait.ge [sflag:s20], $0x4000  }
0x5d: {  	[sflag:s20] =	ssyncset.done $0x0  }
0x5e: {  	[sflag:s20] =	ssyncadd.s32 $0xFFFFC000  }
0x5f: {  	[spmem:s2] =	stream.indirect.scatter.add.f32 [tilespmem:s18], [sflag:$0x3], $0x80, s23, s16, $0xb8;
	[tilespmem:$0x1E800] =	vst v63  }
0x60: {  	_ =	swait.ge [sflag:s14], $0x4000  }
0x61: {  	[sflag:s14] =	ssyncset.done $0x0  }
0x62: {  	s26 =	simm.s32 $0x0;
	[sflag:s14] =	ssyncadd.s32 $0xFFFFC000  }
0x63: {  	[tilespmem:s26], [sflag:$0x3] =	stream.linear.gather [hbm4b:s9+s26], $0x1400, $0x38;
	[tilespmem:$0x1E800] =	vst v63  }
0x64: {  	_ =	swait.ge [sflag:s14], $0x1400  }
0x65: {  	[sflag:s14] =	ssyncset.done $0x0  }
0x66: {  	[sflag:s14] =	ssyncadd.s32 $0xFFFFEC00  }
0x67: {  	[tilespmem:s15], [sflag:$0x3] =	stream.linear.gather [hbm4b:s10+s26], $0x1400, $0x38;
	[tilespmem:$0x1E800] =	vst v63  }
0x68: {  	_ =	swait.ge [sflag:s14], $0x1400  }
0x69: {  	[sflag:s14] =	ssyncset.done $0x0  }
0x6a: {  	[sflag:s14] =	ssyncadd.s32 $0xFFFFEC00  }
0x6b: {  	[tilespmem:s17], [sflag:$0x1] =	stream.indirect.gather [hbm4b:s4+s16], $0x80, s26, s16, $0xb8;
	[tilespmem:$0x1E800] =	vst v63  }
0x6c: {  	s28 =	simm.s32 $0x80  }
0x6d: {  	[tilespmem:s18], [sflag:$0x2] =	stream.indirect.gather [hbm4b:s4+s16], $0x80, s28, s16, $0xb8;
	[tilespmem:$0x1E800] =	vst v63  }
0x6e: {  	_ =	swait.ge [sflag:s19], $0x4000  }
0x6f: {  	[sflag:s19] =	ssyncset.done $0x0  }
0x70: {  	s29 =	simm.s32 $0x1400;
	[sflag:s19] =	ssyncadd.s32 $0xFFFFC000  }
0x71: {  	[spmem:s2] =	stream.indirect.scatter.add.f32 [tilespmem:s17], [sflag:$0x3], $0x80, s29, s16, $0xb8;
	[tilespmem:$0x1E800] =	vst v63  }
0x72: {  	_ =	swait.ge [sflag:s14], $0x4000  }
0x73: {  	[sflag:s14] =	ssyncset.done $0x0  }
0x74: {  	s30 =	simm.s32 $0x100;
	[sflag:s14] =	ssyncadd.s32 $0xFFFFC000  }
0x75: {  	[tilespmem:s17], [sflag:$0x1] =	stream.indirect.gather [hbm4b:s4+s16], $0x80, s30, s16, $0xb8;
	[tilespmem:$0x1E800] =	vst v63  }
0x76: {  	_ =	swait.ge [sflag:s20], $0x4000  }
0x77: {  	[sflag:s20] =	ssyncset.done $0x0  }
0x78: {  	s31 =	simm.s32 $0x1480;
	[sflag:s20] =	ssyncadd.s32 $0xFFFFC000  }
0x79: {  	[spmem:s2] =	stream.indirect.scatter.add.f32 [tilespmem:s18], [sflag:$0x3], $0x80, s31, s16, $0xb8;
	[tilespmem:$0x1E800] =	vst v63  }
0x7a: {  	_ =	swait.ge [sflag:s14], $0x4000  }
0x7b: {  	s25 =	simm.s32 $0x100;
	s26 =	simm.s32 $0x800;
	[sflag:s14] =	ssyncset.done $0x0  }
.LBB2_4:
0x7c: {  	s28 =	sadd.s32 $0x80, s25  }
0x7d: {  	[sflag:s14] =	ssyncadd.s32 $0xFFFFC000;
	s29 =	smov.u32 s26;
	s30 =	sadd.s32 $0x400, s26  }
0x7e: {  	[tilespmem:s18], [sflag:$0x2] =	stream.indirect.gather [hbm4b:s4+s16], $0x80, s28, s16, $0xb8;
	[tilespmem:$0x1E800] =	vst v63  }
0x7f: {  	p0 =	sne.s32 s26, $0x4800;
	_ =	swait.ge [sflag:s19], $0x4000  }
0x80: {  	[sflag:s19] =	ssyncset.done $0x0  }
0x81: {  	s26 =	sadd.s32 $0x1400, s25;
	[sflag:s19] =	ssyncadd.s32 $0xFFFFC000  }
0x82: {  	[spmem:s2] =	stream.indirect.scatter.add.f32 [tilespmem:s17], [sflag:$0x3], $0x80, s26, s16, $0xb8;
	[tilespmem:$0x1E800] =	vst v63  }
0x83: {  	_ =	swait.ge [sflag:s14], $0x4000  }
0x84: {  	[sflag:s14] =	ssyncset.done $0x0  }
0x85: {  	s26 =	sadd.s32 $0x100, s25;
	[sflag:s14] =	ssyncadd.s32 $0xFFFFC000  }
0x86: {  	[tilespmem:s17], [sflag:$0x1] =	stream.indirect.gather [hbm4b:s4+s16], $0x80, s26, s16, $0xb8;
	[tilespmem:$0x1E800] =	vst v63  }
0x87: {  	_ =	swait.ge [sflag:s20], $0x4000  }
.Ltmp1:
0x88: {  	[sflag:s20] =	ssyncset.done $0x0;
	(pc) =	sbr.rel @p0 .LBB2_4-.Ltmp1, $4  }
0x89: {  	s25 =	sadd.s32 $0x1480, s25;
	[sflag:s20] =	ssyncadd.s32 $0xFFFFC000  }
0x8a: {  	[spmem:s2] =	stream.indirect.scatter.add.f32 [tilespmem:s18], [sflag:$0x3], $0x80, s25, s16, $0xb8;
	[tilespmem:$0x1E800] =	vst v63  }
0x8b: {  	_ =	swait.ge [sflag:s14], $0x4000  }
0x8c: {  	s26 =	smov.u32 s30;
	s25 =	sshra.s32 s29, $0x2;
	[sflag:s14] =	ssyncset.done $0x0  }
0x8d: {  	s26 =	sadd.s32 $0x80, s25;
	[sflag:s14] =	ssyncadd.s32 $0xFFFFC000  }
0x8e: {  	[tilespmem:s18], [sflag:$0x2] =	stream.indirect.gather [hbm4b:s4+s16], $0x80, s26, s16, $0xb8;
	[tilespmem:$0x1E800] =	vst v63  }
0x8f: {  	_ =	swait.ge [sflag:s19], $0x4000  }
0x90: {  	[sflag:s19] =	ssyncset.done $0x0  }
0x91: {  	s29 =	sadd.s32 $0x1400, s25;
	[sflag:s19] =	ssyncadd.s32 $0xFFFFC000  }
0x92: {  	[spmem:s2] =	stream.indirect.scatter.add.f32 [tilespmem:s17], [sflag:$0x3], $0x80, s29, s16, $0xb8;
	[tilespmem:$0x1E800] =	vst v63  }
0x93: {  	_ =	swait.ge [sflag:s14], $0x4000  }
0x94: {  	[sflag:s14] =	ssyncset.done $0x0  }
0x95: {  	s30 =	sadd.s32 $0x100, s25;
	[sflag:s14] =	ssyncadd.s32 $0xFFFFC000  }
0x96: {  	[tilespmem:s17], [sflag:$0x1] =	stream.indirect.gather [hbm4b:s4+s16], $0x80, s30, s16, $0xb8;
	[tilespmem:$0x1E800] =	vst v63  }
0x97: {  	_ =	swait.ge [sflag:s20], $0x4000  }
0x98: {  	[sflag:s20] =	ssyncset.done $0x0  }
0x99: {  	s31 =	sadd.s32 $0x1480, s25;
	[sflag:s20] =	ssyncadd.s32 $0xFFFFC000  }
0x9a: {  	[spmem:s2] =	stream.indirect.scatter.add.f32 [tilespmem:s18], [sflag:$0x3], $0x80, s31, s16, $0xb8;
	[tilespmem:$0x1E800] =	vst v63  }
0x9b: {  	_ =	swait.ge [sflag:s14], $0x4000  }
0x9c: {  	[sflag:s14] =	ssyncset.done $0x0  }
0x9d: {  	[sflag:s14] =	ssyncadd.s32 $0xFFFFC000  }
0x9e: {  	[tilespmem:s18], [sflag:$0x2] =	stream.indirect.gather [hbm4b:s4+s16], $0x80, s21, s16, $0xb8;
	[tilespmem:$0x1E800] =	vst v63  }
0x9f: {  	_ =	swait.ge [sflag:s19], $0x4000  }
0xa0: {  	[sflag:s19] =	ssyncset.done $0x0  }
0xa1: {  	[sflag:s19] =	ssyncadd.s32 $0xFFFFC000  }
0xa2: {  	[spmem:s2] =	stream.indirect.scatter.add.f32 [tilespmem:s17], [sflag:$0x3], $0x80, s22, s16, $0xb8;
	[tilespmem:$0x1E800] =	vst v63  }
0xa3: {  	_ =	swait.ge [sflag:s14], $0x4000  }
0xa4: {  	[sflag:s14] =	ssyncset.done $0x0  }
0xa5: {  	[sflag:s14] =	ssyncadd.s32 $0xFFFFC000  }
0xa6: {  	_ =	swait.ge [sflag:s20], $0x4000  }
0xa7: {  	[sflag:s20] =	ssyncset.done $0x0  }
0xa8: {  	[sflag:s20] =	ssyncadd.s32 $0xFFFFC000  }
0xa9: {  	[spmem:s2] =	stream.indirect.scatter.add.f32 [tilespmem:s18], [sflag:$0x3], $0x80, s23, s16, $0xb8;
	[tilespmem:$0x1E800] =	vst v63  }
0xaa: {  	_ =	swait.ge [sflag:s14], $0x4000  }
0xab: {  	s24 =	sadd.s32 $0x1, s24;
	[sflag:s14] =	ssyncset.done $0x0  }
0xac: {  	p0 =	sne.s32 s24, s12;
	[sflag:s14] =	ssyncadd.s32 $0xFFFFC000  }
.Ltmp2:
0xad: {  	[bflag:$0x0] =	sbarrier.arrive $0xFFFF;
	(pc) =	sbr.rel @p0 .LBB2_1-.Ltmp2, $4  }
0xae: {  	[hbm:s11], [sflag:s6] =	dma.local [spmem:s13], $0x2800  }
0xaf: {  	_ =	swait.ge [sflag:s14], $0x2800  }
0xb0: {  	[sflag:s14] =	ssyncset.done $0x0  }
0xb1: {  	[sflag:s14] =	ssyncadd.s32 $0xFFFFD800  }
0xb2: {  	_ =	sfence.sel $0x180000  }
0xb3: {  	[bflag:$0x0] =	sbarrier.arrive $0xFFFF  }
0xb4: {  	p0 =	sne.s32 s1, $0x0;
	_ =	strace $0x9000004A  }
0xb5: {  	s0 =	sadd.s32 @!p0 $0x100000, s0;
	[bflag:$0x2] =	sbarrier.arrive $0xFFFF  }
0xb6: {  	[sflag:s0] =	ssyncadd.tile.s32 @!p0 $0x1;
	_ =	shalt  }
.Lfunc_end2:
_tile_overlayer_lowered:
.L_overlay_start_2:
0xb7: {  	(tag) =	ssettag $0x2  }
0xb8: {  	s0 =	rddreg [dreg:$0x0];
	s2 =	stileid.u32  }
0xb9: {  	s1 =	rddreg [dreg:$0x1];
	p0 =	sne.s32 s2, $0x0  }
0xba: {  	s3 =	rddreg [dreg:$0x2];
	[bflag:$0x3] =	sbarrier.arrive $0xFFFF;
	s2 =	simm.s32 @!p0 $0x1C03  }
0xbb: {  	[timem:s3], [sflag:s2] =	dma.local @!p0 [hbm:s0], s1  }
0xbc: {  	s0 =	simm.s32 @!p0 $0x3  }
0xbd: {  	_ =	swait.ge @!p0 [sflag:s0], s1  }
0xbe: {  	s1 =	ssub.s32 @!p0 $0x0, s1;
	[sflag:s0] =	ssyncset.done @!p0 $0x0  }
0xbf: {  	[sflag:s0] =	ssyncadd.s32 @!p0 s1  }
0xc0: {  	[bflag:$0x3] =	sbarrier.arrive $0xFFFF  }
0xc1: {  	_ =	shalt  }

// kernel: kernel.16.cloned.1.call-start
scs
__scs_entry_jumppad:
0x0: {  	(pc) =	sbr.rel $0x88, $3  }
0x1: {  	(tag) =	ssettag $0x0;
	lr =	simm.s32 $0x1  }
0x2: {  	[smem:$0x3F91] =	sst lr;
	_ =	strace $0xD0000000  }
0x3: {  	_ = 	snop  }
0x4: {  	_ = 	snop  }
0x5: {  	_ = 	snop  }
0x6: {  	_ = 	snop  }
0x7: {  	_ = 	snop  }
__scs_overlays_trampoline_lowered:
0x8: {  	[smem:$0x3FA0] =	sst s0  }
0x9: {  	[smem:$0x3FA1] =	sst s1  }
0xa: {  	[smem:$0x3FA2] =	sst s2  }
0xb: {  	[smem:$0x3FA3] =	sst s3  }
0xc: {  	[smem:$0x3FA4] =	sst s4  }
0xd: {  	[smem:$0x3FA5] =	sst s5  }
0xe: {  	[smem:$0x3FA6] =	sst s6  }
0xf: {  	[smem:$0x3FA7] =	sst s7  }
0x10: {  	[smem:$0x3FA8] =	sst s8  }
0x11: {  	[smem:$0x3FA9] =	sst s9;
	s0 =	simm.s32 @!p0 $0x0  }
0x12: {  	s1 =	sld [smem:$0x3F8F];
	s0 =	simm.s32 @p0 $0x1  }
0x13: {  	[smem:$0x3FAA] =	sst s0;
	s0 =	simm.s32 @!p1 $0x0  }
0x14: {  	s2 =	sld [smem:$0x3F8E];
	s0 =	simm.s32 @p1 $0x1  }
0x15: {  	[smem:$0x3FAB] =	sst s0;
	s0 =	simm.s32 @!p2 $0x0  }
0x16: {  	s3 =	sld [smem:$0x3FDB];
	s0 =	simm.s32 @p2 $0x1  }
0x17: {  	s4 =	simm.s32 $0x1BF5;
	[smem:$0x3FAD] =	sst s0  }
0x18: {  	s0 =	sld [smem:$0x3F90];
	_ =	swait.ge [sflag:s4], $0x0  }
0x19: {  	s7 =	sld [smem:$0x3F91]  }
0x1a: {  	s8 =	sadd.s32 $0xFFFFE003, lr  }
0x1b: {  	s9 =	sadd.s32 $0xFFFFFEF7, lr;
	s5 =	simm.s32 $0xFFFFFFFF;
	p2 =	slt.u32 s8, $0xFFFFF086  }
0x1c: {  	p1 =	slt.u32 s9, $0xF7A;
	s5 =	simm.s32 @!p2 $0x0  }
0x1d: {  	s5 =	simm.s32 @p1 $0x1;
	p0 =	seq.s32 s7, s2  }
0x1e: {  	s7 =	smul.u32 @!p0 $0xF7A, s2;
	p2 =	seq.s32 @!p0 s5, $0x0  }
0x1f: {  	s9 =	smul.u32 $0xF7A, s1;
	s8 =	simm.s32 @!p0 $0x1BF5;
	p2 =	por !p2, p0  }
0x20: {  	[sflag:s8] =	ssyncset.s32 @!p0 $0xFFFFF086;
	s6 =	sadd.s32 @!p0 s3, s7;
	s7 =	simm.s32 @!p0 $0x108  }
0x21: {  	s3 =	sadd.s32 s3, s9;
	s6 =	sadd.s32 @!p0 $0x88, s6;
	s7 =	simm.s32 @p2 $0x1082  }
0x22: {  	[simem:s7], [sflag:s8] =	dma.local @!p0 [hbm:s6], $0xF7A  }
0x23: {  	s9 =	sor.u32 $0xD0000000, s2;
	s6 =	simm.s32 $0x108;
	_ =	swait.ge @!p0 [sflag:s8], $0x0  }
0x24: {  	s3 =	sadd.s32 $0x88, s3;
	s6 =	simm.s32 @!p1 $0x1082;
	[sflag:s4] =	ssyncset.s32 $0xFFFFF086  }
0x25: {  	[simem:s6], [sflag:s4] =	dma.local [hbm:s3], $0xF7A  }
0x26: {  	[smem:$0x3F91] =	sst s1;
	(tag) =	ssettag s2;
	_ =	strace s9  }
0x27: {  	s1 =	sld [smem:$0x3FA1]  }
0x28: {  	s2 =	sld [smem:$0x3FA2]  }
0x29: {  	s4 =	sld [smem:$0x3FA4]  }
0x2a: {  	p0 =	seq.s32 s5, $0x0;
	s5 =	sld [smem:$0x3FA5]  }
0x2b: {  	s6 =	sld [smem:$0x3FA6]  }
0x2c: {  	s7 =	sld [smem:$0x3FA7]  }
0x2d: {  	s3 =	simm.s32 $0x108;
	s8 =	sld [smem:$0x3FA8]  }
0x2e: {  	s3 =	simm.s32 @!p0 $0x1082;
	s9 =	sld [smem:$0x3FA9]  }
0x2f: {  	lr =	sadd.s32 s0, s3;
	s0 =	sld [smem:$0x3FA0]  }
0x30: {  	s3 =	sld [smem:$0x3FA3]  }
0x31: {  	[smem:$0x3FAC] =	sst s10  }
0x32: {  	s10 =	sld [smem:$0x3FAA];
	_ =	sdelay $0x3  }
0x33: {  	p0 =	seq.s32 s10, $0x1;
	s10 =	sld [smem:$0x3FAC];
	_ =	sdelay $0x3  }
0x34: {  	[smem:$0x3FAC] =	sst s10  }
0x35: {  	s10 =	sld [smem:$0x3FAB];
	_ =	sdelay $0x3  }
0x36: {  	p1 =	seq.s32 s10, $0x1;
	s10 =	sld [smem:$0x3FAC];
	_ =	sdelay $0x3  }
0x37: {  	[smem:$0x3FAC] =	sst s10  }
0x38: {  	s10 =	sld [smem:$0x3FAD]  }
0x39: {  	_ = 	snop;
	(pc) =	sbr.ind lr, $3  }
0x3a: {  	_ = 	snop  }
0x3b: {  	_ = 	snop  }
0x3c: {  	p2 =	seq.s32 s10, $0x1;
	s10 =	sld [smem:$0x3FAC]  }
0x3d: {  	_ =	shalt  }
0x3e: {  	_ =	shalt  }
0x3f: {  	_ =	shalt  }
0x40: {  	_ =	shalt  }
0x41: {  	_ =	shalt  }
0x42: {  	_ =	shalt  }
0x43: {  	_ =	shalt  }
0x44: {  	_ =	shalt  }
0x45: {  	_ =	shalt  }
0x46: {  	_ =	shalt  }
0x47: {  	_ =	shalt  }
0x48: {  	_ =	shalt  }
0x49: {  	_ =	shalt  }
0x4a: {  	_ =	shalt  }
0x4b: {  	_ =	shalt  }
0x4c: {  	_ =	shalt  }
0x4d: {  	_ =	shalt  }
0x4e: {  	_ =	shalt  }
0x4f: {  	_ =	shalt  }
0x50: {  	_ =	shalt  }
0x51: {  	_ =	shalt  }
0x52: {  	_ =	shalt  }
0x53: {  	_ =	shalt  }
0x54: {  	_ =	shalt  }
0x55: {  	_ =	shalt  }
0x56: {  	_ =	shalt  }
0x57: {  	_ =	shalt  }
0x58: {  	_ =	shalt  }
0x59: {  	_ =	shalt  }
0x5a: {  	_ =	shalt  }
0x5b: {  	_ =	shalt  }
0x5c: {  	_ =	shalt  }
0x5d: {  	_ =	shalt  }
0x5e: {  	_ =	shalt  }
0x5f: {  	_ =	shalt  }
0x60: {  	_ =	shalt  }
0x61: {  	_ =	shalt  }
0x62: {  	_ =	shalt  }
0x63: {  	_ =	shalt  }
0x64: {  	_ =	shalt  }
0x65: {  	_ =	shalt  }
0x66: {  	_ =	shalt  }
0x67: {  	_ =	shalt  }
0x68: {  	_ =	shalt  }
0x69: {  	_ =	shalt  }
0x6a: {  	_ =	shalt  }
0x6b: {  	_ =	shalt  }
0x6c: {  	_ =	shalt  }
0x6d: {  	_ =	shalt  }
0x6e: {  	_ =	shalt  }
0x6f: {  	_ =	shalt  }
0x70: {  	_ =	shalt  }
0x71: {  	_ =	shalt  }
0x72: {  	_ =	shalt  }
0x73: {  	_ =	shalt  }
0x74: {  	_ =	shalt  }
0x75: {  	_ =	shalt  }
0x76: {  	_ =	shalt  }
0x77: {  	_ =	shalt  }
0x78: {  	_ =	shalt  }
0x79: {  	_ =	shalt  }
0x7a: {  	_ =	shalt  }
0x7b: {  	_ =	shalt  }
0x7c: {  	_ =	shalt  }
0x7d: {  	_ =	shalt  }
0x7e: {  	_ =	shalt  }
0x7f: {  	_ =	shalt  }
0x80: {  	_ =	shalt  }
0x81: {  	_ =	shalt  }
0x82: {  	_ =	shalt  }
0x83: {  	_ =	shalt  }
0x84: {  	_ =	shalt  }
0x85: {  	_ =	shalt  }
0x86: {  	_ =	shalt  }
0x87: {  	_ =	shalt  }
.Lfunc_end0:
.L_simem_size_0:
called_computation.2_lowered:
.L_overlay_start_0:
0x88: {  	s2 =	sld [smem:$0x3FD9]  }
0x89: {  	s3 =	sld [smem:$0x3FFE];
	_ =	sdelay $0x1  }
0x8a: {  	s1 =	srdreg.scid  }
0x8b: {  	s0 =	sand.u32 $0x1, s1  }
0x8c: {  	s17 =	sshll.u32 s0, $0xA;
	s2 =	sadd.s32 s3, s2  }
0x8d: {  	s2 =	sadd.s32 s2, s17  }
0x8e: {  	[smem:$0x3FB8] =	sst s2  }
0x8f: {  	_ = 	snop  }
0x90: {  	s2 =	sld [smem:$0x3FD0];
	(tm) =	ssettm $0x1  }
0x91: {  	s18 =	sld [smem:$0x3FFB];
	_ =	sdelay $0x3  }
0x92: {  	_ =	strace s18  }
0x93: {  	s3 =	sld [smem:$0x3FFC];
	_ =	sdelay $0x3  }
0x94: {  	_ =	strace s3  }
0x95: {  	s3 =	sld [smem:$0x3FFD];
	_ =	sdelay $0x3  }
0x96: {  	_ =	strace s3  }
0x97: {  	_ =	strace $0x8FFFFFFF  }
0x98: {  	s19 =	sld [smem:$0x3FDB];
	_ =	sdelay $0x1  }
0x99: {  	s4 =	simm.s32 $_scs_section_size  }
0x9a: {  	s5 =	simm.s32 $_size__tile_overlayer_lowered;
	s6 =	simm.s32 $_tile_overlayer_lowered  }
0x9b: {  	s22 =	simm.s32 $0x1BFF;
	s21 =	sshll.u32 s6, $0x1;
	s3 =	sadd.s32 s4, s19  }
0x9c: {  	s7 =	simm.s32 $0x0;
	s20 =	sshll.u32 s5, $0x1;
	s5 =	sadd.s32 s21, s3  }
0x9d: {  	[timem:s7], [sflag:s22] =	dma.local [hbm:s5], s20  }
0x9e: {  	_ =	swait.ge [sflag:s22], s20  }
0x9f: {  	s4 =	ssub.s32 $0x0, s20;
	[sflag:s22] =	ssyncset.done $0x0  }
0xa0: {  	[sflag:s22] =	ssyncadd.s32 s4;
	_ =	sdelay $0x1  }
0xa1: {  	s23 =	simm.s32 $0x1B8B  }
0xa2: {  	_ =	swait.ge [sflag:s23], $0x1  }
0xa3: {  	[sflag:s23] =	ssyncset.done $0x0  }
0xa4: {  	s25 =	simm.s32 $0x1B8E;
	s24 =	sld [smem:$0x3FFE];
	[sflag:s23] =	ssyncadd.s32 $0xFFFFFFFF  }
0xa5: {  	s26 =	simm.s32 $execute0_lowered;
	[smem:$0x3FD2] =	sst s25  }
0xa6: {  	s5 =	sshll.u32 s26, $0x1;
	_ =	strace $0x8000004C;
	[dreg:$0x1] =	wrdreg $0xFFFFFFFF  }
0xa7: {  	s28 =	simm.s32 $_size_execute0_lowered;
	s3 =	sadd.s32 s3, s5;
	[dreg:$0x0] =	wrdreg $0x0  }
0xa8: {  	s5 =	sshll.u32 s28, $0x1;
	[dreg:$0x2] =	wrdreg s3  }
0xa9: {  	[dreg:$0x3] =	wrdreg s5  }
0xaa: {  	[dreg:$0x4] =	wrdreg $0xC0  }
0xab: {  	_ =	task [dreg:s7], $0x5FFFF  }
0xac: {  	[dreg:$0x1] =	wrdreg $0xFFFFFFFF  }
0xad: {  	[dreg:$0x0] =	wrdreg $0x60  }
0xae: {  	[dreg:$0x2] =	wrdreg s24  }
0xaf: {  	[dreg:$0x3] =	wrdreg s2  }
0xb0: {  	[dreg:$0x4] =	wrdreg $0xA8000  }
0xb1: {  	[dreg:$0x5] =	wrdreg $0x9  }
0xb2: {  	_ =	task.clear_ibuf [dreg:s7], $0x6FFFF;
	_ =	strace $0x9000004C  }
0xb3: {  	s29 =	simm.s32 $0x9;
	_ =	strace $0x8000004E  }
0xb4: {  	_ =	swait.ge [sflag:s29], $0x1  }
0xb5: {  	[sflag:s29] =	ssyncadd.s32 $0xFFFFFFFF  }
0xb6: {  	_ =	strace $0x9000004E  }
0xb7: {  	_ =	sfence  }
0xb8: {  	s30 =	sld [smem:$0x0];
	_ =	sdelay $0x2  }
0xb9: {  	s31 =	sshll.u32 s1, $0xD;
	s1 =	sshrl.u32 s1, $0x2  }
0xba: {  	s3 =	sand.u32 $0x4000, s31;
	s1 =	sadd.s32 s1, s30  }
0xbb: {  	s0 =	sor.u32 s3, s0;
	s1 =	sshll.u32 s1, $0x11  }
0xbc: {  	s0 =	sor.u32 s1, s0  }
0xbd: {  	s0 =	sadd.s32 $0x8F2B, s0  }
0xbe: {  	[sflag:s0] =	ssyncadd.remote.s32 $0x1  }
0xbf: {  	_ =	sfence.sel $0xFFFF  }
0xc0: {  	[dreg:$0x0] =	wrdreg $0xFFFFFFFF;
	(pc) =	sbr.abs _section_cstart, $3  }
0xc1: {  	[dreg:$0x1] =	wrdreg $0xFFFFFFFF  }
0xc2: {  	_ =	task.clear_ibuf [dreg:s7], $0x2FFFF;
	_ =	strace $0x9FFFFFFF  }
0xc3: {  	(tm) =	ssettm $0x7FFFFFFF  }
tec
execute0_lowered:
.L_overlay_start_1:
0x0: {  	(tag) =	ssettag $0x1  }
0x1: {  	s5 =	rddreg [dreg:$0x0]  }
0x2: {  	s9 =	rddreg [dreg:$0x1]  }
0x3: {  	s2 =	rddreg [dreg:$0x2]  }
0x4: {  	s0 =	rddreg [dreg:$0x3];
	s3 =	simm.s32 $0x0  }
0x5: {  	s1 =	stileid.u32;
	s4 =	srdreg.scid;
	s16 =	simm.s32 $0x80  }
0x6: {  	s17 =	simm.s32 $0x2800;
	s18 =	simm.s32 $0x6800;
	s19 =	simm.s32 $0x1  }
0x7: {  	s20 =	simm.s32 $0x2;
	s21 =	simm.s32 $0x1380;
	s22 =	simm.s32 $0x2700  }
0x8: {  	s23 =	simm.s32 $0x2780;
	s24 =	simm.s32 $0x0;
	[smem:$0x7FF] =	sst s3  }
0x9: {  	s6 =	smul.u32 $0x2800, s1;
	s7 =	sand.u32 $0x1, s4;
	s4 =	sadd.s32 $0xDE00, s5  }
0xa: {  	s10 =	sadd.s32 $0x3E00, s5;
	s12 =	sshll.u32 s1, $0x1;
	s13 =	smul.u32 $0x50000, s1  }
0xb: {  	s28 =	sshll.u32 s1, $0x6;
	_ =	strace $0x8000004D;
	s8 =	smul.u32 $0x28000, s7  }
0xc: {  	s25 =	ssub.s32 $0x2, s7;
	s7 =	sor.u32 s7, s12;
	s11 =	sadd.s32 s6, s5  }
0xd: {  	s26 =	sshrl.u32 s25, $0x1;
	s13 =	sshrl.u32 s13, $0x2;
	s14 =	smul.u32 $0x2800, s7  }
0xe: {  	s29 =	smul.u32 $0x500, s7;
	s6 =	sadd.s32 s6, s8;
	s12 =	ssub.s32 s25, s26  }
0xf: {  	s13 =	sadd.s32 s13, s2;
	s15 =	sadd.s32 s6, s5;
	s30 =	sshrl.u32 s14, $0x3  }
0x10: {  	s5 =	sadd.s32 $0x35E00, s11;
	s6 =	sor.u32 $0x1C03, s28;
	s7 =	sadd.s32 s9, s29  }
0x11: {  	s8 =	sadd.s32 s10, s29;
	s12 =	smax.u32 s12, $0x1;
	s13 =	sshrl.u32 s13, $0x3  }
0x12: {  	s14 =	simm.s32 $0x3;
	s31 =	sadd.s32 $0x280, s30;
	s11 =	sadd.s32 $0x5DE00, s15  }
0x13: {  	s15 =	simm.s32 $0x1400;
	s9 =	sadd.s32 s9, s31;
	s10 =	sadd.s32 s10, s31  }
.LBB2_1:
0x14: {  	[spmem:s13], [sflag:s6] =	dma.local [hbm:s5], $0x2800  }
0x15: {  	_ =	swait.ge [sflag:s14], $0x2800  }
0x16: {  	[sflag:s14] =	ssyncset.done $0x0  }
0x17: {  	[sflag:s14] =	ssyncadd.s32 $0xFFFFD800  }
0x18: {  	[bflag:$0x0] =	sbarrier.arrive $0xFFFF  }
0x19: {  	[tilespmem:s3], [sflag:$0x3] =	stream.linear.gather [hbm4b:s7+s3], $0x1400, $0x38;
	[tilespmem:$0x1E800] =	vst v63  }
0x1a: {  	_ =	swait.ge [sflag:s14], $0x1400  }
0x1b: {  	[sflag:s14] =	ssyncset.done $0x0  }
0x1c: {  	[sflag:s14] =	ssyncadd.s32 $0xFFFFEC00  }
0x1d: {  	[tilespmem:s15], [sflag:$0x3] =	stream.linear.gather [hbm4b:s8+s3], $0x1400, $0x38;
	[tilespmem:$0x1E800] =	vst v63  }
0x1e: {  	_ =	swait.ge [sflag:s14], $0x1400  }
0x1f: {  	[sflag:s14] =	ssyncset.done $0x0  }
0x20: {  	[sflag:s14] =	ssyncadd.s32 $0xFFFFEC00  }
0x21: {  	[tilespmem:s17], [sflag:$0x1] =	stream.indirect.gather [hbm4b:s4+s16], $0x80, s3, s16, $0xb8;
	[tilespmem:$0x1E800] =	vst v63  }
0x22: {  	s25 =	simm.s32 $0x80  }
0x23: {  	[tilespmem:s18], [sflag:$0x2] =	stream.indirect.gather [hbm4b:s4+s16], $0x80, s25, s16, $0xb8;
	[tilespmem:$0x1E800] =	vst v63  }
0x24: {  	_ =	swait.ge [sflag:s19], $0x4000  }
0x25: {  	[sflag:s19] =	ssyncset.done $0x0  }
0x26: {  	s29 =	simm.s32 $0x1400;
	[sflag:s19] =	ssyncadd.s32 $0xFFFFC000  }
0x27: {  	[spmem:s2] =	stream.indirect.scatter.add.f32 [tilespmem:s17], [sflag:$0x3], $0x80, s29, s16, $0xb8;
	[tilespmem:$0x1E800] =	vst v63  }
0x28: {  	_ =	swait.ge [sflag:s14], $0x4000  }
0x29: {  	[sflag:s14] =	ssyncset.done $0x0  }
0x2a: {  	s30 =	simm.s32 $0x100;
	[sflag:s14] =	ssyncadd.s32 $0xFFFFC000  }
0x2b: {  	[tilespmem:s17], [sflag:$0x1] =	stream.indirect.gather [hbm4b:s4+s16], $0x80, s30, s16, $0xb8;
	[tilespmem:$0x1E800] =	vst v63  }
0x2c: {  	_ =	swait.ge [sflag:s20], $0x4000  }
0x2d: {  	[sflag:s20] =	ssyncset.done $0x0  }
0x2e: {  	s31 =	simm.s32 $0x1480;
	[sflag:s20] =	ssyncadd.s32 $0xFFFFC000  }
0x2f: {  	[spmem:s2] =	stream.indirect.scatter.add.f32 [tilespmem:s18], [sflag:$0x3], $0x80, s31, s16, $0xb8;
	[tilespmem:$0x1E800] =	vst v63  }
0x30: {  	_ =	swait.ge [sflag:s14], $0x4000  }
0x31: {  	s26 =	simm.s32 $0x800;
	s25 =	simm.s32 $0x100;
	[sflag:s14] =	ssyncset.done $0x0  }
.LBB2_2:
0x32: {  	s28 =	sadd.s32 $0x80, s25  }
0x33: {  	[sflag:s14] =	ssyncadd.s32 $0xFFFFC000;
	s29 =	smov.u32 s26;
	s30 =	sadd.s32 $0x400, s26  }
0x34: {  	[tilespmem:s18], [sflag:$0x2] =	stream.indirect.gather [hbm4b:s4+s16], $0x80, s28, s16, $0xb8;
	[tilespmem:$0x1E800] =	vst v63  }
0x35: {  	p0 =	sne.s32 s26, $0x4800;
	_ =	swait.ge [sflag:s19], $0x4000  }
0x36: {  	[sflag:s19] =	ssyncset.done $0x0  }
0x37: {  	s26 =	sadd.s32 $0x1400, s25;
	[sflag:s19] =	ssyncadd.s32 $0xFFFFC000  }
0x38: {  	[spmem:s2] =	stream.indirect.scatter.add.f32 [tilespmem:s17], [sflag:$0x3], $0x80, s26, s16, $0xb8;
	[tilespmem:$0x1E800] =	vst v63  }
0x39: {  	_ =	swait.ge [sflag:s14], $0x4000  }
0x3a: {  	[sflag:s14] =	ssyncset.done $0x0  }
0x3b: {  	s26 =	sadd.s32 $0x100, s25;
	[sflag:s14] =	ssyncadd.s32 $0xFFFFC000  }
0x3c: {  	[tilespmem:s17], [sflag:$0x1] =	stream.indirect.gather [hbm4b:s4+s16], $0x80, s26, s16, $0xb8;
	[tilespmem:$0x1E800] =	vst v63  }
0x3d: {  	_ =	swait.ge [sflag:s20], $0x4000  }
.Ltmp0:
0x3e: {  	[sflag:s20] =	ssyncset.done $0x0;
	(pc) =	sbr.rel @p0 .LBB2_2-.Ltmp0, $4  }
0x3f: {  	s25 =	sadd.s32 $0x1480, s25;
	[sflag:s20] =	ssyncadd.s32 $0xFFFFC000  }
0x40: {  	[spmem:s2] =	stream.indirect.scatter.add.f32 [tilespmem:s18], [sflag:$0x3], $0x80, s25, s16, $0xb8;
	[tilespmem:$0x1E800] =	vst v63  }
0x41: {  	_ =	swait.ge [sflag:s14], $0x4000  }
0x42: {  	s26 =	smov.u32 s30;
	s25 =	sshra.s32 s29, $0x2;
	[sflag:s14] =	ssyncset.done $0x0  }
0x43: {  	s26 =	sadd.s32 $0x80, s25;
	[sflag:s14] =	ssyncadd.s32 $0xFFFFC000  }
0x44: {  	[tilespmem:s18], [sflag:$0x2] =	stream.indirect.gather [hbm4b:s4+s16], $0x80, s26, s16, $0xb8;
	[tilespmem:$0x1E800] =	vst v63  }
0x45: {  	_ =	swait.ge [sflag:s19], $0x4000  }
0x46: {  	[sflag:s19] =	ssyncset.done $0x0  }
0x47: {  	s29 =	sadd.s32 $0x1400, s25;
	[sflag:s19] =	ssyncadd.s32 $0xFFFFC000  }
0x48: {  	[spmem:s2] =	stream.indirect.scatter.add.f32 [tilespmem:s17], [sflag:$0x3], $0x80, s29, s16, $0xb8;
	[tilespmem:$0x1E800] =	vst v63  }
0x49: {  	_ =	swait.ge [sflag:s14], $0x4000  }
0x4a: {  	[sflag:s14] =	ssyncset.done $0x0  }
0x4b: {  	s30 =	sadd.s32 $0x100, s25;
	[sflag:s14] =	ssyncadd.s32 $0xFFFFC000  }
0x4c: {  	[tilespmem:s17], [sflag:$0x1] =	stream.indirect.gather [hbm4b:s4+s16], $0x80, s30, s16, $0xb8;
	[tilespmem:$0x1E800] =	vst v63  }
0x4d: {  	_ =	swait.ge [sflag:s20], $0x4000  }
0x4e: {  	[sflag:s20] =	ssyncset.done $0x0  }
0x4f: {  	s31 =	sadd.s32 $0x1480, s25;
	[sflag:s20] =	ssyncadd.s32 $0xFFFFC000  }
0x50: {  	[spmem:s2] =	stream.indirect.scatter.add.f32 [tilespmem:s18], [sflag:$0x3], $0x80, s31, s16, $0xb8;
	[tilespmem:$0x1E800] =	vst v63  }
0x51: {  	_ =	swait.ge [sflag:s14], $0x4000  }
0x52: {  	[sflag:s14] =	ssyncset.done $0x0  }
0x53: {  	[sflag:s14] =	ssyncadd.s32 $0xFFFFC000  }
0x54: {  	[tilespmem:s18], [sflag:$0x2] =	stream.indirect.gather [hbm4b:s4+s16], $0x80, s21, s16, $0xb8;
	[tilespmem:$0x1E800] =	vst v63  }
0x55: {  	_ =	swait.ge [sflag:s19], $0x4000  }
0x56: {  	[sflag:s19] =	ssyncset.done $0x0  }
0x57: {  	[sflag:s19] =	ssyncadd.s32 $0xFFFFC000  }
0x58: {  	[spmem:s2] =	stream.indirect.scatter.add.f32 [tilespmem:s17], [sflag:$0x3], $0x80, s22, s16, $0xb8;
	[tilespmem:$0x1E800] =	vst v63  }
0x59: {  	_ =	swait.ge [sflag:s14], $0x4000  }
0x5a: {  	[sflag:s14] =	ssyncset.done $0x0  }
0x5b: {  	[sflag:s14] =	ssyncadd.s32 $0xFFFFC000  }
0x5c: {  	_ =	swait.ge [sflag:s20], $0x4000  }
0x5d: {  	[sflag:s20] =	ssyncset.done $0x0  }
0x5e: {  	[sflag:s20] =	ssyncadd.s32 $0xFFFFC000  }
0x5f: {  	[spmem:s2] =	stream.indirect.scatter.add.f32 [tilespmem:s18], [sflag:$0x3], $0x80, s23, s16, $0xb8;
	[tilespmem:$0x1E800] =	vst v63  }
0x60: {  	_ =	swait.ge [sflag:s14], $0x4000  }
0x61: {  	[sflag:s14] =	ssyncset.done $0x0  }
0x62: {  	s26 =	simm.s32 $0x0;
	[sflag:s14] =	ssyncadd.s32 $0xFFFFC000  }
0x63: {  	[tilespmem:s26], [sflag:$0x3] =	stream.linear.gather [hbm4b:s9+s26], $0x1400, $0x38;
	[tilespmem:$0x1E800] =	vst v63  }
0x64: {  	_ =	swait.ge [sflag:s14], $0x1400  }
0x65: {  	[sflag:s14] =	ssyncset.done $0x0  }
0x66: {  	[sflag:s14] =	ssyncadd.s32 $0xFFFFEC00  }
0x67: {  	[tilespmem:s15], [sflag:$0x3] =	stream.linear.gather [hbm4b:s10+s26], $0x1400, $0x38;
	[tilespmem:$0x1E800] =	vst v63  }
0x68: {  	_ =	swait.ge [sflag:s14], $0x1400  }
0x69: {  	[sflag:s14] =	ssyncset.done $0x0  }
0x6a: {  	[sflag:s14] =	ssyncadd.s32 $0xFFFFEC00  }
0x6b: {  	[tilespmem:s17], [sflag:$0x1] =	stream.indirect.gather [hbm4b:s4+s16], $0x80, s26, s16, $0xb8;
	[tilespmem:$0x1E800] =	vst v63  }
0x6c: {  	s28 =	simm.s32 $0x80  }
0x6d: {  	[tilespmem:s18], [sflag:$0x2] =	stream.indirect.gather [hbm4b:s4+s16], $0x80, s28, s16, $0xb8;
	[tilespmem:$0x1E800] =	vst v63  }
0x6e: {  	_ =	swait.ge [sflag:s19], $0x4000  }
0x6f: {  	[sflag:s19] =	ssyncset.done $0x0  }
0x70: {  	s29 =	simm.s32 $0x1400;
	[sflag:s19] =	ssyncadd.s32 $0xFFFFC000  }
0x71: {  	[spmem:s2] =	stream.indirect.scatter.add.f32 [tilespmem:s17], [sflag:$0x3], $0x80, s29, s16, $0xb8;
	[tilespmem:$0x1E800] =	vst v63  }
0x72: {  	_ =	swait.ge [sflag:s14], $0x4000  }
0x73: {  	[sflag:s14] =	ssyncset.done $0x0  }
0x74: {  	s30 =	simm.s32 $0x100;
	[sflag:s14] =	ssyncadd.s32 $0xFFFFC000  }
0x75: {  	[tilespmem:s17], [sflag:$0x1] =	stream.indirect.gather [hbm4b:s4+s16], $0x80, s30, s16, $0xb8;
	[tilespmem:$0x1E800] =	vst v63  }
0x76: {  	_ =	swait.ge [sflag:s20], $0x4000  }
0x77: {  	[sflag:s20] =	ssyncset.done $0x0  }
0x78: {  	s31 =	simm.s32 $0x1480;
	[sflag:s20] =	ssyncadd.s32 $0xFFFFC000  }
0x79: {  	[spmem:s2] =	stream.indirect.scatter.add.f32 [tilespmem:s18], [sflag:$0x3], $0x80, s31, s16, $0xb8;
	[tilespmem:$0x1E800] =	vst v63  }
0x7a: {  	_ =	swait.ge [sflag:s14], $0x4000  }
0x7b: {  	s25 =	simm.s32 $0x100;
	s26 =	simm.s32 $0x800;
	[sflag:s14] =	ssyncset.done $0x0  }
.LBB2_4:
0x7c: {  	s28 =	sadd.s32 $0x80, s25  }
0x7d: {  	[sflag:s14] =	ssyncadd.s32 $0xFFFFC000;
	s29 =	smov.u32 s26;
	s30 =	sadd.s32 $0x400, s26  }
0x7e: {  	[tilespmem:s18], [sflag:$0x2] =	stream.indirect.gather [hbm4b:s4+s16], $0x80, s28, s16, $0xb8;
	[tilespmem:$0x1E800] =	vst v63  }
0x7f: {  	p0 =	sne.s32 s26, $0x4800;
	_ =	swait.ge [sflag:s19], $0x4000  }
0x80: {  	[sflag:s19] =	ssyncset.done $0x0  }
0x81: {  	s26 =	sadd.s32 $0x1400, s25;
	[sflag:s19] =	ssyncadd.s32 $0xFFFFC000  }
0x82: {  	[spmem:s2] =	stream.indirect.scatter.add.f32 [tilespmem:s17], [sflag:$0x3], $0x80, s26, s16, $0xb8;
	[tilespmem:$0x1E800] =	vst v63  }
0x83: {  	_ =	swait.ge [sflag:s14], $0x4000  }
0x84: {  	[sflag:s14] =	ssyncset.done $0x0  }
0x85: {  	s26 =	sadd.s32 $0x100, s25;
	[sflag:s14] =	ssyncadd.s32 $0xFFFFC000  }
0x86: {  	[tilespmem:s17], [sflag:$0x1] =	stream.indirect.gather [hbm4b:s4+s16], $0x80, s26, s16, $0xb8;
	[tilespmem:$0x1E800] =	vst v63  }
0x87: {  	_ =	swait.ge [sflag:s20], $0x4000  }
.Ltmp1:
0x88: {  	[sflag:s20] =	ssyncset.done $0x0;
	(pc) =	sbr.rel @p0 .LBB2_4-.Ltmp1, $4  }
0x89: {  	s25 =	sadd.s32 $0x1480, s25;
	[sflag:s20] =	ssyncadd.s32 $0xFFFFC000  }
0x8a: {  	[spmem:s2] =	stream.indirect.scatter.add.f32 [tilespmem:s18], [sflag:$0x3], $0x80, s25, s16, $0xb8;
	[tilespmem:$0x1E800] =	vst v63  }
0x8b: {  	_ =	swait.ge [sflag:s14], $0x4000  }
0x8c: {  	s26 =	smov.u32 s30;
	s25 =	sshra.s32 s29, $0x2;
	[sflag:s14] =	ssyncset.done $0x0  }
0x8d: {  	s26 =	sadd.s32 $0x80, s25;
	[sflag:s14] =	ssyncadd.s32 $0xFFFFC000  }
0x8e: {  	[tilespmem:s18], [sflag:$0x2] =	stream.indirect.gather [hbm4b:s4+s16], $0x80, s26, s16, $0xb8;
	[tilespmem:$0x1E800] =	vst v63  }
0x8f: {  	_ =	swait.ge [sflag:s19], $0x4000  }
0x90: {  	[sflag:s19] =	ssyncset.done $0x0  }
0x91: {  	s29 =	sadd.s32 $0x1400, s25;
	[sflag:s19] =	ssyncadd.s32 $0xFFFFC000  }
0x92: {  	[spmem:s2] =	stream.indirect.scatter.add.f32 [tilespmem:s17], [sflag:$0x3], $0x80, s29, s16, $0xb8;
	[tilespmem:$0x1E800] =	vst v63  }
0x93: {  	_ =	swait.ge [sflag:s14], $0x4000  }
0x94: {  	[sflag:s14] =	ssyncset.done $0x0  }
0x95: {  	s30 =	sadd.s32 $0x100, s25;
	[sflag:s14] =	ssyncadd.s32 $0xFFFFC000  }
0x96: {  	[tilespmem:s17], [sflag:$0x1] =	stream.indirect.gather [hbm4b:s4+s16], $0x80, s30, s16, $0xb8;
	[tilespmem:$0x1E800] =	vst v63  }
0x97: {  	_ =	swait.ge [sflag:s20], $0x4000  }
0x98: {  	[sflag:s20] =	ssyncset.done $0x0  }
0x99: {  	s31 =	sadd.s32 $0x1480, s25;
	[sflag:s20] =	ssyncadd.s32 $0xFFFFC000  }
0x9a: {  	[spmem:s2] =	stream.indirect.scatter.add.f32 [tilespmem:s18], [sflag:$0x3], $0x80, s31, s16, $0xb8;
	[tilespmem:$0x1E800] =	vst v63  }
0x9b: {  	_ =	swait.ge [sflag:s14], $0x4000  }
0x9c: {  	[sflag:s14] =	ssyncset.done $0x0  }
0x9d: {  	[sflag:s14] =	ssyncadd.s32 $0xFFFFC000  }
0x9e: {  	[tilespmem:s18], [sflag:$0x2] =	stream.indirect.gather [hbm4b:s4+s16], $0x80, s21, s16, $0xb8;
	[tilespmem:$0x1E800] =	vst v63  }
0x9f: {  	_ =	swait.ge [sflag:s19], $0x4000  }
0xa0: {  	[sflag:s19] =	ssyncset.done $0x0  }
0xa1: {  	[sflag:s19] =	ssyncadd.s32 $0xFFFFC000  }
0xa2: {  	[spmem:s2] =	stream.indirect.scatter.add.f32 [tilespmem:s17], [sflag:$0x3], $0x80, s22, s16, $0xb8;
	[tilespmem:$0x1E800] =	vst v63  }
0xa3: {  	_ =	swait.ge [sflag:s14], $0x4000  }
0xa4: {  	[sflag:s14] =	ssyncset.done $0x0  }
0xa5: {  	[sflag:s14] =	ssyncadd.s32 $0xFFFFC000  }
0xa6: {  	_ =	swait.ge [sflag:s20], $0x4000  }
0xa7: {  	[sflag:s20] =	ssyncset.done $0x0  }
0xa8: {  	[sflag:s20] =	ssyncadd.s32 $0xFFFFC000  }
0xa9: {  	[spmem:s2] =	stream.indirect.scatter.add.f32 [tilespmem:s18], [sflag:$0x3], $0x80, s23, s16, $0xb8;
	[tilespmem:$0x1E800] =	vst v63  }
0xaa: {  	_ =	swait.ge [sflag:s14], $0x4000  }
0xab: {  	s24 =	sadd.s32 $0x1, s24;
	[sflag:s14] =	ssyncset.done $0x0  }
0xac: {  	p0 =	sne.s32 s24, s12;
	[sflag:s14] =	ssyncadd.s32 $0xFFFFC000  }
.Ltmp2:
0xad: {  	[bflag:$0x0] =	sbarrier.arrive $0xFFFF;
	(pc) =	sbr.rel @p0 .LBB2_1-.Ltmp2, $4  }
0xae: {  	[hbm:s11], [sflag:s6] =	dma.local [spmem:s13], $0x2800  }
0xaf: {  	_ =	swait.ge [sflag:s14], $0x2800  }
0xb0: {  	[sflag:s14] =	ssyncset.done $0x0  }
0xb1: {  	[sflag:s14] =	ssyncadd.s32 $0xFFFFD800  }
0xb2: {  	_ =	sfence.sel $0x180000  }
0xb3: {  	[bflag:$0x0] =	sbarrier.arrive $0xFFFF  }
0xb4: {  	p0 =	sne.s32 s1, $0x0;
	_ =	strace $0x9000004D  }
0xb5: {  	s0 =	sadd.s32 @!p0 $0x100000, s0;
	[bflag:$0x2] =	sbarrier.arrive $0xFFFF  }
0xb6: {  	[sflag:s0] =	ssyncadd.tile.s32 @!p0 $0x1;
	_ =	shalt  }
.Lfunc_end2:
_tile_overlayer_lowered:
.L_overlay_start_2:
0xb7: {  	(tag) =	ssettag $0x2  }
0xb8: {  	s0 =	rddreg [dreg:$0x0];
	s2 =	stileid.u32  }
0xb9: {  	s1 =	rddreg [dreg:$0x1];
	p0 =	sne.s32 s2, $0x0  }
0xba: {  	s3 =	rddreg [dreg:$0x2];
	[bflag:$0x3] =	sbarrier.arrive $0xFFFF;
	s2 =	simm.s32 @!p0 $0x1C03  }
0xbb: {  	[timem:s3], [sflag:s2] =	dma.local @!p0 [hbm:s0], s1  }
0xbc: {  	s0 =	simm.s32 @!p0 $0x3  }
0xbd: {  	_ =	swait.ge @!p0 [sflag:s0], s1  }
0xbe: {  	s1 =	ssub.s32 @!p0 $0x0, s1;
	[sflag:s0] =	ssyncset.done @!p0 $0x0  }
0xbf: {  	[sflag:s0] =	ssyncadd.s32 @!p0 s1  }
0xc0: {  	[bflag:$0x3] =	sbarrier.arrive $0xFFFF  }
0xc1: {  	_ =	shalt  }

// kernel: kernel.19.cloned.1.call-start
scs
__scs_entry_jumppad:
0x0: {  	(pc) =	sbr.rel $0x88, $3  }
0x1: {  	(tag) =	ssettag $0x0;
	lr =	simm.s32 $0x1  }
0x2: {  	[smem:$0x3F91] =	sst lr;
	_ =	strace $0xD0000000  }
0x3: {  	_ = 	snop  }
0x4: {  	_ = 	snop  }
0x5: {  	_ = 	snop  }
0x6: {  	_ = 	snop  }
0x7: {  	_ = 	snop  }
__scs_overlays_trampoline_lowered:
0x8: {  	[smem:$0x3FA0] =	sst s0  }
0x9: {  	[smem:$0x3FA1] =	sst s1  }
0xa: {  	[smem:$0x3FA2] =	sst s2  }
0xb: {  	[smem:$0x3FA3] =	sst s3  }
0xc: {  	[smem:$0x3FA4] =	sst s4  }
0xd: {  	[smem:$0x3FA5] =	sst s5  }
0xe: {  	[smem:$0x3FA6] =	sst s6  }
0xf: {  	[smem:$0x3FA7] =	sst s7  }
0x10: {  	[smem:$0x3FA8] =	sst s8  }
0x11: {  	[smem:$0x3FA9] =	sst s9;
	s0 =	simm.s32 @!p0 $0x0  }
0x12: {  	s1 =	sld [smem:$0x3F8F];
	s0 =	simm.s32 @p0 $0x1  }
0x13: {  	[smem:$0x3FAA] =	sst s0;
	s0 =	simm.s32 @!p1 $0x0  }
0x14: {  	s2 =	sld [smem:$0x3F8E];
	s0 =	simm.s32 @p1 $0x1  }
0x15: {  	[smem:$0x3FAB] =	sst s0;
	s0 =	simm.s32 @!p2 $0x0  }
0x16: {  	s3 =	sld [smem:$0x3FDB];
	s0 =	simm.s32 @p2 $0x1  }
0x17: {  	s4 =	simm.s32 $0x1BF5;
	[smem:$0x3FAD] =	sst s0  }
0x18: {  	s0 =	sld [smem:$0x3F90];
	_ =	swait.ge [sflag:s4], $0x0  }
0x19: {  	s7 =	sld [smem:$0x3F91]  }
0x1a: {  	s8 =	sadd.s32 $0xFFFFE003, lr  }
0x1b: {  	s9 =	sadd.s32 $0xFFFFFEF7, lr;
	s5 =	simm.s32 $0xFFFFFFFF;
	p2 =	slt.u32 s8, $0xFFFFF086  }
0x1c: {  	p1 =	slt.u32 s9, $0xF7A;
	s5 =	simm.s32 @!p2 $0x0  }
0x1d: {  	s5 =	simm.s32 @p1 $0x1;
	p0 =	seq.s32 s7, s2  }
0x1e: {  	s7 =	smul.u32 @!p0 $0xF7A, s2;
	p2 =	seq.s32 @!p0 s5, $0x0  }
0x1f: {  	s9 =	smul.u32 $0xF7A, s1;
	s8 =	simm.s32 @!p0 $0x1BF5;
	p2 =	por !p2, p0  }
0x20: {  	[sflag:s8] =	ssyncset.s32 @!p0 $0xFFFFF086;
	s6 =	sadd.s32 @!p0 s3, s7;
	s7 =	simm.s32 @!p0 $0x108  }
0x21: {  	s3 =	sadd.s32 s3, s9;
	s6 =	sadd.s32 @!p0 $0x88, s6;
	s7 =	simm.s32 @p2 $0x1082  }
0x22: {  	[simem:s7], [sflag:s8] =	dma.local @!p0 [hbm:s6], $0xF7A  }
0x23: {  	s9 =	sor.u32 $0xD0000000, s2;
	s6 =	simm.s32 $0x108;
	_ =	swait.ge @!p0 [sflag:s8], $0x0  }
0x24: {  	s3 =	sadd.s32 $0x88, s3;
	s6 =	simm.s32 @!p1 $0x1082;
	[sflag:s4] =	ssyncset.s32 $0xFFFFF086  }
0x25: {  	[simem:s6], [sflag:s4] =	dma.local [hbm:s3], $0xF7A  }
0x26: {  	[smem:$0x3F91] =	sst s1;
	(tag) =	ssettag s2;
	_ =	strace s9  }
0x27: {  	s1 =	sld [smem:$0x3FA1]  }
0x28: {  	s2 =	sld [smem:$0x3FA2]  }
0x29: {  	s4 =	sld [smem:$0x3FA4]  }
0x2a: {  	p0 =	seq.s32 s5, $0x0;
	s5 =	sld [smem:$0x3FA5]  }
0x2b: {  	s6 =	sld [smem:$0x3FA6]  }
0x2c: {  	s7 =	sld [smem:$0x3FA7]  }
0x2d: {  	s3 =	simm.s32 $0x108;
	s8 =	sld [smem:$0x3FA8]  }
0x2e: {  	s3 =	simm.s32 @!p0 $0x1082;
	s9 =	sld [smem:$0x3FA9]  }
0x2f: {  	lr =	sadd.s32 s0, s3;
	s0 =	sld [smem:$0x3FA0]  }
0x30: {  	s3 =	sld [smem:$0x3FA3]  }
0x31: {  	[smem:$0x3FAC] =	sst s10  }
0x32: {  	s10 =	sld [smem:$0x3FAA];
	_ =	sdelay $0x3  }
0x33: {  	p0 =	seq.s32 s10, $0x1;
	s10 =	sld [smem:$0x3FAC];
	_ =	sdelay $0x3  }
0x34: {  	[smem:$0x3FAC] =	sst s10  }
0x35: {  	s10 =	sld [smem:$0x3FAB];
	_ =	sdelay $0x3  }
0x36: {  	p1 =	seq.s32 s10, $0x1;
	s10 =	sld [smem:$0x3FAC];
	_ =	sdelay $0x3  }
0x37: {  	[smem:$0x3FAC] =	sst s10  }
0x38: {  	s10 =	sld [smem:$0x3FAD]  }
0x39: {  	_ = 	snop;
	(pc) =	sbr.ind lr, $3  }
0x3a: {  	_ = 	snop  }
0x3b: {  	_ = 	snop  }
0x3c: {  	p2 =	seq.s32 s10, $0x1;
	s10 =	sld [smem:$0x3FAC]  }
0x3d: {  	_ =	shalt  }
0x3e: {  	_ =	shalt  }
0x3f: {  	_ =	shalt  }
0x40: {  	_ =	shalt  }
0x41: {  	_ =	shalt  }
0x42: {  	_ =	shalt  }
0x43: {  	_ =	shalt  }
0x44: {  	_ =	shalt  }
0x45: {  	_ =	shalt  }
0x46: {  	_ =	shalt  }
0x47: {  	_ =	shalt  }
0x48: {  	_ =	shalt  }
0x49: {  	_ =	shalt  }
0x4a: {  	_ =	shalt  }
0x4b: {  	_ =	shalt  }
0x4c: {  	_ =	shalt  }
0x4d: {  	_ =	shalt  }
0x4e: {  	_ =	shalt  }
0x4f: {  	_ =	shalt  }
0x50: {  	_ =	shalt  }
0x51: {  	_ =	shalt  }
0x52: {  	_ =	shalt  }
0x53: {  	_ =	shalt  }
0x54: {  	_ =	shalt  }
0x55: {  	_ =	shalt  }
0x56: {  	_ =	shalt  }
0x57: {  	_ =	shalt  }
0x58: {  	_ =	shalt  }
0x59: {  	_ =	shalt  }
0x5a: {  	_ =	shalt  }
0x5b: {  	_ =	shalt  }
0x5c: {  	_ =	shalt  }
0x5d: {  	_ =	shalt  }
0x5e: {  	_ =	shalt  }
0x5f: {  	_ =	shalt  }
0x60: {  	_ =	shalt  }
0x61: {  	_ =	shalt  }
0x62: {  	_ =	shalt  }
0x63: {  	_ =	shalt  }
0x64: {  	_ =	shalt  }
0x65: {  	_ =	shalt  }
0x66: {  	_ =	shalt  }
0x67: {  	_ =	shalt  }
0x68: {  	_ =	shalt  }
0x69: {  	_ =	shalt  }
0x6a: {  	_ =	shalt  }
0x6b: {  	_ =	shalt  }
0x6c: {  	_ =	shalt  }
0x6d: {  	_ =	shalt  }
0x6e: {  	_ =	shalt  }
0x6f: {  	_ =	shalt  }
0x70: {  	_ =	shalt  }
0x71: {  	_ =	shalt  }
0x72: {  	_ =	shalt  }
0x73: {  	_ =	shalt  }
0x74: {  	_ =	shalt  }
0x75: {  	_ =	shalt  }
0x76: {  	_ =	shalt  }
0x77: {  	_ =	shalt  }
0x78: {  	_ =	shalt  }
0x79: {  	_ =	shalt  }
0x7a: {  	_ =	shalt  }
0x7b: {  	_ =	shalt  }
0x7c: {  	_ =	shalt  }
0x7d: {  	_ =	shalt  }
0x7e: {  	_ =	shalt  }
0x7f: {  	_ =	shalt  }
0x80: {  	_ =	shalt  }
0x81: {  	_ =	shalt  }
0x82: {  	_ =	shalt  }
0x83: {  	_ =	shalt  }
0x84: {  	_ =	shalt  }
0x85: {  	_ =	shalt  }
0x86: {  	_ =	shalt  }
0x87: {  	_ =	shalt  }
.Lfunc_end0:
.L_simem_size_0:
called_computation.3_lowered:
.L_overlay_start_0:
0x88: {  	s2 =	sld [smem:$0x3FD9]  }
0x89: {  	s3 =	sld [smem:$0x3FFE];
	_ =	sdelay $0x1  }
0x8a: {  	s1 =	srdreg.scid  }
0x8b: {  	s0 =	sand.u32 $0x1, s1  }
0x8c: {  	s17 =	sshll.u32 s0, $0xA;
	s2 =	sadd.s32 s3, s2  }
0x8d: {  	s2 =	sadd.s32 s2, s17  }
0x8e: {  	[smem:$0x3FB8] =	sst s2  }
0x8f: {  	_ = 	snop  }
0x90: {  	s2 =	sld [smem:$0x3FD0];
	(tm) =	ssettm $0x1  }
0x91: {  	s18 =	sld [smem:$0x3FFB];
	_ =	sdelay $0x3  }
0x92: {  	_ =	strace s18  }
0x93: {  	s3 =	sld [smem:$0x3FFC];
	_ =	sdelay $0x3  }
0x94: {  	_ =	strace s3  }
0x95: {  	s3 =	sld [smem:$0x3FFD];
	_ =	sdelay $0x3  }
0x96: {  	_ =	strace s3  }
0x97: {  	_ =	strace $0x8FFFFFFF  }
0x98: {  	s19 =	sld [smem:$0x3FDB];
	_ =	sdelay $0x1  }
0x99: {  	s4 =	simm.s32 $_scs_section_size  }
0x9a: {  	s5 =	simm.s32 $_size__tile_overlayer_lowered;
	s6 =	simm.s32 $_tile_overlayer_lowered  }
0x9b: {  	s22 =	simm.s32 $0x1BFF;
	s21 =	sshll.u32 s6, $0x1;
	s3 =	sadd.s32 s4, s19  }
0x9c: {  	s7 =	simm.s32 $0x0;
	s20 =	sshll.u32 s5, $0x1;
	s5 =	sadd.s32 s21, s3  }
0x9d: {  	[timem:s7], [sflag:s22] =	dma.local [hbm:s5], s20  }
0x9e: {  	_ =	swait.ge [sflag:s22], s20  }
0x9f: {  	s4 =	ssub.s32 $0x0, s20;
	[sflag:s22] =	ssyncset.done $0x0  }
0xa0: {  	[sflag:s22] =	ssyncadd.s32 s4;
	_ =	sdelay $0x1  }
0xa1: {  	s23 =	simm.s32 $0x1B8B  }
0xa2: {  	_ =	swait.ge [sflag:s23], $0x1  }
0xa3: {  	[sflag:s23] =	ssyncset.done $0x0  }
0xa4: {  	s25 =	simm.s32 $0x1B8E;
	s24 =	sld [smem:$0x3FFE];
	[sflag:s23] =	ssyncadd.s32 $0xFFFFFFFF  }
0xa5: {  	s26 =	simm.s32 $execute0_lowered;
	[smem:$0x3FD2] =	sst s25  }
0xa6: {  	s5 =	sshll.u32 s26, $0x1;
	_ =	strace $0x8000004F;
	[dreg:$0x1] =	wrdreg $0xFFFFFFFF  }
0xa7: {  	s28 =	simm.s32 $_size_execute0_lowered;
	s3 =	sadd.s32 s3, s5;
	[dreg:$0x0] =	wrdreg $0x0  }
0xa8: {  	s5 =	sshll.u32 s28, $0x1;
	[dreg:$0x2] =	wrdreg s3  }
0xa9: {  	[dreg:$0x3] =	wrdreg s5  }
0xaa: {  	[dreg:$0x4] =	wrdreg $0xC0  }
0xab: {  	_ =	task [dreg:s7], $0x5FFFF  }
0xac: {  	[dreg:$0x1] =	wrdreg $0xFFFFFFFF  }
0xad: {  	[dreg:$0x0] =	wrdreg $0x60  }
0xae: {  	[dreg:$0x2] =	wrdreg s24  }
0xaf: {  	[dreg:$0x3] =	wrdreg s2  }
0xb0: {  	[dreg:$0x4] =	wrdreg $0xA8000  }
0xb1: {  	[dreg:$0x5] =	wrdreg $0x9  }
0xb2: {  	_ =	task.clear_ibuf [dreg:s7], $0x6FFFF;
	_ =	strace $0x9000004F  }
0xb3: {  	s29 =	simm.s32 $0x9;
	_ =	strace $0x80000051  }
0xb4: {  	_ =	swait.ge [sflag:s29], $0x1  }
0xb5: {  	[sflag:s29] =	ssyncadd.s32 $0xFFFFFFFF  }
0xb6: {  	_ =	strace $0x90000051  }
0xb7: {  	_ =	sfence  }
0xb8: {  	s30 =	sld [smem:$0x0];
	_ =	sdelay $0x2  }
0xb9: {  	s31 =	sshll.u32 s1, $0xD;
	s1 =	sshrl.u32 s1, $0x2  }
0xba: {  	s3 =	sand.u32 $0x4000, s31;
	s1 =	sadd.s32 s1, s30  }
0xbb: {  	s0 =	sor.u32 s3, s0;
	s1 =	sshll.u32 s1, $0x11  }
0xbc: {  	s0 =	sor.u32 s1, s0  }
0xbd: {  	s0 =	sadd.s32 $0x8F2B, s0  }
0xbe: {  	[sflag:s0] =	ssyncadd.remote.s32 $0x1  }
0xbf: {  	_ =	sfence.sel $0xFFFF  }
0xc0: {  	[dreg:$0x0] =	wrdreg $0xFFFFFFFF;
	(pc) =	sbr.abs _section_cstart, $3  }
0xc1: {  	[dreg:$0x1] =	wrdreg $0xFFFFFFFF  }
0xc2: {  	_ =	task.clear_ibuf [dreg:s7], $0x2FFFF;
	_ =	strace $0x9FFFFFFF  }
0xc3: {  	(tm) =	ssettm $0x7FFFFFFF  }
tec
execute0_lowered:
.L_overlay_start_1:
0x0: {  	(tag) =	ssettag $0x1  }
0x1: {  	s5 =	rddreg [dreg:$0x0]  }
0x2: {  	s9 =	rddreg [dreg:$0x1]  }
0x3: {  	s2 =	rddreg [dreg:$0x2]  }
0x4: {  	s0 =	rddreg [dreg:$0x3];
	s3 =	simm.s32 $0x0  }
0x5: {  	s1 =	stileid.u32;
	s4 =	srdreg.scid;
	s16 =	simm.s32 $0x80  }
0x6: {  	s17 =	simm.s32 $0x2800;
	s18 =	simm.s32 $0x6800;
	s19 =	simm.s32 $0x1  }
0x7: {  	s20 =	simm.s32 $0x2;
	s21 =	simm.s32 $0x1380;
	s22 =	simm.s32 $0x2700  }
0x8: {  	s23 =	simm.s32 $0x2780;
	s24 =	simm.s32 $0x0;
	[smem:$0x7FF] =	sst s3  }
0x9: {  	s6 =	smul.u32 $0x2800, s1;
	s7 =	sand.u32 $0x1, s4;
	s4 =	sadd.s32 $0xDE00, s5  }
0xa: {  	s10 =	sadd.s32 $0x3E00, s5;
	s12 =	sshll.u32 s1, $0x1;
	s13 =	smul.u32 $0x50000, s1  }
0xb: {  	s28 =	sshll.u32 s1, $0x6;
	_ =	strace $0x80000050;
	s8 =	smul.u32 $0x28000, s7  }
0xc: {  	s25 =	ssub.s32 $0x2, s7;
	s7 =	sor.u32 s7, s12;
	s11 =	sadd.s32 s6, s5  }
0xd: {  	s26 =	sshrl.u32 s25, $0x1;
	s13 =	sshrl.u32 s13, $0x2;
	s14 =	smul.u32 $0x2800, s7  }
0xe: {  	s29 =	smul.u32 $0x500, s7;
	s6 =	sadd.s32 s6, s8;
	s12 =	ssub.s32 s25, s26  }
0xf: {  	s13 =	sadd.s32 s13, s2;
	s15 =	sadd.s32 s6, s5;
	s30 =	sshrl.u32 s14, $0x3  }
0x10: {  	s5 =	sadd.s32 $0x35E00, s11;
	s6 =	sor.u32 $0x1C03, s28;
	s7 =	sadd.s32 s9, s29  }
0x11: {  	s8 =	sadd.s32 s10, s29;
	s12 =	smax.u32 s12, $0x1;
	s13 =	sshrl.u32 s13, $0x3  }
0x12: {  	s14 =	simm.s32 $0x3;
	s31 =	sadd.s32 $0x280, s30;
	s11 =	sadd.s32 $0x5DE00, s15  }
0x13: {  	s15 =	simm.s32 $0x1400;
	s9 =	sadd.s32 s9, s31;
	s10 =	sadd.s32 s10, s31  }
.LBB2_1:
0x14: {  	[spmem:s13], [sflag:s6] =	dma.local [hbm:s5], $0x2800  }
0x15: {  	_ =	swait.ge [sflag:s14], $0x2800  }
0x16: {  	[sflag:s14] =	ssyncset.done $0x0  }
0x17: {  	[sflag:s14] =	ssyncadd.s32 $0xFFFFD800  }
0x18: {  	[bflag:$0x0] =	sbarrier.arrive $0xFFFF  }
0x19: {  	[tilespmem:s3], [sflag:$0x3] =	stream.linear.gather [hbm4b:s7+s3], $0x1400, $0x38;
	[tilespmem:$0x1E800] =	vst v63  }
0x1a: {  	_ =	swait.ge [sflag:s14], $0x1400  }
0x1b: {  	[sflag:s14] =	ssyncset.done $0x0  }
0x1c: {  	[sflag:s14] =	ssyncadd.s32 $0xFFFFEC00  }
0x1d: {  	[tilespmem:s15], [sflag:$0x3] =	stream.linear.gather [hbm4b:s8+s3], $0x1400, $0x38;
	[tilespmem:$0x1E800] =	vst v63  }
0x1e: {  	_ =	swait.ge [sflag:s14], $0x1400  }
0x1f: {  	[sflag:s14] =	ssyncset.done $0x0  }
0x20: {  	[sflag:s14] =	ssyncadd.s32 $0xFFFFEC00  }
0x21: {  	[tilespmem:s17], [sflag:$0x1] =	stream.indirect.gather [hbm4b:s4+s16], $0x80, s3, s16, $0xb8;
	[tilespmem:$0x1E800] =	vst v63  }
0x22: {  	s25 =	simm.s32 $0x80  }
0x23: {  	[tilespmem:s18], [sflag:$0x2] =	stream.indirect.gather [hbm4b:s4+s16], $0x80, s25, s16, $0xb8;
	[tilespmem:$0x1E800] =	vst v63  }
0x24: {  	_ =	swait.ge [sflag:s19], $0x4000  }
0x25: {  	[sflag:s19] =	ssyncset.done $0x0  }
0x26: {  	s29 =	simm.s32 $0x1400;
	[sflag:s19] =	ssyncadd.s32 $0xFFFFC000  }
0x27: {  	[spmem:s2] =	stream.indirect.scatter.add.f32 [tilespmem:s17], [sflag:$0x3], $0x80, s29, s16, $0xb8;
	[tilespmem:$0x1E800] =	vst v63  }
0x28: {  	_ =	swait.ge [sflag:s14], $0x4000  }
0x29: {  	[sflag:s14] =	ssyncset.done $0x0  }
0x2a: {  	s30 =	simm.s32 $0x100;
	[sflag:s14] =	ssyncadd.s32 $0xFFFFC000  }
0x2b: {  	[tilespmem:s17], [sflag:$0x1] =	stream.indirect.gather [hbm4b:s4+s16], $0x80, s30, s16, $0xb8;
	[tilespmem:$0x1E800] =	vst v63  }
0x2c: {  	_ =	swait.ge [sflag:s20], $0x4000  }
0x2d: {  	[sflag:s20] =	ssyncset.done $0x0  }
0x2e: {  	s31 =	simm.s32 $0x1480;
	[sflag:s20] =	ssyncadd.s32 $0xFFFFC000  }
0x2f: {  	[spmem:s2] =	stream.indirect.scatter.add.f32 [tilespmem:s18], [sflag:$0x3], $0x80, s31, s16, $0xb8;
	[tilespmem:$0x1E800] =	vst v63  }
0x30: {  	_ =	swait.ge [sflag:s14], $0x4000  }
0x31: {  	s26 =	simm.s32 $0x800;
	s25 =	simm.s32 $0x100;
	[sflag:s14] =	ssyncset.done $0x0  }
.LBB2_2:
0x32: {  	s28 =	sadd.s32 $0x80, s25  }
0x33: {  	[sflag:s14] =	ssyncadd.s32 $0xFFFFC000;
	s29 =	smov.u32 s26;
	s30 =	sadd.s32 $0x400, s26  }
0x34: {  	[tilespmem:s18], [sflag:$0x2] =	stream.indirect.gather [hbm4b:s4+s16], $0x80, s28, s16, $0xb8;
	[tilespmem:$0x1E800] =	vst v63  }
0x35: {  	p0 =	sne.s32 s26, $0x4800;
	_ =	swait.ge [sflag:s19], $0x4000  }
0x36: {  	[sflag:s19] =	ssyncset.done $0x0  }
0x37: {  	s26 =	sadd.s32 $0x1400, s25;
	[sflag:s19] =	ssyncadd.s32 $0xFFFFC000  }
0x38: {  	[spmem:s2] =	stream.indirect.scatter.add.f32 [tilespmem:s17], [sflag:$0x3], $0x80, s26, s16, $0xb8;
	[tilespmem:$0x1E800] =	vst v63  }
0x39: {  	_ =	swait.ge [sflag:s14], $0x4000  }
0x3a: {  	[sflag:s14] =	ssyncset.done $0x0  }
0x3b: {  	s26 =	sadd.s32 $0x100, s25;
	[sflag:s14] =	ssyncadd.s32 $0xFFFFC000  }
0x3c: {  	[tilespmem:s17], [sflag:$0x1] =	stream.indirect.gather [hbm4b:s4+s16], $0x80, s26, s16, $0xb8;
	[tilespmem:$0x1E800] =	vst v63  }
0x3d: {  	_ =	swait.ge [sflag:s20], $0x4000  }
.Ltmp0:
0x3e: {  	[sflag:s20] =	ssyncset.done $0x0;
	(pc) =	sbr.rel @p0 .LBB2_2-.Ltmp0, $4  }
0x3f: {  	s25 =	sadd.s32 $0x1480, s25;
	[sflag:s20] =	ssyncadd.s32 $0xFFFFC000  }
0x40: {  	[spmem:s2] =	stream.indirect.scatter.add.f32 [tilespmem:s18], [sflag:$0x3], $0x80, s25, s16, $0xb8;
	[tilespmem:$0x1E800] =	vst v63  }
0x41: {  	_ =	swait.ge [sflag:s14], $0x4000  }
0x42: {  	s26 =	smov.u32 s30;
	s25 =	sshra.s32 s29, $0x2;
	[sflag:s14] =	ssyncset.done $0x0  }
0x43: {  	s26 =	sadd.s32 $0x80, s25;
	[sflag:s14] =	ssyncadd.s32 $0xFFFFC000  }
0x44: {  	[tilespmem:s18], [sflag:$0x2] =	stream.indirect.gather [hbm4b:s4+s16], $0x80, s26, s16, $0xb8;
	[tilespmem:$0x1E800] =	vst v63  }
0x45: {  	_ =	swait.ge [sflag:s19], $0x4000  }
0x46: {  	[sflag:s19] =	ssyncset.done $0x0  }
0x47: {  	s29 =	sadd.s32 $0x1400, s25;
	[sflag:s19] =	ssyncadd.s32 $0xFFFFC000  }
0x48: {  	[spmem:s2] =	stream.indirect.scatter.add.f32 [tilespmem:s17], [sflag:$0x3], $0x80, s29, s16, $0xb8;
	[tilespmem:$0x1E800] =	vst v63  }
0x49: {  	_ =	swait.ge [sflag:s14], $0x4000  }
0x4a: {  	[sflag:s14] =	ssyncset.done $0x0  }
0x4b: {  	s30 =	sadd.s32 $0x100, s25;
	[sflag:s14] =	ssyncadd.s32 $0xFFFFC000  }
0x4c: {  	[tilespmem:s17], [sflag:$0x1] =	stream.indirect.gather [hbm4b:s4+s16], $0x80, s30, s16, $0xb8;
	[tilespmem:$0x1E800] =	vst v63  }
0x4d: {  	_ =	swait.ge [sflag:s20], $0x4000  }
0x4e: {  	[sflag:s20] =	ssyncset.done $0x0  }
0x4f: {  	s31 =	sadd.s32 $0x1480, s25;
	[sflag:s20] =	ssyncadd.s32 $0xFFFFC000  }
0x50: {  	[spmem:s2] =	stream.indirect.scatter.add.f32 [tilespmem:s18], [sflag:$0x3], $0x80, s31, s16, $0xb8;
	[tilespmem:$0x1E800] =	vst v63  }
0x51: {  	_ =	swait.ge [sflag:s14], $0x4000  }
0x52: {  	[sflag:s14] =	ssyncset.done $0x0  }
0x53: {  	[sflag:s14] =	ssyncadd.s32 $0xFFFFC000  }
0x54: {  	[tilespmem:s18], [sflag:$0x2] =	stream.indirect.gather [hbm4b:s4+s16], $0x80, s21, s16, $0xb8;
	[tilespmem:$0x1E800] =	vst v63  }
0x55: {  	_ =	swait.ge [sflag:s19], $0x4000  }
0x56: {  	[sflag:s19] =	ssyncset.done $0x0  }
0x57: {  	[sflag:s19] =	ssyncadd.s32 $0xFFFFC000  }
0x58: {  	[spmem:s2] =	stream.indirect.scatter.add.f32 [tilespmem:s17], [sflag:$0x3], $0x80, s22, s16, $0xb8;
	[tilespmem:$0x1E800] =	vst v63  }
0x59: {  	_ =	swait.ge [sflag:s14], $0x4000  }
0x5a: {  	[sflag:s14] =	ssyncset.done $0x0  }
0x5b: {  	[sflag:s14] =	ssyncadd.s32 $0xFFFFC000  }
0x5c: {  	_ =	swait.ge [sflag:s20], $0x4000  }
0x5d: {  	[sflag:s20] =	ssyncset.done $0x0  }
0x5e: {  	[sflag:s20] =	ssyncadd.s32 $0xFFFFC000  }
0x5f: {  	[spmem:s2] =	stream.indirect.scatter.add.f32 [tilespmem:s18], [sflag:$0x3], $0x80, s23, s16, $0xb8;
	[tilespmem:$0x1E800] =	vst v63  }
0x60: {  	_ =	swait.ge [sflag:s14], $0x4000  }
0x61: {  	[sflag:s14] =	ssyncset.done $0x0  }
0x62: {  	s26 =	simm.s32 $0x0;
	[sflag:s14] =	ssyncadd.s32 $0xFFFFC000  }
0x63: {  	[tilespmem:s26], [sflag:$0x3] =	stream.linear.gather [hbm4b:s9+s26], $0x1400, $0x38;
	[tilespmem:$0x1E800] =	vst v63  }
0x64: {  	_ =	swait.ge [sflag:s14], $0x1400  }
0x65: {  	[sflag:s14] =	ssyncset.done $0x0  }
0x66: {  	[sflag:s14] =	ssyncadd.s32 $0xFFFFEC00  }
0x67: {  	[tilespmem:s15], [sflag:$0x3] =	stream.linear.gather [hbm4b:s10+s26], $0x1400, $0x38;
	[tilespmem:$0x1E800] =	vst v63  }
0x68: {  	_ =	swait.ge [sflag:s14], $0x1400  }
0x69: {  	[sflag:s14] =	ssyncset.done $0x0  }
0x6a: {  	[sflag:s14] =	ssyncadd.s32 $0xFFFFEC00  }
0x6b: {  	[tilespmem:s17], [sflag:$0x1] =	stream.indirect.gather [hbm4b:s4+s16], $0x80, s26, s16, $0xb8;
	[tilespmem:$0x1E800] =	vst v63  }
0x6c: {  	s28 =	simm.s32 $0x80  }
0x6d: {  	[tilespmem:s18], [sflag:$0x2] =	stream.indirect.gather [hbm4b:s4+s16], $0x80, s28, s16, $0xb8;
	[tilespmem:$0x1E800] =	vst v63  }
0x6e: {  	_ =	swait.ge [sflag:s19], $0x4000  }
0x6f: {  	[sflag:s19] =	ssyncset.done $0x0  }
0x70: {  	s29 =	simm.s32 $0x1400;
	[sflag:s19] =	ssyncadd.s32 $0xFFFFC000  }
0x71: {  	[spmem:s2] =	stream.indirect.scatter.add.f32 [tilespmem:s17], [sflag:$0x3], $0x80, s29, s16, $0xb8;
	[tilespmem:$0x1E800] =	vst v63  }
0x72: {  	_ =	swait.ge [sflag:s14], $0x4000  }
0x73: {  	[sflag:s14] =	ssyncset.done $0x0  }
0x74: {  	s30 =	simm.s32 $0x100;
	[sflag:s14] =	ssyncadd.s32 $0xFFFFC000  }
0x75: {  	[tilespmem:s17], [sflag:$0x1] =	stream.indirect.gather [hbm4b:s4+s16], $0x80, s30, s16, $0xb8;
	[tilespmem:$0x1E800] =	vst v63  }
0x76: {  	_ =	swait.ge [sflag:s20], $0x4000  }
0x77: {  	[sflag:s20] =	ssyncset.done $0x0  }
0x78: {  	s31 =	simm.s32 $0x1480;
	[sflag:s20] =	ssyncadd.s32 $0xFFFFC000  }
0x79: {  	[spmem:s2] =	stream.indirect.scatter.add.f32 [tilespmem:s18], [sflag:$0x3], $0x80, s31, s16, $0xb8;
	[tilespmem:$0x1E800] =	vst v63  }
0x7a: {  	_ =	swait.ge [sflag:s14], $0x4000  }
0x7b: {  	s25 =	simm.s32 $0x100;
	s26 =	simm.s32 $0x800;
	[sflag:s14] =	ssyncset.done $0x0  }
.LBB2_4:
0x7c: {  	s28 =	sadd.s32 $0x80, s25  }
0x7d: {  	[sflag:s14] =	ssyncadd.s32 $0xFFFFC000;
	s29 =	smov.u32 s26;
	s30 =	sadd.s32 $0x400, s26  }
0x7e: {  	[tilespmem:s18], [sflag:$0x2] =	stream.indirect.gather [hbm4b:s4+s16], $0x80, s28, s16, $0xb8;
	[tilespmem:$0x1E800] =	vst v63  }
0x7f: {  	p0 =	sne.s32 s26, $0x4800;
	_ =	swait.ge [sflag:s19], $0x4000  }
0x80: {  	[sflag:s19] =	ssyncset.done $0x0  }
0x81: {  	s26 =	sadd.s32 $0x1400, s25;
	[sflag:s19] =	ssyncadd.s32 $0xFFFFC000  }
0x82: {  	[spmem:s2] =	stream.indirect.scatter.add.f32 [tilespmem:s17], [sflag:$0x3], $0x80, s26, s16, $0xb8;
	[tilespmem:$0x1E800] =	vst v63  }
0x83: {  	_ =	swait.ge [sflag:s14], $0x4000  }
0x84: {  	[sflag:s14] =	ssyncset.done $0x0  }
0x85: {  	s26 =	sadd.s32 $0x100, s25;
	[sflag:s14] =	ssyncadd.s32 $0xFFFFC000  }
0x86: {  	[tilespmem:s17], [sflag:$0x1] =	stream.indirect.gather [hbm4b:s4+s16], $0x80, s26, s16, $0xb8;
	[tilespmem:$0x1E800] =	vst v63  }
0x87: {  	_ =	swait.ge [sflag:s20], $0x4000  }
.Ltmp1:
0x88: {  	[sflag:s20] =	ssyncset.done $0x0;
	(pc) =	sbr.rel @p0 .LBB2_4-.Ltmp1, $4  }
0x89: {  	s25 =	sadd.s32 $0x1480, s25;
	[sflag:s20] =	ssyncadd.s32 $0xFFFFC000  }
0x8a: {  	[spmem:s2] =	stream.indirect.scatter.add.f32 [tilespmem:s18], [sflag:$0x3], $0x80, s25, s16, $0xb8;
	[tilespmem:$0x1E800] =	vst v63  }
0x8b: {  	_ =	swait.ge [sflag:s14], $0x4000  }
0x8c: {  	s26 =	smov.u32 s30;
	s25 =	sshra.s32 s29, $0x2;
	[sflag:s14] =	ssyncset.done $0x0  }
0x8d: {  	s26 =	sadd.s32 $0x80, s25;
	[sflag:s14] =	ssyncadd.s32 $0xFFFFC000  }
0x8e: {  	[tilespmem:s18], [sflag:$0x2] =	stream.indirect.gather [hbm4b:s4+s16], $0x80, s26, s16, $0xb8;
	[tilespmem:$0x1E800] =	vst v63  }
0x8f: {  	_ =	swait.ge [sflag:s19], $0x4000  }
0x90: {  	[sflag:s19] =	ssyncset.done $0x0  }
0x91: {  	s29 =	sadd.s32 $0x1400, s25;
	[sflag:s19] =	ssyncadd.s32 $0xFFFFC000  }
0x92: {  	[spmem:s2] =	stream.indirect.scatter.add.f32 [tilespmem:s17], [sflag:$0x3], $0x80, s29, s16, $0xb8;
	[tilespmem:$0x1E800] =	vst v63  }
0x93: {  	_ =	swait.ge [sflag:s14], $0x4000  }
0x94: {  	[sflag:s14] =	ssyncset.done $0x0  }
0x95: {  	s30 =	sadd.s32 $0x100, s25;
	[sflag:s14] =	ssyncadd.s32 $0xFFFFC000  }
0x96: {  	[tilespmem:s17], [sflag:$0x1] =	stream.indirect.gather [hbm4b:s4+s16], $0x80, s30, s16, $0xb8;
	[tilespmem:$0x1E800] =	vst v63  }
0x97: {  	_ =	swait.ge [sflag:s20], $0x4000  }
0x98: {  	[sflag:s20] =	ssyncset.done $0x0  }
0x99: {  	s31 =	sadd.s32 $0x1480, s25;
	[sflag:s20] =	ssyncadd.s32 $0xFFFFC000  }
0x9a: {  	[spmem:s2] =	stream.indirect.scatter.add.f32 [tilespmem:s18], [sflag:$0x3], $0x80, s31, s16, $0xb8;
	[tilespmem:$0x1E800] =	vst v63  }
0x9b: {  	_ =	swait.ge [sflag:s14], $0x4000  }
0x9c: {  	[sflag:s14] =	ssyncset.done $0x0  }
0x9d: {  	[sflag:s14] =	ssyncadd.s32 $0xFFFFC000  }
0x9e: {  	[tilespmem:s18], [sflag:$0x2] =	stream.indirect.gather [hbm4b:s4+s16], $0x80, s21, s16, $0xb8;
	[tilespmem:$0x1E800] =	vst v63  }
0x9f: {  	_ =	swait.ge [sflag:s19], $0x4000  }
0xa0: {  	[sflag:s19] =	ssyncset.done $0x0  }
0xa1: {  	[sflag:s19] =	ssyncadd.s32 $0xFFFFC000  }
0xa2: {  	[spmem:s2] =	stream.indirect.scatter.add.f32 [tilespmem:s17], [sflag:$0x3], $0x80, s22, s16, $0xb8;
	[tilespmem:$0x1E800] =	vst v63  }
0xa3: {  	_ =	swait.ge [sflag:s14], $0x4000  }
0xa4: {  	[sflag:s14] =	ssyncset.done $0x0  }
0xa5: {  	[sflag:s14] =	ssyncadd.s32 $0xFFFFC000  }
0xa6: {  	_ =	swait.ge [sflag:s20], $0x4000  }
0xa7: {  	[sflag:s20] =	ssyncset.done $0x0  }
0xa8: {  	[sflag:s20] =	ssyncadd.s32 $0xFFFFC000  }
0xa9: {  	[spmem:s2] =	stream.indirect.scatter.add.f32 [tilespmem:s18], [sflag:$0x3], $0x80, s23, s16, $0xb8;
	[tilespmem:$0x1E800] =	vst v63  }
0xaa: {  	_ =	swait.ge [sflag:s14], $0x4000  }
0xab: {  	s24 =	sadd.s32 $0x1, s24;
	[sflag:s14] =	ssyncset.done $0x0  }
0xac: {  	p0 =	sne.s32 s24, s12;
	[sflag:s14] =	ssyncadd.s32 $0xFFFFC000  }
.Ltmp2:
0xad: {  	[bflag:$0x0] =	sbarrier.arrive $0xFFFF;
	(pc) =	sbr.rel @p0 .LBB2_1-.Ltmp2, $4  }
0xae: {  	[hbm:s11], [sflag:s6] =	dma.local [spmem:s13], $0x2800  }
0xaf: {  	_ =	swait.ge [sflag:s14], $0x2800  }
0xb0: {  	[sflag:s14] =	ssyncset.done $0x0  }
0xb1: {  	[sflag:s14] =	ssyncadd.s32 $0xFFFFD800  }
0xb2: {  	_ =	sfence.sel $0x180000  }
0xb3: {  	[bflag:$0x0] =	sbarrier.arrive $0xFFFF  }
0xb4: {  	p0 =	sne.s32 s1, $0x0;
	_ =	strace $0x90000050  }
0xb5: {  	s0 =	sadd.s32 @!p0 $0x100000, s0;
	[bflag:$0x2] =	sbarrier.arrive $0xFFFF  }
0xb6: {  	[sflag:s0] =	ssyncadd.tile.s32 @!p0 $0x1;
	_ =	shalt  }
.Lfunc_end2:
_tile_overlayer_lowered:
.L_overlay_start_2:
0xb7: {  	(tag) =	ssettag $0x2  }
0xb8: {  	s0 =	rddreg [dreg:$0x0];
	s2 =	stileid.u32  }
0xb9: {  	s1 =	rddreg [dreg:$0x1];
	p0 =	sne.s32 s2, $0x0  }
0xba: {  	s3 =	rddreg [dreg:$0x2];
	[bflag:$0x3] =	sbarrier.arrive $0xFFFF;
	s2 =	simm.s32 @!p0 $0x1C03  }
0xbb: {  	[timem:s3], [sflag:s2] =	dma.local @!p0 [hbm:s0], s1  }
0xbc: {  	s0 =	simm.s32 @!p0 $0x3  }
0xbd: {  	_ =	swait.ge @!p0 [sflag:s0], s1  }
0xbe: {  	s1 =	ssub.s32 @!p0 $0x0, s1;
	[sflag:s0] =	ssyncset.done @!p0 $0x0  }
0xbf: {  	[sflag:s0] =	ssyncadd.s32 @!p0 s1  }
0xc0: {  	[bflag:$0x3] =	sbarrier.arrive $0xFFFF  }
0xc1: {  	_ =	shalt  }

</sc_bundles>
